<compile_context>
chip_gen: v7x
topology: tpu7x:2x2x1
jax: 0.10.2.dev20260603
libtpu: 0.0.44.dev20260713+nightly
codegen_flags: <defaults>
</compile_context>

<pallas_src>
import functools

import jax
import jax.numpy as jnp
from jax import lax
from jax.experimental import pallas as pl
from jax.experimental.pallas import tpu as pltpu
from jax.experimental.pallas import tpu_sc as plsc

N = 10000
E = 320000
D = 128
BN_EPS = 1e-5

NC = 2
NS = 16
NW = NC * NS
EDGES_PER_WORKER = E // NW
CHUNK = 40
NCHUNKS = EDGES_PER_WORKER // CHUNK
N_PAD = 10240
ROWS_PER_SUB = N_PAD // NS

_mesh = plsc.VectorSubcoreMesh(core_axis_name="c", subcore_axis_name="s")

NBUF = 5
DEPTH = NBUF - 1
NGROUPS = NCHUNKS // NBUF


@functools.partial(
    pl.kernel,
    out_type=jax.ShapeDtypeStruct((NC, N_PAD, D), jnp.float32),
    mesh=_mesh,
    scratch_types=[
        pltpu.VMEM((EDGES_PER_WORKER + DEPTH * CHUNK,), jnp.int32),
        pltpu.VMEM((EDGES_PER_WORKER,), jnp.int32),
        pltpu.VMEM((NBUF, CHUNK, D), jnp.float32),
        pltpu.VMEM_SHARED((N_PAD, D), jnp.float32),
        pltpu.SemaphoreType.DMA,
        pltpu.SemaphoreType.DMA,
        pltpu.SemaphoreType.DMA,
    ],
)
def _sc_aggregate(x_hbm, src_hbm, dst_hbm, zeros_hbm, out_hbm,
                  src_v, dst_v, rows_v, agg_sh, isem, gsem, ssem):
    cid = lax.axis_index("c")
    sid = lax.axis_index("s")
    wid = sid * NC + cid
    ebase = wid * EDGES_PER_WORKER

    pltpu.async_copy(src_hbm.at[pl.ds(ebase, EDGES_PER_WORKER + DEPTH * CHUNK)],
                     src_v, isem)
    pltpu.async_copy(dst_hbm.at[pl.ds(ebase, EDGES_PER_WORKER)], dst_v, isem)

    def gather(j, b):
        pltpu.async_copy(x_hbm.at[src_v.at[pl.ds(j * CHUNK, CHUNK)]],
                         rows_v.at[b], gsem)

    def wait_gather(b):
        pltpu.make_async_copy(x_hbm.at[pl.ds(0, CHUNK)], rows_v.at[b],
                              gsem).wait()

    def scatter(j, b):
        pltpu.async_copy(rows_v.at[b],
                         agg_sh.at[dst_v.at[pl.ds(j * CHUNK, CHUNK)]], ssem,
                         add=True)

    def wait_scatter(b):
        pltpu.make_async_copy(x_hbm.at[pl.ds(0, CHUNK)], rows_v.at[b],
                              ssem).wait()

    pltpu.sync_copy(zeros_hbm, agg_sh.at[pl.ds(sid * ROWS_PER_SUB, ROWS_PER_SUB)])
    pltpu.make_async_copy(src_hbm.at[pl.ds(0, EDGES_PER_WORKER + DEPTH * CHUNK)],
                          src_v, isem).wait()

    for b in range(DEPTH):
        gather(b, b)
    pltpu.make_async_copy(dst_hbm.at[pl.ds(0, EDGES_PER_WORKER)], dst_v, isem).wait()
    plsc.subcore_barrier()

    for b in range(NBUF):
        wait_gather(b)
        scatter(b, b)
        if b > 0:
            wait_scatter(b)
        gather(b + DEPTH, (b + DEPTH) % NBUF)

    def body(g, carry):
        for b in range(NBUF):
            j = g * NBUF + b
            wait_gather(b)
            scatter(j, b)
            wait_scatter(b)
            gather(j + DEPTH, (b + DEPTH) % NBUF)
        return carry

    lax.fori_loop(1, NGROUPS, body, 0)
    for b in range(DEPTH):
        wait_gather(b)
    wait_scatter(0)
    plsc.subcore_barrier()

    pltpu.sync_copy(agg_sh.at[pl.ds(sid * ROWS_PER_SUB, ROWS_PER_SUB)],
                    out_hbm.at[cid, pl.ds(sid * ROWS_PER_SUB, ROWS_PER_SUB)])


def _dense_body(x_ref, p_ref, w1_ref, b1_ref, w2_ref, b2_ref, g_ref, be_ref,
                o_ref):
    h0 = x_ref[...] + p_ref[0, :N, :] + p_ref[1, :N, :]
    a = jnp.dot(h0, w1_ref[...], preferred_element_type=jnp.float32) + b1_ref[...]
    a = jnp.maximum(a, 0.0)
    h = jnp.dot(a, w2_ref[...], preferred_element_type=jnp.float32) + b2_ref[...]
    mean = jnp.mean(h, axis=0, keepdims=True)
    var = jnp.mean((h - mean) ** 2, axis=0, keepdims=True)
    o = (h - mean) * lax.rsqrt(var + BN_EPS) * g_ref[...] + be_ref[...]
    o_ref[...] = jnp.maximum(o, 0.0)


def _dense(x, p, w1, b1, w2, b2, g, be):
    return pl.pallas_call(
        _dense_body,
        out_shape=jax.ShapeDtypeStruct((N, D), jnp.float32),
    )(x, p, w1, b1.reshape(1, D), w2, b2.reshape(1, D),
      g.reshape(1, D), be.reshape(1, D))


def kernel(x, edge_index, W1_0, b1_0, W2_0, b2_0, g0, be0,
           W1_1, b1_1, W2_1, b2_1, g1, be1):
    src = jnp.concatenate(
        [edge_index[0].astype(jnp.int32),
         jnp.zeros((DEPTH * CHUNK,), jnp.int32)])
    dst = edge_index[1].astype(jnp.int32)
    zeros = jnp.zeros((ROWS_PER_SUB, D), jnp.float32)

    p = _sc_aggregate(x, src, dst, zeros)
    h = _dense(x, p, W1_0, b1_0, W2_0, b2_0, g0, be0)
    p = _sc_aggregate(h, src, dst, zeros)
    return _dense(h, p, W1_1, b1_1, W2_1, b2_1, g1, be1)

# --- scband reference (transcript-rebuilt; emitter-appended) ---
"""Pipeline reference for scband-ginencoder-48954037240335 (READ-ONLY COPY).

The authoritative reference and input builder live on the scoring server;
editing this copy changes nothing except your own understanding.
"""

import jax, jax.numpy as jnp
import numpy as np

N = 10000
E = 320000
D_IN = 128
D_H = 128
BN_EPS = 1e-5
GIN_EPS = 0.0


def setup_inputs(seed: int = 0) -> dict:
    key = jax.random.key(seed)
    ks = jax.random.split(key, 12)
    x = jax.random.normal(ks[0], (N, D_IN), dtype=jnp.float32)
    edge_index = jax.random.randint(ks[1], (2, E), 0, N, dtype=jnp.int64)
    s1 = 1.0 / np.sqrt(D_IN)
    s2 = 1.0 / np.sqrt(D_H)
    W1_0 = jax.random.uniform(ks[2], (D_IN, D_H), jnp.float32, -s1, s1)
    b1_0 = jax.random.uniform(ks[3], (D_H,), jnp.float32, -s1, s1)
    W2_0 = jax.random.uniform(ks[4], (D_H, D_H), jnp.float32, -s2, s2)
    b2_0 = jax.random.uniform(ks[5], (D_H,), jnp.float32, -s2, s2)
    W1_1 = jax.random.uniform(ks[6], (D_H, D_H), jnp.float32, -s2, s2)
    b1_1 = jax.random.uniform(ks[7], (D_H,), jnp.float32, -s2, s2)
    W2_1 = jax.random.uniform(ks[8], (D_H, D_H), jnp.float32, -s2, s2)
    b2_1 = jax.random.uniform(ks[9], (D_H,), jnp.float32, -s2, s2)
    g0 = jnp.ones((D_H,), jnp.float32)
    be0 = jnp.zeros((D_H,), jnp.float32)
    g1 = jnp.ones((D_H,), jnp.float32)
    be1 = jnp.zeros((D_H,), jnp.float32)
    return {"x": x, "edge_index": edge_index,
            "W1_0": W1_0, "b1_0": b1_0, "W2_0": W2_0, "b2_0": b2_0, "g0": g0, "be0": be0,
            "W1_1": W1_1, "b1_1": b1_1, "W2_1": W2_1, "b2_1": b2_1, "g1": g1, "be1": be1}


def _gin_conv(x, edge_index, W1, b1, W2, b2):
    src = edge_index[0]
    dst = edge_index[1]
    # sum-aggregate messages from neighbors (scatter-add)
    agg = jnp.zeros_like(x).at[dst].add(x[src])
    h = (1.0 + GIN_EPS) * x + agg
    h = jnp.maximum(h @ W1 + b1, 0.0)
    h = h @ W2 + b2
    return h


def _batch_norm(h, gamma, beta):
    mean = jnp.mean(h, axis=0)
    var = jnp.var(h, axis=0)
    return (h - mean) * jax.lax.rsqrt(var + BN_EPS) * gamma + beta


def reference(x, edge_index, W1_0, b1_0, W2_0, b2_0, g0, be0,
              W1_1, b1_1, W2_1, b2_1, g1, be1):
    h = _gin_conv(x, edge_index, W1_0, b1_0, W2_0, b2_0)
    h = _batch_norm(h, g0, be0)
    h = jnp.maximum(h, 0.0)
    h = _gin_conv(h, edge_index, W1_1, b1_1, W2_1, b2_1)
    h = _batch_norm(h, g1, be1)
    h = jnp.maximum(h, 0.0)
    return h

if __name__ == "__main__":
    import jax
    _d = setup_inputs()
    print(jax.jit(kernel)(*tuple(_d.values())))

</pallas_src>

<mosaic_0001>
#map = affine_map<(d0, d1) -> (0, 0)>
#map1 = affine_map<(d0, d1) -> (0)>
#map2 = affine_map<(d0, d1) -> (0, 0, 0)>
module attributes {stable_mosaic.version = 14 : i64} {
  func.func @_sc_aggregate(%arg0: i32, %arg1: i32, %arg2: memref<10000x128xf32, #tpu.memory_space<hbm>>, %arg3: memref<320160xi32, #tpu.memory_space<hbm>>, %arg4: memref<320000xi32, #tpu.memory_space<hbm>>, %arg5: memref<640x128xf32, #tpu.memory_space<hbm>>, %arg6: memref<2x10240x128xf32, #tpu.memory_space<hbm>>, %arg7: memref<10160xi32, #tpu.memory_space<vmem>>, %arg8: memref<10000xi32, #tpu.memory_space<vmem>>, %arg9: memref<5x40x128xf32, #tpu.memory_space<vmem>>, %arg10: memref<10240x128xf32, #tpu.memory_space<vmem_shared>>, %arg11: memref<!tpu.dma_semaphore, #tpu.memory_space<semaphore_mem>>, %arg12: memref<!tpu.dma_semaphore, #tpu.memory_space<semaphore_mem>>, %arg13: memref<!tpu.dma_semaphore, #tpu.memory_space<semaphore_mem>>) attributes {dimension_semantics = [#tpu.dimension_semantics<core_parallel>, #tpu.dimension_semantics<subcore_parallel>], iteration_bounds = array<i64: 2, 16>, scalar_prefetch = 0 : i64, scratch_operands = 7 : i64, tpu.core_type = #tpu.core_type<sc_vector_subcore>, window_params = [{transform_indices = #map}, {transform_indices = #map1}, {transform_indices = #map1}, {transform_indices = #map}, {transform_indices = #map2}]} {
    %mul3A = arith.constant 2 : i32
    %mul3A_0 = arith.muli %arg1, %mul3A : i32
    %add3A = arith.addi %mul3A_0, %arg0 : i32
    %mul3A_1 = arith.constant 10000 : i32
    %mul3A_2 = arith.muli %add3A, %mul3A_1 : i32
    %dma_start3A = tpu.memref_slice %arg3[%mul3A_2] : memref<320160xi32, #tpu.memory_space<hbm>> -> memref<10160xi32, #tpu.memory_space<hbm>>
    %dma_start3A_3 = tpu.memref_slice %arg3[%mul3A_2] : memref<320160xi32, #tpu.memory_space<hbm>> -> memref<10160xi32, #tpu.memory_space<hbm>>
    tpu.enqueue_dma source(%dma_start3A_3 : memref<10160xi32, #tpu.memory_space<hbm>>) target(%arg7 : memref<10160xi32, #tpu.memory_space<vmem>>) target_semaphore(%arg11 : memref<!tpu.dma_semaphore, #tpu.memory_space<semaphore_mem>>)
    %dma_start3A_4 = tpu.memref_slice %arg4[%mul3A_2] : memref<320000xi32, #tpu.memory_space<hbm>> -> memref<10000xi32, #tpu.memory_space<hbm>>
    %dma_start3A_5 = tpu.memref_slice %arg4[%mul3A_2] : memref<320000xi32, #tpu.memory_space<hbm>> -> memref<10000xi32, #tpu.memory_space<hbm>>
    tpu.enqueue_dma source(%dma_start3A_5 : memref<10000xi32, #tpu.memory_space<hbm>>) target(%arg8 : memref<10000xi32, #tpu.memory_space<vmem>>) target_semaphore(%arg11 : memref<!tpu.dma_semaphore, #tpu.memory_space<semaphore_mem>>)
    %mul3A_6 = arith.constant 640 : i32
    %mul3A_7 = arith.muli %arg1, %mul3A_6 : i32
    "tpu.region"() ({
      %run_scoped3A = tpu.sem_alloc : memref<!tpu.dma_semaphore, #tpu.memory_space<semaphore_mem>>
      %dma_start3A_375 = arith.constant 0 : i32
      %dma_start3A_376 = tpu.memref_slice %arg10[%mul3A_7, %dma_start3A_375] : memref<10240x128xf32, #tpu.memory_space<vmem_shared>> -> memref<640x128xf32, #tpu.memory_space<vmem_shared>>
      tpu.enqueue_dma source(%arg5 : memref<640x128xf32, #tpu.memory_space<hbm>>) target(%dma_start3A_376 : memref<640x128xf32, #tpu.memory_space<vmem_shared>>) target_semaphore(%run_scoped3A : memref<!tpu.dma_semaphore, #tpu.memory_space<semaphore_mem>>)
      %dma_wait3A_377 = arith.constant 0 : i32
      %dma_wait3A_378 = tpu.memref_slice %arg10[%mul3A_7, %dma_wait3A_377] : memref<10240x128xf32, #tpu.memory_space<vmem_shared>> -> memref<640x128xf32, #tpu.memory_space<vmem_shared>>
      tpu.wait_dma2 semaphore(%run_scoped3A : memref<!tpu.dma_semaphore, #tpu.memory_space<semaphore_mem>>) src(%arg5 : memref<640x128xf32, #tpu.memory_space<hbm>>) dst(%dma_wait3A_378 : memref<640x128xf32, #tpu.memory_space<vmem_shared>>)
      tpu.yield
    }) : () -> ()
    %dma_wait3A = arith.constant 0 : i32
    %dma_wait3A_8 = tpu.memref_slice %arg3[%dma_wait3A] : memref<320160xi32, #tpu.memory_space<hbm>> -> memref<10160xi32, #tpu.memory_space<hbm>>
    %dma_wait3A_9 = arith.constant 0 : i32
    %dma_wait3A_10 = tpu.memref_slice %arg3[%dma_wait3A_9] : memref<320160xi32, #tpu.memory_space<hbm>> -> memref<10160xi32, #tpu.memory_space<hbm>>
    tpu.wait_dma2 semaphore(%arg11 : memref<!tpu.dma_semaphore, #tpu.memory_space<semaphore_mem>>) src(%dma_wait3A_10 : memref<10160xi32, #tpu.memory_space<hbm>>) dst(%arg7 : memref<10160xi32, #tpu.memory_space<vmem>>)
    %dma_start3A_11 = arith.constant 0 : i32
    %dma_start3A_12 = arith.constant 0 : i32
    %dma_start3A_13 = arith.constant 0 : i32
    %dma_start3A_14 = tpu.memref_slice %arg9[%dma_start3A_11, %dma_start3A_12, %dma_start3A_13] : memref<5x40x128xf32, #tpu.memory_space<vmem>> -> memref<1x40x128xf32, #tpu.memory_space<vmem>>
    %dma_start3A_15 = tpu.memref_squeeze %dma_start3A_14 : memref<1x40x128xf32, #tpu.memory_space<vmem>> -> memref<40x128xf32, #tpu.memory_space<vmem>>
    %dma_start3A_16 = arith.constant 0 : i32
    %dma_start3A_17 = tpu.memref_slice %arg7[%dma_start3A_16] : memref<10160xi32, #tpu.memory_space<vmem>> -> memref<40xi32, #tpu.memory_space<vmem>>
    %dma_start3A_18 = arith.constant 0 : i32
    %dma_start3A_19 = arith.constant 0 : i32
    %dma_start3A_20 = tpu.memref_slice %arg2[%dma_start3A_18, %dma_start3A_19] : memref<10000x128xf32, #tpu.memory_space<hbm>> -> memref<10000x128xf32, #tpu.memory_space<hbm>>
    tpu.enqueue_indirect_dma source(%dma_start3A_20 : memref<10000x128xf32, #tpu.memory_space<hbm>>) target(%dma_start3A_15 : memref<40x128xf32, #tpu.memory_space<vmem>>) offsets(%dma_start3A_17 : memref<40xi32, #tpu.memory_space<vmem>>) semaphore(%arg12 : memref<!tpu.dma_semaphore, #tpu.memory_space<semaphore_mem>>)
    %dma_start3A_21 = arith.constant 1 : i32
    %dma_start3A_22 = arith.constant 0 : i32
    %dma_start3A_23 = arith.constant 0 : i32
    %dma_start3A_24 = tpu.memref_slice %arg9[%dma_start3A_21, %dma_start3A_22, %dma_start3A_23] : memref<5x40x128xf32, #tpu.memory_space<vmem>> -> memref<1x40x128xf32, #tpu.memory_space<vmem>>
    %dma_start3A_25 = tpu.memref_squeeze %dma_start3A_24 : memref<1x40x128xf32, #tpu.memory_space<vmem>> -> memref<40x128xf32, #tpu.memory_space<vmem>>
    %dma_start3A_26 = arith.constant 40 : i32
    %dma_start3A_27 = tpu.memref_slice %arg7[%dma_start3A_26] : memref<10160xi32, #tpu.memory_space<vmem>> -> memref<40xi32, #tpu.memory_space<vmem>>
    %dma_start3A_28 = arith.constant 0 : i32
    %dma_start3A_29 = arith.constant 0 : i32
    %dma_start3A_30 = tpu.memref_slice %arg2[%dma_start3A_28, %dma_start3A_29] : memref<10000x128xf32, #tpu.memory_space<hbm>> -> memref<10000x128xf32, #tpu.memory_space<hbm>>
    tpu.enqueue_indirect_dma source(%dma_start3A_30 : memref<10000x128xf32, #tpu.memory_space<hbm>>) target(%dma_start3A_25 : memref<40x128xf32, #tpu.memory_space<vmem>>) offsets(%dma_start3A_27 : memref<40xi32, #tpu.memory_space<vmem>>) semaphore(%arg12 : memref<!tpu.dma_semaphore, #tpu.memory_space<semaphore_mem>>)
    %dma_start3A_31 = arith.constant 2 : i32
    %dma_start3A_32 = arith.constant 0 : i32
    %dma_start3A_33 = arith.constant 0 : i32
    %dma_start3A_34 = tpu.memref_slice %arg9[%dma_start3A_31, %dma_start3A_32, %dma_start3A_33] : memref<5x40x128xf32, #tpu.memory_space<vmem>> -> memref<1x40x128xf32, #tpu.memory_space<vmem>>
    %dma_start3A_35 = tpu.memref_squeeze %dma_start3A_34 : memref<1x40x128xf32, #tpu.memory_space<vmem>> -> memref<40x128xf32, #tpu.memory_space<vmem>>
    %dma_start3A_36 = arith.constant 80 : i32
    %dma_start3A_37 = tpu.memref_slice %arg7[%dma_start3A_36] : memref<10160xi32, #tpu.memory_space<vmem>> -> memref<40xi32, #tpu.memory_space<vmem>>
    %dma_start3A_38 = arith.constant 0 : i32
    %dma_start3A_39 = arith.constant 0 : i32
    %dma_start3A_40 = tpu.memref_slice %arg2[%dma_start3A_38, %dma_start3A_39] : memref<10000x128xf32, #tpu.memory_space<hbm>> -> memref<10000x128xf32, #tpu.memory_space<hbm>>
    tpu.enqueue_indirect_dma source(%dma_start3A_40 : memref<10000x128xf32, #tpu.memory_space<hbm>>) target(%dma_start3A_35 : memref<40x128xf32, #tpu.memory_space<vmem>>) offsets(%dma_start3A_37 : memref<40xi32, #tpu.memory_space<vmem>>) semaphore(%arg12 : memref<!tpu.dma_semaphore, #tpu.memory_space<semaphore_mem>>)
    %dma_start3A_41 = arith.constant 3 : i32
    %dma_start3A_42 = arith.constant 0 : i32
    %dma_start3A_43 = arith.constant 0 : i32
    %dma_start3A_44 = tpu.memref_slice %arg9[%dma_start3A_41, %dma_start3A_42, %dma_start3A_43] : memref<5x40x128xf32, #tpu.memory_space<vmem>> -> memref<1x40x128xf32, #tpu.memory_space<vmem>>
    %dma_start3A_45 = tpu.memref_squeeze %dma_start3A_44 : memref<1x40x128xf32, #tpu.memory_space<vmem>> -> memref<40x128xf32, #tpu.memory_space<vmem>>
    %dma_start3A_46 = arith.constant 120 : i32
    %dma_start3A_47 = tpu.memref_slice %arg7[%dma_start3A_46] : memref<10160xi32, #tpu.memory_space<vmem>> -> memref<40xi32, #tpu.memory_space<vmem>>
    %dma_start3A_48 = arith.constant 0 : i32
    %dma_start3A_49 = arith.constant 0 : i32
    %dma_start3A_50 = tpu.memref_slice %arg2[%dma_start3A_48, %dma_start3A_49] : memref<10000x128xf32, #tpu.memory_space<hbm>> -> memref<10000x128xf32, #tpu.memory_space<hbm>>
    tpu.enqueue_indirect_dma source(%dma_start3A_50 : memref<10000x128xf32, #tpu.memory_space<hbm>>) target(%dma_start3A_45 : memref<40x128xf32, #tpu.memory_space<vmem>>) offsets(%dma_start3A_47 : memref<40xi32, #tpu.memory_space<vmem>>) semaphore(%arg12 : memref<!tpu.dma_semaphore, #tpu.memory_space<semaphore_mem>>)
    %dma_wait3A_51 = arith.constant 0 : i32
    %dma_wait3A_52 = tpu.memref_slice %arg4[%dma_wait3A_51] : memref<320000xi32, #tpu.memory_space<hbm>> -> memref<10000xi32, #tpu.memory_space<hbm>>
    %dma_wait3A_53 = arith.constant 0 : i32
    %dma_wait3A_54 = tpu.memref_slice %arg4[%dma_wait3A_53] : memref<320000xi32, #tpu.memory_space<hbm>> -> memref<10000xi32, #tpu.memory_space<hbm>>
    tpu.wait_dma2 semaphore(%arg11 : memref<!tpu.dma_semaphore, #tpu.memory_space<semaphore_mem>>) src(%dma_wait3A_54 : memref<10000xi32, #tpu.memory_space<hbm>>) dst(%arg8 : memref<10000xi32, #tpu.memory_space<vmem>>)
    %barrier3A = arith.constant 0 : index
    tpu.barrier barrier_id(%barrier3A)
    %dma_wait3A_55 = arith.constant 0 : i32
    %dma_wait3A_56 = arith.constant 0 : i32
    %dma_wait3A_57 = arith.constant 0 : i32
    %dma_wait3A_58 = tpu.memref_slice %arg9[%dma_wait3A_55, %dma_wait3A_56, %dma_wait3A_57] : memref<5x40x128xf32, #tpu.memory_space<vmem>> -> memref<1x40x128xf32, #tpu.memory_space<vmem>>
    %dma_wait3A_59 = tpu.memref_squeeze %dma_wait3A_58 : memref<1x40x128xf32, #tpu.memory_space<vmem>> -> memref<40x128xf32, #tpu.memory_space<vmem>>
    %dma_wait3A_60 = arith.constant 0 : i32
    %dma_wait3A_61 = arith.constant 0 : i32
    %dma_wait3A_62 = tpu.memref_slice %arg2[%dma_wait3A_60, %dma_wait3A_61] : memref<10000x128xf32, #tpu.memory_space<hbm>> -> memref<40x128xf32, #tpu.memory_space<hbm>>
    %dma_wait3A_63 = arith.constant 0 : i32
    %dma_wait3A_64 = arith.constant 0 : i32
    %dma_wait3A_65 = tpu.memref_slice %arg9[%dma_wait3A_55, %dma_wait3A_63, %dma_wait3A_64] : memref<5x40x128xf32, #tpu.memory_space<vmem>> -> memref<1x40x128xf32, #tpu.memory_space<vmem>>
    %dma_wait3A_66 = tpu.memref_squeeze %dma_wait3A_65 : memref<1x40x128xf32, #tpu.memory_space<vmem>> -> memref<40x128xf32, #tpu.memory_space<vmem>>
    %dma_wait3A_67 = arith.constant 0 : i32
    %dma_wait3A_68 = arith.constant 0 : i32
    %dma_wait3A_69 = tpu.memref_slice %arg2[%dma_wait3A_67, %dma_wait3A_68] : memref<10000x128xf32, #tpu.memory_space<hbm>> -> memref<40x128xf32, #tpu.memory_space<hbm>>
    tpu.wait_dma2 semaphore(%arg12 : memref<!tpu.dma_semaphore, #tpu.memory_space<semaphore_mem>>) src(%dma_wait3A_69 : memref<40x128xf32, #tpu.memory_space<hbm>>) dst(%dma_wait3A_66 : memref<40x128xf32, #tpu.memory_space<vmem>>)
    %dma_start3A_70 = arith.constant 0 : i32
    %dma_start3A_71 = arith.constant 0 : i32
    %dma_start3A_72 = arith.constant 0 : i32
    %dma_start3A_73 = tpu.memref_slice %arg9[%dma_start3A_70, %dma_start3A_71, %dma_start3A_72] : memref<5x40x128xf32, #tpu.memory_space<vmem>> -> memref<1x40x128xf32, #tpu.memory_space<vmem>>
    %dma_start3A_74 = tpu.memref_squeeze %dma_start3A_73 : memref<1x40x128xf32, #tpu.memory_space<vmem>> -> memref<40x128xf32, #tpu.memory_space<vmem>>
    %dma_start3A_75 = arith.constant 0 : i32
    %dma_start3A_76 = tpu.memref_slice %arg8[%dma_start3A_75] : memref<10000xi32, #tpu.memory_space<vmem>> -> memref<40xi32, #tpu.memory_space<vmem>>
    %dma_start3A_77 = arith.constant 0 : i32
    %dma_start3A_78 = arith.constant 0 : i32
    %dma_start3A_79 = tpu.memref_slice %arg10[%dma_start3A_77, %dma_start3A_78] : memref<10240x128xf32, #tpu.memory_space<vmem_shared>> -> memref<10240x128xf32, #tpu.memory_space<vmem_shared>>
    tpu.enqueue_indirect_dma source(%dma_start3A_74 : memref<40x128xf32, #tpu.memory_space<vmem>>) target(%dma_start3A_79 : memref<10240x128xf32, #tpu.memory_space<vmem_shared>>) offsets(%dma_start3A_76 : memref<40xi32, #tpu.memory_space<vmem>>) semaphore(%arg13 : memref<!tpu.dma_semaphore, #tpu.memory_space<semaphore_mem>>) {add = true}
    %dma_start3A_80 = arith.constant 4 : i32
    %dma_start3A_81 = arith.constant 0 : i32
    %dma_start3A_82 = arith.constant 0 : i32
    %dma_start3A_83 = tpu.memref_slice %arg9[%dma_start3A_80, %dma_start3A_81, %dma_start3A_82] : memref<5x40x128xf32, #tpu.memory_space<vmem>> -> memref<1x40x128xf32, #tpu.memory_space<vmem>>
    %dma_start3A_84 = tpu.memref_squeeze %dma_start3A_83 : memref<1x40x128xf32, #tpu.memory_space<vmem>> -> memref<40x128xf32, #tpu.memory_space<vmem>>
    %dma_start3A_85 = arith.constant 160 : i32
    %dma_start3A_86 = tpu.memref_slice %arg7[%dma_start3A_85] : memref<10160xi32, #tpu.memory_space<vmem>> -> memref<40xi32, #tpu.memory_space<vmem>>
    %dma_start3A_87 = arith.constant 0 : i32
    %dma_start3A_88 = arith.constant 0 : i32
    %dma_start3A_89 = tpu.memref_slice %arg2[%dma_start3A_87, %dma_start3A_88] : memref<10000x128xf32, #tpu.memory_space<hbm>> -> memref<10000x128xf32, #tpu.memory_space<hbm>>
    tpu.enqueue_indirect_dma source(%dma_start3A_89 : memref<10000x128xf32, #tpu.memory_space<hbm>>) target(%dma_start3A_84 : memref<40x128xf32, #tpu.memory_space<vmem>>) offsets(%dma_start3A_86 : memref<40xi32, #tpu.memory_space<vmem>>) semaphore(%arg12 : memref<!tpu.dma_semaphore, #tpu.memory_space<semaphore_mem>>)
    %dma_wait3A_90 = arith.constant 1 : i32
    %dma_wait3A_91 = arith.constant 0 : i32
    %dma_wait3A_92 = arith.constant 0 : i32
    %dma_wait3A_93 = tpu.memref_slice %arg9[%dma_wait3A_90, %dma_wait3A_91, %dma_wait3A_92] : memref<5x40x128xf32, #tpu.memory_space<vmem>> -> memref<1x40x128xf32, #tpu.memory_space<vmem>>
    %dma_wait3A_94 = tpu.memref_squeeze %dma_wait3A_93 : memref<1x40x128xf32, #tpu.memory_space<vmem>> -> memref<40x128xf32, #tpu.memory_space<vmem>>
    %dma_wait3A_95 = arith.constant 0 : i32
    %dma_wait3A_96 = arith.constant 0 : i32
    %dma_wait3A_97 = tpu.memref_slice %arg2[%dma_wait3A_95, %dma_wait3A_96] : memref<10000x128xf32, #tpu.memory_space<hbm>> -> memref<40x128xf32, #tpu.memory_space<hbm>>
    %dma_wait3A_98 = arith.constant 0 : i32
    %dma_wait3A_99 = arith.constant 0 : i32
    %dma_wait3A_100 = tpu.memref_slice %arg9[%dma_wait3A_90, %dma_wait3A_98, %dma_wait3A_99] : memref<5x40x128xf32, #tpu.memory_space<vmem>> -> memref<1x40x128xf32, #tpu.memory_space<vmem>>
    %dma_wait3A_101 = tpu.memref_squeeze %dma_wait3A_100 : memref<1x40x128xf32, #tpu.memory_space<vmem>> -> memref<40x128xf32, #tpu.memory_space<vmem>>
    %dma_wait3A_102 = arith.constant 0 : i32
    %dma_wait3A_103 = arith.constant 0 : i32
    %dma_wait3A_104 = tpu.memref_slice %arg2[%dma_wait3A_102, %dma_wait3A_103] : memref<10000x128xf32, #tpu.memory_space<hbm>> -> memref<40x128xf32, #tpu.memory_space<hbm>>
    tpu.wait_dma2 semaphore(%arg12 : memref<!tpu.dma_semaphore, #tpu.memory_space<semaphore_mem>>) src(%dma_wait3A_104 : memref<40x128xf32, #tpu.memory_space<hbm>>) dst(%dma_wait3A_101 : memref<40x128xf32, #tpu.memory_space<vmem>>)
    %dma_start3A_105 = arith.constant 1 : i32
    %dma_start3A_106 = arith.constant 0 : i32
    %dma_start3A_107 = arith.constant 0 : i32
    %dma_start3A_108 = tpu.memref_slice %arg9[%dma_start3A_105, %dma_start3A_106, %dma_start3A_107] : memref<5x40x128xf32, #tpu.memory_space<vmem>> -> memref<1x40x128xf32, #tpu.memory_space<vmem>>
    %dma_start3A_109 = tpu.memref_squeeze %dma_start3A_108 : memref<1x40x128xf32, #tpu.memory_space<vmem>> -> memref<40x128xf32, #tpu.memory_space<vmem>>
    %dma_start3A_110 = arith.constant 40 : i32
    %dma_start3A_111 = tpu.memref_slice %arg8[%dma_start3A_110] : memref<10000xi32, #tpu.memory_space<vmem>> -> memref<40xi32, #tpu.memory_space<vmem>>
    %dma_start3A_112 = arith.constant 0 : i32
    %dma_start3A_113 = arith.constant 0 : i32
    %dma_start3A_114 = tpu.memref_slice %arg10[%dma_start3A_112, %dma_start3A_113] : memref<10240x128xf32, #tpu.memory_space<vmem_shared>> -> memref<10240x128xf32, #tpu.memory_space<vmem_shared>>
    tpu.enqueue_indirect_dma source(%dma_start3A_109 : memref<40x128xf32, #tpu.memory_space<vmem>>) target(%dma_start3A_114 : memref<10240x128xf32, #tpu.memory_space<vmem_shared>>) offsets(%dma_start3A_111 : memref<40xi32, #tpu.memory_space<vmem>>) semaphore(%arg13 : memref<!tpu.dma_semaphore, #tpu.memory_space<semaphore_mem>>) {add = true}
    %dma_wait3A_115 = arith.constant 1 : i32
    %dma_wait3A_116 = arith.constant 0 : i32
    %dma_wait3A_117 = arith.constant 0 : i32
    %dma_wait3A_118 = tpu.memref_slice %arg9[%dma_wait3A_115, %dma_wait3A_116, %dma_wait3A_117] : memref<5x40x128xf32, #tpu.memory_space<vmem>> -> memref<1x40x128xf32, #tpu.memory_space<vmem>>
    %dma_wait3A_119 = tpu.memref_squeeze %dma_wait3A_118 : memref<1x40x128xf32, #tpu.memory_space<vmem>> -> memref<40x128xf32, #tpu.memory_space<vmem>>
    %dma_wait3A_120 = arith.constant 0 : i32
    %dma_wait3A_121 = arith.constant 0 : i32
    %dma_wait3A_122 = tpu.memref_slice %arg2[%dma_wait3A_120, %dma_wait3A_121] : memref<10000x128xf32, #tpu.memory_space<hbm>> -> memref<40x128xf32, #tpu.memory_space<hbm>>
    %dma_wait3A_123 = arith.constant 0 : i32
    %dma_wait3A_124 = arith.constant 0 : i32
    %dma_wait3A_125 = tpu.memref_slice %arg9[%dma_wait3A_115, %dma_wait3A_123, %dma_wait3A_124] : memref<5x40x128xf32, #tpu.memory_space<vmem>> -> memref<1x40x128xf32, #tpu.memory_space<vmem>>
    %dma_wait3A_126 = tpu.memref_squeeze %dma_wait3A_125 : memref<1x40x128xf32, #tpu.memory_space<vmem>> -> memref<40x128xf32, #tpu.memory_space<vmem>>
    %dma_wait3A_127 = arith.constant 0 : i32
    %dma_wait3A_128 = arith.constant 0 : i32
    %dma_wait3A_129 = tpu.memref_slice %arg2[%dma_wait3A_127, %dma_wait3A_128] : memref<10000x128xf32, #tpu.memory_space<hbm>> -> memref<40x128xf32, #tpu.memory_space<hbm>>
    tpu.wait_dma2 semaphore(%arg13 : memref<!tpu.dma_semaphore, #tpu.memory_space<semaphore_mem>>) src(%dma_wait3A_129 : memref<40x128xf32, #tpu.memory_space<hbm>>) dst(%dma_wait3A_126 : memref<40x128xf32, #tpu.memory_space<vmem>>)
    %dma_start3A_130 = arith.constant 0 : i32
    %dma_start3A_131 = arith.constant 0 : i32
    %dma_start3A_132 = arith.constant 0 : i32
    %dma_start3A_133 = tpu.memref_slice %arg9[%dma_start3A_130, %dma_start3A_131, %dma_start3A_132] : memref<5x40x128xf32, #tpu.memory_space<vmem>> -> memref<1x40x128xf32, #tpu.memory_space<vmem>>
    %dma_start3A_134 = tpu.memref_squeeze %dma_start3A_133 : memref<1x40x128xf32, #tpu.memory_space<vmem>> -> memref<40x128xf32, #tpu.memory_space<vmem>>
    %dma_start3A_135 = arith.constant 200 : i32
    %dma_start3A_136 = tpu.memref_slice %arg7[%dma_start3A_135] : memref<10160xi32, #tpu.memory_space<vmem>> -> memref<40xi32, #tpu.memory_space<vmem>>
    %dma_start3A_137 = arith.constant 0 : i32
    %dma_start3A_138 = arith.constant 0 : i32
    %dma_start3A_139 = tpu.memref_slice %arg2[%dma_start3A_137, %dma_start3A_138] : memref<10000x128xf32, #tpu.memory_space<hbm>> -> memref<10000x128xf32, #tpu.memory_space<hbm>>
    tpu.enqueue_indirect_dma source(%dma_start3A_139 : memref<10000x128xf32, #tpu.memory_space<hbm>>) target(%dma_start3A_134 : memref<40x128xf32, #tpu.memory_space<vmem>>) offsets(%dma_start3A_136 : memref<40xi32, #tpu.memory_space<vmem>>) semaphore(%arg12 : memref<!tpu.dma_semaphore, #tpu.memory_space<semaphore_mem>>)
    %dma_wait3A_140 = arith.constant 2 : i32
    %dma_wait3A_141 = arith.constant 0 : i32
    %dma_wait3A_142 = arith.constant 0 : i32
    %dma_wait3A_143 = tpu.memref_slice %arg9[%dma_wait3A_140, %dma_wait3A_141, %dma_wait3A_142] : memref<5x40x128xf32, #tpu.memory_space<vmem>> -> memref<1x40x128xf32, #tpu.memory_space<vmem>>
    %dma_wait3A_144 = tpu.memref_squeeze %dma_wait3A_143 : memref<1x40x128xf32, #tpu.memory_space<vmem>> -> memref<40x128xf32, #tpu.memory_space<vmem>>
    %dma_wait3A_145 = arith.constant 0 : i32
    %dma_wait3A_146 = arith.constant 0 : i32
    %dma_wait3A_147 = tpu.memref_slice %arg2[%dma_wait3A_145, %dma_wait3A_146] : memref<10000x128xf32, #tpu.memory_space<hbm>> -> memref<40x128xf32, #tpu.memory_space<hbm>>
    %dma_wait3A_148 = arith.constant 0 : i32
    %dma_wait3A_149 = arith.constant 0 : i32
    %dma_wait3A_150 = tpu.memref_slice %arg9[%dma_wait3A_140, %dma_wait3A_148, %dma_wait3A_149] : memref<5x40x128xf32, #tpu.memory_space<vmem>> -> memref<1x40x128xf32, #tpu.memory_space<vmem>>
    %dma_wait3A_151 = tpu.memref_squeeze %dma_wait3A_150 : memref<1x40x128xf32, #tpu.memory_space<vmem>> -> memref<40x128xf32, #tpu.memory_space<vmem>>
    %dma_wait3A_152 = arith.constant 0 : i32
    %dma_wait3A_153 = arith.constant 0 : i32
    %dma_wait3A_154 = tpu.memref_slice %arg2[%dma_wait3A_152, %dma_wait3A_153] : memref<10000x128xf32, #tpu.memory_space<hbm>> -> memref<40x128xf32, #tpu.memory_space<hbm>>
    tpu.wait_dma2 semaphore(%arg12 : memref<!tpu.dma_semaphore, #tpu.memory_space<semaphore_mem>>) src(%dma_wait3A_154 : memref<40x128xf32, #tpu.memory_space<hbm>>) dst(%dma_wait3A_151 : memref<40x128xf32, #tpu.memory_space<vmem>>)
    %dma_start3A_155 = arith.constant 2 : i32
    %dma_start3A_156 = arith.constant 0 : i32
    %dma_start3A_157 = arith.constant 0 : i32
    %dma_start3A_158 = tpu.memref_slice %arg9[%dma_start3A_155, %dma_start3A_156, %dma_start3A_157] : memref<5x40x128xf32, #tpu.memory_space<vmem>> -> memref<1x40x128xf32, #tpu.memory_space<vmem>>
    %dma_start3A_159 = tpu.memref_squeeze %dma_start3A_158 : memref<1x40x128xf32, #tpu.memory_space<vmem>> -> memref<40x128xf32, #tpu.memory_space<vmem>>
    %dma_start3A_160 = arith.constant 80 : i32
    %dma_start3A_161 = tpu.memref_slice %arg8[%dma_start3A_160] : memref<10000xi32, #tpu.memory_space<vmem>> -> memref<40xi32, #tpu.memory_space<vmem>>
    %dma_start3A_162 = arith.constant 0 : i32
    %dma_start3A_163 = arith.constant 0 : i32
    %dma_start3A_164 = tpu.memref_slice %arg10[%dma_start3A_162, %dma_start3A_163] : memref<10240x128xf32, #tpu.memory_space<vmem_shared>> -> memref<10240x128xf32, #tpu.memory_space<vmem_shared>>
    tpu.enqueue_indirect_dma source(%dma_start3A_159 : memref<40x128xf32, #tpu.memory_space<vmem>>) target(%dma_start3A_164 : memref<10240x128xf32, #tpu.memory_space<vmem_shared>>) offsets(%dma_start3A_161 : memref<40xi32, #tpu.memory_space<vmem>>) semaphore(%arg13 : memref<!tpu.dma_semaphore, #tpu.memory_space<semaphore_mem>>) {add = true}
    %dma_wait3A_165 = arith.constant 2 : i32
    %dma_wait3A_166 = arith.constant 0 : i32
    %dma_wait3A_167 = arith.constant 0 : i32
    %dma_wait3A_168 = tpu.memref_slice %arg9[%dma_wait3A_165, %dma_wait3A_166, %dma_wait3A_167] : memref<5x40x128xf32, #tpu.memory_space<vmem>> -> memref<1x40x128xf32, #tpu.memory_space<vmem>>
    %dma_wait3A_169 = tpu.memref_squeeze %dma_wait3A_168 : memref<1x40x128xf32, #tpu.memory_space<vmem>> -> memref<40x128xf32, #tpu.memory_space<vmem>>
    %dma_wait3A_170 = arith.constant 0 : i32
    %dma_wait3A_171 = arith.constant 0 : i32
    %dma_wait3A_172 = tpu.memref_slice %arg2[%dma_wait3A_170, %dma_wait3A_171] : memref<10000x128xf32, #tpu.memory_space<hbm>> -> memref<40x128xf32, #tpu.memory_space<hbm>>
    %dma_wait3A_173 = arith.constant 0 : i32
    %dma_wait3A_174 = arith.constant 0 : i32
    %dma_wait3A_175 = tpu.memref_slice %arg9[%dma_wait3A_165, %dma_wait3A_173, %dma_wait3A_174] : memref<5x40x128xf32, #tpu.memory_space<vmem>> -> memref<1x40x128xf32, #tpu.memory_space<vmem>>
    %dma_wait3A_176 = tpu.memref_squeeze %dma_wait3A_175 : memref<1x40x128xf32, #tpu.memory_space<vmem>> -> memref<40x128xf32, #tpu.memory_space<vmem>>
    %dma_wait3A_177 = arith.constant 0 : i32
    %dma_wait3A_178 = arith.constant 0 : i32
    %dma_wait3A_179 = tpu.memref_slice %arg2[%dma_wait3A_177, %dma_wait3A_178] : memref<10000x128xf32, #tpu.memory_space<hbm>> -> memref<40x128xf32, #tpu.memory_space<hbm>>
    tpu.wait_dma2 semaphore(%arg13 : memref<!tpu.dma_semaphore, #tpu.memory_space<semaphore_mem>>) src(%dma_wait3A_179 : memref<40x128xf32, #tpu.memory_space<hbm>>) dst(%dma_wait3A_176 : memref<40x128xf32, #tpu.memory_space<vmem>>)
    %dma_start3A_180 = arith.constant 1 : i32
    %dma_start3A_181 = arith.constant 0 : i32
    %dma_start3A_182 = arith.constant 0 : i32
    %dma_start3A_183 = tpu.memref_slice %arg9[%dma_start3A_180, %dma_start3A_181, %dma_start3A_182] : memref<5x40x128xf32, #tpu.memory_space<vmem>> -> memref<1x40x128xf32, #tpu.memory_space<vmem>>
    %dma_start3A_184 = tpu.memref_squeeze %dma_start3A_183 : memref<1x40x128xf32, #tpu.memory_space<vmem>> -> memref<40x128xf32, #tpu.memory_space<vmem>>
    %dma_start3A_185 = arith.constant 240 : i32
    %dma_start3A_186 = tpu.memref_slice %arg7[%dma_start3A_185] : memref<10160xi32, #tpu.memory_space<vmem>> -> memref<40xi32, #tpu.memory_space<vmem>>
    %dma_start3A_187 = arith.constant 0 : i32
    %dma_start3A_188 = arith.constant 0 : i32
    %dma_start3A_189 = tpu.memref_slice %arg2[%dma_start3A_187, %dma_start3A_188] : memref<10000x128xf32, #tpu.memory_space<hbm>> -> memref<10000x128xf32, #tpu.memory_space<hbm>>
    tpu.enqueue_indirect_dma source(%dma_start3A_189 : memref<10000x128xf32, #tpu.memory_space<hbm>>) target(%dma_start3A_184 : memref<40x128xf32, #tpu.memory_space<vmem>>) offsets(%dma_start3A_186 : memref<40xi32, #tpu.memory_space<vmem>>) semaphore(%arg12 : memref<!tpu.dma_semaphore, #tpu.memory_space<semaphore_mem>>)
    %dma_wait3A_190 = arith.constant 3 : i32
    %dma_wait3A_191 = arith.constant 0 : i32
    %dma_wait3A_192 = arith.constant 0 : i32
    %dma_wait3A_193 = tpu.memref_slice %arg9[%dma_wait3A_190, %dma_wait3A_191, %dma_wait3A_192] : memref<5x40x128xf32, #tpu.memory_space<vmem>> -> memref<1x40x128xf32, #tpu.memory_space<vmem>>
    %dma_wait3A_194 = tpu.memref_squeeze %dma_wait3A_193 : memref<1x40x128xf32, #tpu.memory_space<vmem>> -> memref<40x128xf32, #tpu.memory_space<vmem>>
    %dma_wait3A_195 = arith.constant 0 : i32
    %dma_wait3A_196 = arith.constant 0 : i32
    %dma_wait3A_197 = tpu.memref_slice %arg2[%dma_wait3A_195, %dma_wait3A_196] : memref<10000x128xf32, #tpu.memory_space<hbm>> -> memref<40x128xf32, #tpu.memory_space<hbm>>
    %dma_wait3A_198 = arith.constant 0 : i32
    %dma_wait3A_199 = arith.constant 0 : i32
    %dma_wait3A_200 = tpu.memref_slice %arg9[%dma_wait3A_190, %dma_wait3A_198, %dma_wait3A_199] : memref<5x40x128xf32, #tpu.memory_space<vmem>> -> memref<1x40x128xf32, #tpu.memory_space<vmem>>
    %dma_wait3A_201 = tpu.memref_squeeze %dma_wait3A_200 : memref<1x40x128xf32, #tpu.memory_space<vmem>> -> memref<40x128xf32, #tpu.memory_space<vmem>>
    %dma_wait3A_202 = arith.constant 0 : i32
    %dma_wait3A_203 = arith.constant 0 : i32
    %dma_wait3A_204 = tpu.memref_slice %arg2[%dma_wait3A_202, %dma_wait3A_203] : memref<10000x128xf32, #tpu.memory_space<hbm>> -> memref<40x128xf32, #tpu.memory_space<hbm>>
    tpu.wait_dma2 semaphore(%arg12 : memref<!tpu.dma_semaphore, #tpu.memory_space<semaphore_mem>>) src(%dma_wait3A_204 : memref<40x128xf32, #tpu.memory_space<hbm>>) dst(%dma_wait3A_201 : memref<40x128xf32, #tpu.memory_space<vmem>>)
    %dma_start3A_205 = arith.constant 3 : i32
    %dma_start3A_206 = arith.constant 0 : i32
    %dma_start3A_207 = arith.constant 0 : i32
    %dma_start3A_208 = tpu.memref_slice %arg9[%dma_start3A_205, %dma_start3A_206, %dma_start3A_207] : memref<5x40x128xf32, #tpu.memory_space<vmem>> -> memref<1x40x128xf32, #tpu.memory_space<vmem>>
    %dma_start3A_209 = tpu.memref_squeeze %dma_start3A_208 : memref<1x40x128xf32, #tpu.memory_space<vmem>> -> memref<40x128xf32, #tpu.memory_space<vmem>>
    %dma_start3A_210 = arith.constant 120 : i32
    %dma_start3A_211 = tpu.memref_slice %arg8[%dma_start3A_210] : memref<10000xi32, #tpu.memory_space<vmem>> -> memref<40xi32, #tpu.memory_space<vmem>>
    %dma_start3A_212 = arith.constant 0 : i32
    %dma_start3A_213 = arith.constant 0 : i32
    %dma_start3A_214 = tpu.memref_slice %arg10[%dma_start3A_212, %dma_start3A_213] : memref<10240x128xf32, #tpu.memory_space<vmem_shared>> -> memref<10240x128xf32, #tpu.memory_space<vmem_shared>>
    tpu.enqueue_indirect_dma source(%dma_start3A_209 : memref<40x128xf32, #tpu.memory_space<vmem>>) target(%dma_start3A_214 : memref<10240x128xf32, #tpu.memory_space<vmem_shared>>) offsets(%dma_start3A_211 : memref<40xi32, #tpu.memory_space<vmem>>) semaphore(%arg13 : memref<!tpu.dma_semaphore, #tpu.memory_space<semaphore_mem>>) {add = true}
    %dma_wait3A_215 = arith.constant 3 : i32
    %dma_wait3A_216 = arith.constant 0 : i32
    %dma_wait3A_217 = arith.constant 0 : i32
    %dma_wait3A_218 = tpu.memref_slice %arg9[%dma_wait3A_215, %dma_wait3A_216, %dma_wait3A_217] : memref<5x40x128xf32, #tpu.memory_space<vmem>> -> memref<1x40x128xf32, #tpu.memory_space<vmem>>
    %dma_wait3A_219 = tpu.memref_squeeze %dma_wait3A_218 : memref<1x40x128xf32, #tpu.memory_space<vmem>> -> memref<40x128xf32, #tpu.memory_space<vmem>>
    %dma_wait3A_220 = arith.constant 0 : i32
    %dma_wait3A_221 = arith.constant 0 : i32
    %dma_wait3A_222 = tpu.memref_slice %arg2[%dma_wait3A_220, %dma_wait3A_221] : memref<10000x128xf32, #tpu.memory_space<hbm>> -> memref<40x128xf32, #tpu.memory_space<hbm>>
    %dma_wait3A_223 = arith.constant 0 : i32
    %dma_wait3A_224 = arith.constant 0 : i32
    %dma_wait3A_225 = tpu.memref_slice %arg9[%dma_wait3A_215, %dma_wait3A_223, %dma_wait3A_224] : memref<5x40x128xf32, #tpu.memory_space<vmem>> -> memref<1x40x128xf32, #tpu.memory_space<vmem>>
    %dma_wait3A_226 = tpu.memref_squeeze %dma_wait3A_225 : memref<1x40x128xf32, #tpu.memory_space<vmem>> -> memref<40x128xf32, #tpu.memory_space<vmem>>
    %dma_wait3A_227 = arith.constant 0 : i32
    %dma_wait3A_228 = arith.constant 0 : i32
    %dma_wait3A_229 = tpu.memref_slice %arg2[%dma_wait3A_227, %dma_wait3A_228] : memref<10000x128xf32, #tpu.memory_space<hbm>> -> memref<40x128xf32, #tpu.memory_space<hbm>>
    tpu.wait_dma2 semaphore(%arg13 : memref<!tpu.dma_semaphore, #tpu.memory_space<semaphore_mem>>) src(%dma_wait3A_229 : memref<40x128xf32, #tpu.memory_space<hbm>>) dst(%dma_wait3A_226 : memref<40x128xf32, #tpu.memory_space<vmem>>)
    %dma_start3A_230 = arith.constant 2 : i32
    %dma_start3A_231 = arith.constant 0 : i32
    %dma_start3A_232 = arith.constant 0 : i32
    %dma_start3A_233 = tpu.memref_slice %arg9[%dma_start3A_230, %dma_start3A_231, %dma_start3A_232] : memref<5x40x128xf32, #tpu.memory_space<vmem>> -> memref<1x40x128xf32, #tpu.memory_space<vmem>>
    %dma_start3A_234 = tpu.memref_squeeze %dma_start3A_233 : memref<1x40x128xf32, #tpu.memory_space<vmem>> -> memref<40x128xf32, #tpu.memory_space<vmem>>
    %dma_start3A_235 = arith.constant 280 : i32
    %dma_start3A_236 = tpu.memref_slice %arg7[%dma_start3A_235] : memref<10160xi32, #tpu.memory_space<vmem>> -> memref<40xi32, #tpu.memory_space<vmem>>
    %dma_start3A_237 = arith.constant 0 : i32
    %dma_start3A_238 = arith.constant 0 : i32
    %dma_start3A_239 = tpu.memref_slice %arg2[%dma_start3A_237, %dma_start3A_238] : memref<10000x128xf32, #tpu.memory_space<hbm>> -> memref<10000x128xf32, #tpu.memory_space<hbm>>
    tpu.enqueue_indirect_dma source(%dma_start3A_239 : memref<10000x128xf32, #tpu.memory_space<hbm>>) target(%dma_start3A_234 : memref<40x128xf32, #tpu.memory_space<vmem>>) offsets(%dma_start3A_236 : memref<40xi32, #tpu.memory_space<vmem>>) semaphore(%arg12 : memref<!tpu.dma_semaphore, #tpu.memory_space<semaphore_mem>>)
    %dma_wait3A_240 = arith.constant 4 : i32
    %dma_wait3A_241 = arith.constant 0 : i32
    %dma_wait3A_242 = arith.constant 0 : i32
    %dma_wait3A_243 = tpu.memref_slice %arg9[%dma_wait3A_240, %dma_wait3A_241, %dma_wait3A_242] : memref<5x40x128xf32, #tpu.memory_space<vmem>> -> memref<1x40x128xf32, #tpu.memory_space<vmem>>
    %dma_wait3A_244 = tpu.memref_squeeze %dma_wait3A_243 : memref<1x40x128xf32, #tpu.memory_space<vmem>> -> memref<40x128xf32, #tpu.memory_space<vmem>>
    %dma_wait3A_245 = arith.constant 0 : i32
    %dma_wait3A_246 = arith.constant 0 : i32
    %dma_wait3A_247 = tpu.memref_slice %arg2[%dma_wait3A_245, %dma_wait3A_246] : memref<10000x128xf32, #tpu.memory_space<hbm>> -> memref<40x128xf32, #tpu.memory_space<hbm>>
    %dma_wait3A_248 = arith.constant 0 : i32
    %dma_wait3A_249 = arith.constant 0 : i32
    %dma_wait3A_250 = tpu.memref_slice %arg9[%dma_wait3A_240, %dma_wait3A_248, %dma_wait3A_249] : memref<5x40x128xf32, #tpu.memory_space<vmem>> -> memref<1x40x128xf32, #tpu.memory_space<vmem>>
    %dma_wait3A_251 = tpu.memref_squeeze %dma_wait3A_250 : memref<1x40x128xf32, #tpu.memory_space<vmem>> -> memref<40x128xf32, #tpu.memory_space<vmem>>
    %dma_wait3A_252 = arith.constant 0 : i32
    %dma_wait3A_253 = arith.constant 0 : i32
    %dma_wait3A_254 = tpu.memref_slice %arg2[%dma_wait3A_252, %dma_wait3A_253] : memref<10000x128xf32, #tpu.memory_space<hbm>> -> memref<40x128xf32, #tpu.memory_space<hbm>>
    tpu.wait_dma2 semaphore(%arg12 : memref<!tpu.dma_semaphore, #tpu.memory_space<semaphore_mem>>) src(%dma_wait3A_254 : memref<40x128xf32, #tpu.memory_space<hbm>>) dst(%dma_wait3A_251 : memref<40x128xf32, #tpu.memory_space<vmem>>)
    %dma_start3A_255 = arith.constant 4 : i32
    %dma_start3A_256 = arith.constant 0 : i32
    %dma_start3A_257 = arith.constant 0 : i32
    %dma_start3A_258 = tpu.memref_slice %arg9[%dma_start3A_255, %dma_start3A_256, %dma_start3A_257] : memref<5x40x128xf32, #tpu.memory_space<vmem>> -> memref<1x40x128xf32, #tpu.memory_space<vmem>>
    %dma_start3A_259 = tpu.memref_squeeze %dma_start3A_258 : memref<1x40x128xf32, #tpu.memory_space<vmem>> -> memref<40x128xf32, #tpu.memory_space<vmem>>
    %dma_start3A_260 = arith.constant 160 : i32
    %dma_start3A_261 = tpu.memref_slice %arg8[%dma_start3A_260] : memref<10000xi32, #tpu.memory_space<vmem>> -> memref<40xi32, #tpu.memory_space<vmem>>
    %dma_start3A_262 = arith.constant 0 : i32
    %dma_start3A_263 = arith.constant 0 : i32
    %dma_start3A_264 = tpu.memref_slice %arg10[%dma_start3A_262, %dma_start3A_263] : memref<10240x128xf32, #tpu.memory_space<vmem_shared>> -> memref<10240x128xf32, #tpu.memory_space<vmem_shared>>
    tpu.enqueue_indirect_dma source(%dma_start3A_259 : memref<40x128xf32, #tpu.memory_space<vmem>>) target(%dma_start3A_264 : memref<10240x128xf32, #tpu.memory_space<vmem_shared>>) offsets(%dma_start3A_261 : memref<40xi32, #tpu.memory_space<vmem>>) semaphore(%arg13 : memref<!tpu.dma_semaphore, #tpu.memory_space<semaphore_mem>>) {add = true}
    %dma_wait3A_265 = arith.constant 4 : i32
    %dma_wait3A_266 = arith.constant 0 : i32
    %dma_wait3A_267 = arith.constant 0 : i32
    %dma_wait3A_268 = tpu.memref_slice %arg9[%dma_wait3A_265, %dma_wait3A_266, %dma_wait3A_267] : memref<5x40x128xf32, #tpu.memory_space<vmem>> -> memref<1x40x128xf32, #tpu.memory_space<vmem>>
    %dma_wait3A_269 = tpu.memref_squeeze %dma_wait3A_268 : memref<1x40x128xf32, #tpu.memory_space<vmem>> -> memref<40x128xf32, #tpu.memory_space<vmem>>
    %dma_wait3A_270 = arith.constant 0 : i32
    %dma_wait3A_271 = arith.constant 0 : i32
    %dma_wait3A_272 = tpu.memref_slice %arg2[%dma_wait3A_270, %dma_wait3A_271] : memref<10000x128xf32, #tpu.memory_space<hbm>> -> memref<40x128xf32, #tpu.memory_space<hbm>>
    %dma_wait3A_273 = arith.constant 0 : i32
    %dma_wait3A_274 = arith.constant 0 : i32
    %dma_wait3A_275 = tpu.memref_slice %arg9[%dma_wait3A_265, %dma_wait3A_273, %dma_wait3A_274] : memref<5x40x128xf32, #tpu.memory_space<vmem>> -> memref<1x40x128xf32, #tpu.memory_space<vmem>>
    %dma_wait3A_276 = tpu.memref_squeeze %dma_wait3A_275 : memref<1x40x128xf32, #tpu.memory_space<vmem>> -> memref<40x128xf32, #tpu.memory_space<vmem>>
    %dma_wait3A_277 = arith.constant 0 : i32
    %dma_wait3A_278 = arith.constant 0 : i32
    %dma_wait3A_279 = tpu.memref_slice %arg2[%dma_wait3A_277, %dma_wait3A_278] : memref<10000x128xf32, #tpu.memory_space<hbm>> -> memref<40x128xf32, #tpu.memory_space<hbm>>
    tpu.wait_dma2 semaphore(%arg13 : memref<!tpu.dma_semaphore, #tpu.memory_space<semaphore_mem>>) src(%dma_wait3A_279 : memref<40x128xf32, #tpu.memory_space<hbm>>) dst(%dma_wait3A_276 : memref<40x128xf32, #tpu.memory_space<vmem>>)
    %dma_start3A_280 = arith.constant 3 : i32
    %dma_start3A_281 = arith.constant 0 : i32
    %dma_start3A_282 = arith.constant 0 : i32
    %dma_start3A_283 = tpu.memref_slice %arg9[%dma_start3A_280, %dma_start3A_281, %dma_start3A_282] : memref<5x40x128xf32, #tpu.memory_space<vmem>> -> memref<1x40x128xf32, #tpu.memory_space<vmem>>
    %dma_start3A_284 = tpu.memref_squeeze %dma_start3A_283 : memref<1x40x128xf32, #tpu.memory_space<vmem>> -> memref<40x128xf32, #tpu.memory_space<vmem>>
    %dma_start3A_285 = arith.constant 320 : i32
    %dma_start3A_286 = tpu.memref_slice %arg7[%dma_start3A_285] : memref<10160xi32, #tpu.memory_space<vmem>> -> memref<40xi32, #tpu.memory_space<vmem>>
    %dma_start3A_287 = arith.constant 0 : i32
    %dma_start3A_288 = arith.constant 0 : i32
    %dma_start3A_289 = tpu.memref_slice %arg2[%dma_start3A_287, %dma_start3A_288] : memref<10000x128xf32, #tpu.memory_space<hbm>> -> memref<10000x128xf32, #tpu.memory_space<hbm>>
    tpu.enqueue_indirect_dma source(%dma_start3A_289 : memref<10000x128xf32, #tpu.memory_space<hbm>>) target(%dma_start3A_284 : memref<40x128xf32, #tpu.memory_space<vmem>>) offsets(%dma_start3A_286 : memref<40xi32, #tpu.memory_space<vmem>>) semaphore(%arg12 : memref<!tpu.dma_semaphore, #tpu.memory_space<semaphore_mem>>)
    %scan3A = arith.constant 0 : i32
    %scan3A_290 = arith.constant 1 : i32
    %scan3A_291 = arith.constant 49 : i32
    %scan3A_292 = arith.addi %scan3A_290, %scan3A_291 : i32
    %scan3A_293 = arith.constant 1 : i32
    scf.for %scan3A_375 = %scan3A_290 to %scan3A_292 step %scan3A_293  : i32 {
      %mul3A_376 = arith.constant 5 : i32
      %mul3A_377 = arith.muli %scan3A_375, %mul3A_376 : i32
      %add3A_378 = arith.constant 0 : i32
      %add3A_379 = arith.addi %mul3A_377, %add3A_378 : i32
      %dma_wait3A_380 = arith.constant 0 : i32
      %dma_wait3A_381 = arith.constant 0 : i32
      %dma_wait3A_382 = arith.constant 0 : i32
      %dma_wait3A_383 = tpu.memref_slice %arg9[%dma_wait3A_380, %dma_wait3A_381, %dma_wait3A_382] : memref<5x40x128xf32, #tpu.memory_space<vmem>> -> memref<1x40x128xf32, #tpu.memory_space<vmem>>
      %dma_wait3A_384 = tpu.memref_squeeze %dma_wait3A_383 : memref<1x40x128xf32, #tpu.memory_space<vmem>> -> memref<40x128xf32, #tpu.memory_space<vmem>>
      %dma_wait3A_385 = arith.constant 0 : i32
      %dma_wait3A_386 = arith.constant 0 : i32
      %dma_wait3A_387 = tpu.memref_slice %arg2[%dma_wait3A_385, %dma_wait3A_386] : memref<10000x128xf32, #tpu.memory_space<hbm>> -> memref<40x128xf32, #tpu.memory_space<hbm>>
      %dma_wait3A_388 = arith.constant 0 : i32
      %dma_wait3A_389 = arith.constant 0 : i32
      %dma_wait3A_390 = tpu.memref_slice %arg9[%dma_wait3A_380, %dma_wait3A_388, %dma_wait3A_389] : memref<5x40x128xf32, #tpu.memory_space<vmem>> -> memref<1x40x128xf32, #tpu.memory_space<vmem>>
      %dma_wait3A_391 = tpu.memref_squeeze %dma_wait3A_390 : memref<1x40x128xf32, #tpu.memory_space<vmem>> -> memref<40x128xf32, #tpu.memory_space<vmem>>
      %dma_wait3A_392 = arith.constant 0 : i32
      %dma_wait3A_393 = arith.constant 0 : i32
      %dma_wait3A_394 = tpu.memref_slice %arg2[%dma_wait3A_392, %dma_wait3A_393] : memref<10000x128xf32, #tpu.memory_space<hbm>> -> memref<40x128xf32, #tpu.memory_space<hbm>>
      tpu.wait_dma2 semaphore(%arg12 : memref<!tpu.dma_semaphore, #tpu.memory_space<semaphore_mem>>) src(%dma_wait3A_394 : memref<40x128xf32, #tpu.memory_space<hbm>>) dst(%dma_wait3A_391 : memref<40x128xf32, #tpu.memory_space<vmem>>)
      %mul3A_395 = arith.constant 40 : i32
      %mul3A_396 = arith.muli %add3A_379, %mul3A_395 : i32
      %dma_start3A_397 = arith.constant 0 : i32
      %dma_start3A_398 = arith.constant 0 : i32
      %dma_start3A_399 = arith.constant 0 : i32
      %dma_start3A_400 = tpu.memref_slice %arg9[%dma_start3A_397, %dma_start3A_398, %dma_start3A_399] : memref<5x40x128xf32, #tpu.memory_space<vmem>> -> memref<1x40x128xf32, #tpu.memory_space<vmem>>
      %dma_start3A_401 = tpu.memref_squeeze %dma_start3A_400 : memref<1x40x128xf32, #tpu.memory_space<vmem>> -> memref<40x128xf32, #tpu.memory_space<vmem>>
      %dma_start3A_402 = tpu.memref_slice %arg8[%mul3A_396] : memref<10000xi32, #tpu.memory_space<vmem>> -> memref<40xi32, #tpu.memory_space<vmem>>
      %dma_start3A_403 = arith.constant 0 : i32
      %dma_start3A_404 = arith.constant 0 : i32
      %dma_start3A_405 = tpu.memref_slice %arg10[%dma_start3A_403, %dma_start3A_404] : memref<10240x128xf32, #tpu.memory_space<vmem_shared>> -> memref<10240x128xf32, #tpu.memory_space<vmem_shared>>
      tpu.enqueue_indirect_dma source(%dma_start3A_401 : memref<40x128xf32, #tpu.memory_space<vmem>>) target(%dma_start3A_405 : memref<10240x128xf32, #tpu.memory_space<vmem_shared>>) offsets(%dma_start3A_402 : memref<40xi32, #tpu.memory_space<vmem>>) semaphore(%arg13 : memref<!tpu.dma_semaphore, #tpu.memory_space<semaphore_mem>>) {add = true}
      %dma_wait3A_406 = arith.constant 0 : i32
      %dma_wait3A_407 = arith.constant 0 : i32
      %dma_wait3A_408 = arith.constant 0 : i32
      %dma_wait3A_409 = tpu.memref_slice %arg9[%dma_wait3A_406, %dma_wait3A_407, %dma_wait3A_408] : memref<5x40x128xf32, #tpu.memory_space<vmem>> -> memref<1x40x128xf32, #tpu.memory_space<vmem>>
      %dma_wait3A_410 = tpu.memref_squeeze %dma_wait3A_409 : memref<1x40x128xf32, #tpu.memory_space<vmem>> -> memref<40x128xf32, #tpu.memory_space<vmem>>
      %dma_wait3A_411 = arith.constant 0 : i32
      %dma_wait3A_412 = arith.constant 0 : i32
      %dma_wait3A_413 = tpu.memref_slice %arg2[%dma_wait3A_411, %dma_wait3A_412] : memref<10000x128xf32, #tpu.memory_space<hbm>> -> memref<40x128xf32, #tpu.memory_space<hbm>>
      %dma_wait3A_414 = arith.constant 0 : i32
      %dma_wait3A_415 = arith.constant 0 : i32
      %dma_wait3A_416 = tpu.memref_slice %arg9[%dma_wait3A_406, %dma_wait3A_414, %dma_wait3A_415] : memref<5x40x128xf32, #tpu.memory_space<vmem>> -> memref<1x40x128xf32, #tpu.memory_space<vmem>>
      %dma_wait3A_417 = tpu.memref_squeeze %dma_wait3A_416 : memref<1x40x128xf32, #tpu.memory_space<vmem>> -> memref<40x128xf32, #tpu.memory_space<vmem>>
      %dma_wait3A_418 = arith.constant 0 : i32
      %dma_wait3A_419 = arith.constant 0 : i32
      %dma_wait3A_420 = tpu.memref_slice %arg2[%dma_wait3A_418, %dma_wait3A_419] : memref<10000x128xf32, #tpu.memory_space<hbm>> -> memref<40x128xf32, #tpu.memory_space<hbm>>
      tpu.wait_dma2 semaphore(%arg13 : memref<!tpu.dma_semaphore, #tpu.memory_space<semaphore_mem>>) src(%dma_wait3A_420 : memref<40x128xf32, #tpu.memory_space<hbm>>) dst(%dma_wait3A_417 : memref<40x128xf32, #tpu.memory_space<vmem>>)
      %add3A_421 = arith.constant 4 : i32
      %add3A_422 = arith.addi %add3A_379, %add3A_421 : i32
      %mul3A_423 = arith.constant 40 : i32
      %mul3A_424 = arith.muli %add3A_422, %mul3A_423 : i32
      %dma_start3A_425 = arith.constant 4 : i32
      %dma_start3A_426 = arith.constant 0 : i32
      %dma_start3A_427 = arith.constant 0 : i32
      %dma_start3A_428 = tpu.memref_slice %arg9[%dma_start3A_425, %dma_start3A_426, %dma_start3A_427] : memref<5x40x128xf32, #tpu.memory_space<vmem>> -> memref<1x40x128xf32, #tpu.memory_space<vmem>>
      %dma_start3A_429 = tpu.memref_squeeze %dma_start3A_428 : memref<1x40x128xf32, #tpu.memory_space<vmem>> -> memref<40x128xf32, #tpu.memory_space<vmem>>
      %dma_start3A_430 = tpu.memref_slice %arg7[%mul3A_424] : memref<10160xi32, #tpu.memory_space<vmem>> -> memref<40xi32, #tpu.memory_space<vmem>>
      %dma_start3A_431 = arith.constant 0 : i32
      %dma_start3A_432 = arith.constant 0 : i32
      %dma_start3A_433 = tpu.memref_slice %arg2[%dma_start3A_431, %dma_start3A_432] : memref<10000x128xf32, #tpu.memory_space<hbm>> -> memref<10000x128xf32, #tpu.memory_space<hbm>>
      tpu.enqueue_indirect_dma source(%dma_start3A_433 : memref<10000x128xf32, #tpu.memory_space<hbm>>) target(%dma_start3A_429 : memref<40x128xf32, #tpu.memory_space<vmem>>) offsets(%dma_start3A_430 : memref<40xi32, #tpu.memory_space<vmem>>) semaphore(%arg12 : memref<!tpu.dma_semaphore, #tpu.memory_space<semaphore_mem>>)
      %mul3A_434 = arith.constant 5 : i32
      %mul3A_435 = arith.muli %scan3A_375, %mul3A_434 : i32
      %add3A_436 = arith.constant 1 : i32
      %add3A_437 = arith.addi %mul3A_435, %add3A_436 : i32
      %dma_wait3A_438 = arith.constant 1 : i32
      %dma_wait3A_439 = arith.constant 0 : i32
      %dma_wait3A_440 = arith.constant 0 : i32
      %dma_wait3A_441 = tpu.memref_slice %arg9[%dma_wait3A_438, %dma_wait3A_439, %dma_wait3A_440] : memref<5x40x128xf32, #tpu.memory_space<vmem>> -> memref<1x40x128xf32, #tpu.memory_space<vmem>>
      %dma_wait3A_442 = tpu.memref_squeeze %dma_wait3A_441 : memref<1x40x128xf32, #tpu.memory_space<vmem>> -> memref<40x128xf32, #tpu.memory_space<vmem>>
      %dma_wait3A_443 = arith.constant 0 : i32
      %dma_wait3A_444 = arith.constant 0 : i32
      %dma_wait3A_445 = tpu.memref_slice %arg2[%dma_wait3A_443, %dma_wait3A_444] : memref<10000x128xf32, #tpu.memory_space<hbm>> -> memref<40x128xf32, #tpu.memory_space<hbm>>
      %dma_wait3A_446 = arith.constant 0 : i32
      %dma_wait3A_447 = arith.constant 0 : i32
      %dma_wait3A_448 = tpu.memref_slice %arg9[%dma_wait3A_438, %dma_wait3A_446, %dma_wait3A_447] : memref<5x40x128xf32, #tpu.memory_space<vmem>> -> memref<1x40x128xf32, #tpu.memory_space<vmem>>
      %dma_wait3A_449 = tpu.memref_squeeze %dma_wait3A_448 : memref<1x40x128xf32, #tpu.memory_space<vmem>> -> memref<40x128xf32, #tpu.memory_space<vmem>>
      %dma_wait3A_450 = arith.constant 0 : i32
      %dma_wait3A_451 = arith.constant 0 : i32
      %dma_wait3A_452 = tpu.memref_slice %arg2[%dma_wait3A_450, %dma_wait3A_451] : memref<10000x128xf32, #tpu.memory_space<hbm>> -> memref<40x128xf32, #tpu.memory_space<hbm>>
      tpu.wait_dma2 semaphore(%arg12 : memref<!tpu.dma_semaphore, #tpu.memory_space<semaphore_mem>>) src(%dma_wait3A_452 : memref<40x128xf32, #tpu.memory_space<hbm>>) dst(%dma_wait3A_449 : memref<40x128xf32, #tpu.memory_space<vmem>>)
      %mul3A_453 = arith.constant 40 : i32
      %mul3A_454 = arith.muli %add3A_437, %mul3A_453 : i32
      %dma_start3A_455 = arith.constant 1 : i32
      %dma_start3A_456 = arith.constant 0 : i32
      %dma_start3A_457 = arith.constant 0 : i32
      %dma_start3A_458 = tpu.memref_slice %arg9[%dma_start3A_455, %dma_start3A_456, %dma_start3A_457] : memref<5x40x128xf32, #tpu.memory_space<vmem>> -> memref<1x40x128xf32, #tpu.memory_space<vmem>>
      %dma_start3A_459 = tpu.memref_squeeze %dma_start3A_458 : memref<1x40x128xf32, #tpu.memory_space<vmem>> -> memref<40x128xf32, #tpu.memory_space<vmem>>
      %dma_start3A_460 = tpu.memref_slice %arg8[%mul3A_454] : memref<10000xi32, #tpu.memory_space<vmem>> -> memref<40xi32, #tpu.memory_space<vmem>>
      %dma_start3A_461 = arith.constant 0 : i32
      %dma_start3A_462 = arith.constant 0 : i32
      %dma_start3A_463 = tpu.memref_slice %arg10[%dma_start3A_461, %dma_start3A_462] : memref<10240x128xf32, #tpu.memory_space<vmem_shared>> -> memref<10240x128xf32, #tpu.memory_space<vmem_shared>>
      tpu.enqueue_indirect_dma source(%dma_start3A_459 : memref<40x128xf32, #tpu.memory_space<vmem>>) target(%dma_start3A_463 : memref<10240x128xf32, #tpu.memory_space<vmem_shared>>) offsets(%dma_start3A_460 : memref<40xi32, #tpu.memory_space<vmem>>) semaphore(%arg13 : memref<!tpu.dma_semaphore, #tpu.memory_space<semaphore_mem>>) {add = true}
      %dma_wait3A_464 = arith.constant 1 : i32
      %dma_wait3A_465 = arith.constant 0 : i32
      %dma_wait3A_466 = arith.constant 0 : i32
      %dma_wait3A_467 = tpu.memref_slice %arg9[%dma_wait3A_464, %dma_wait3A_465, %dma_wait3A_466] : memref<5x40x128xf32, #tpu.memory_space<vmem>> -> memref<1x40x128xf32, #tpu.memory_space<vmem>>
      %dma_wait3A_468 = tpu.memref_squeeze %dma_wait3A_467 : memref<1x40x128xf32, #tpu.memory_space<vmem>> -> memref<40x128xf32, #tpu.memory_space<vmem>>
      %dma_wait3A_469 = arith.constant 0 : i32
      %dma_wait3A_470 = arith.constant 0 : i32
      %dma_wait3A_471 = tpu.memref_slice %arg2[%dma_wait3A_469, %dma_wait3A_470] : memref<10000x128xf32, #tpu.memory_space<hbm>> -> memref<40x128xf32, #tpu.memory_space<hbm>>
      %dma_wait3A_472 = arith.constant 0 : i32
      %dma_wait3A_473 = arith.constant 0 : i32
      %dma_wait3A_474 = tpu.memref_slice %arg9[%dma_wait3A_464, %dma_wait3A_472, %dma_wait3A_473] : memref<5x40x128xf32, #tpu.memory_space<vmem>> -> memref<1x40x128xf32, #tpu.memory_space<vmem>>
      %dma_wait3A_475 = tpu.memref_squeeze %dma_wait3A_474 : memref<1x40x128xf32, #tpu.memory_space<vmem>> -> memref<40x128xf32, #tpu.memory_space<vmem>>
      %dma_wait3A_476 = arith.constant 0 : i32
      %dma_wait3A_477 = arith.constant 0 : i32
      %dma_wait3A_478 = tpu.memref_slice %arg2[%dma_wait3A_476, %dma_wait3A_477] : memref<10000x128xf32, #tpu.memory_space<hbm>> -> memref<40x128xf32, #tpu.memory_space<hbm>>
      tpu.wait_dma2 semaphore(%arg13 : memref<!tpu.dma_semaphore, #tpu.memory_space<semaphore_mem>>) src(%dma_wait3A_478 : memref<40x128xf32, #tpu.memory_space<hbm>>) dst(%dma_wait3A_475 : memref<40x128xf32, #tpu.memory_space<vmem>>)
      %add3A_479 = arith.constant 4 : i32
      %add3A_480 = arith.addi %add3A_437, %add3A_479 : i32
      %mul3A_481 = arith.constant 40 : i32
      %mul3A_482 = arith.muli %add3A_480, %mul3A_481 : i32
      %dma_start3A_483 = arith.constant 0 : i32
      %dma_start3A_484 = arith.constant 0 : i32
      %dma_start3A_485 = arith.constant 0 : i32
      %dma_start3A_486 = tpu.memref_slice %arg9[%dma_start3A_483, %dma_start3A_484, %dma_start3A_485] : memref<5x40x128xf32, #tpu.memory_space<vmem>> -> memref<1x40x128xf32, #tpu.memory_space<vmem>>
      %dma_start3A_487 = tpu.memref_squeeze %dma_start3A_486 : memref<1x40x128xf32, #tpu.memory_space<vmem>> -> memref<40x128xf32, #tpu.memory_space<vmem>>
      %dma_start3A_488 = tpu.memref_slice %arg7[%mul3A_482] : memref<10160xi32, #tpu.memory_space<vmem>> -> memref<40xi32, #tpu.memory_space<vmem>>
      %dma_start3A_489 = arith.constant 0 : i32
      %dma_start3A_490 = arith.constant 0 : i32
      %dma_start3A_491 = tpu.memref_slice %arg2[%dma_start3A_489, %dma_start3A_490] : memref<10000x128xf32, #tpu.memory_space<hbm>> -> memref<10000x128xf32, #tpu.memory_space<hbm>>
      tpu.enqueue_indirect_dma source(%dma_start3A_491 : memref<10000x128xf32, #tpu.memory_space<hbm>>) target(%dma_start3A_487 : memref<40x128xf32, #tpu.memory_space<vmem>>) offsets(%dma_start3A_488 : memref<40xi32, #tpu.memory_space<vmem>>) semaphore(%arg12 : memref<!tpu.dma_semaphore, #tpu.memory_space<semaphore_mem>>)
      %mul3A_492 = arith.constant 5 : i32
      %mul3A_493 = arith.muli %scan3A_375, %mul3A_492 : i32
      %add3A_494 = arith.constant 2 : i32
      %add3A_495 = arith.addi %mul3A_493, %add3A_494 : i32
      %dma_wait3A_496 = arith.constant 2 : i32
      %dma_wait3A_497 = arith.constant 0 : i32
      %dma_wait3A_498 = arith.constant 0 : i32
      %dma_wait3A_499 = tpu.memref_slice %arg9[%dma_wait3A_496, %dma_wait3A_497, %dma_wait3A_498] : memref<5x40x128xf32, #tpu.memory_space<vmem>> -> memref<1x40x128xf32, #tpu.memory_space<vmem>>
      %dma_wait3A_500 = tpu.memref_squeeze %dma_wait3A_499 : memref<1x40x128xf32, #tpu.memory_space<vmem>> -> memref<40x128xf32, #tpu.memory_space<vmem>>
      %dma_wait3A_501 = arith.constant 0 : i32
      %dma_wait3A_502 = arith.constant 0 : i32
      %dma_wait3A_503 = tpu.memref_slice %arg2[%dma_wait3A_501, %dma_wait3A_502] : memref<10000x128xf32, #tpu.memory_space<hbm>> -> memref<40x128xf32, #tpu.memory_space<hbm>>
      %dma_wait3A_504 = arith.constant 0 : i32
      %dma_wait3A_505 = arith.constant 0 : i32
      %dma_wait3A_506 = tpu.memref_slice %arg9[%dma_wait3A_496, %dma_wait3A_504, %dma_wait3A_505] : memref<5x40x128xf32, #tpu.memory_space<vmem>> -> memref<1x40x128xf32, #tpu.memory_space<vmem>>
      %dma_wait3A_507 = tpu.memref_squeeze %dma_wait3A_506 : memref<1x40x128xf32, #tpu.memory_space<vmem>> -> memref<40x128xf32, #tpu.memory_space<vmem>>
      %dma_wait3A_508 = arith.constant 0 : i32
      %dma_wait3A_509 = arith.constant 0 : i32
      %dma_wait3A_510 = tpu.memref_slice %arg2[%dma_wait3A_508, %dma_wait3A_509] : memref<10000x128xf32, #tpu.memory_space<hbm>> -> memref<40x128xf32, #tpu.memory_space<hbm>>
      tpu.wait_dma2 semaphore(%arg12 : memref<!tpu.dma_semaphore, #tpu.memory_space<semaphore_mem>>) src(%dma_wait3A_510 : memref<40x128xf32, #tpu.memory_space<hbm>>) dst(%dma_wait3A_507 : memref<40x128xf32, #tpu.memory_space<vmem>>)
      %mul3A_511 = arith.constant 40 : i32
      %mul3A_512 = arith.muli %add3A_495, %mul3A_511 : i32
      %dma_start3A_513 = arith.constant 2 : i32
      %dma_start3A_514 = arith.constant 0 : i32
      %dma_start3A_515 = arith.constant 0 : i32
      %dma_start3A_516 = tpu.memref_slice %arg9[%dma_start3A_513, %dma_start3A_514, %dma_start3A_515] : memref<5x40x128xf32, #tpu.memory_space<vmem>> -> memref<1x40x128xf32, #tpu.memory_space<vmem>>
      %dma_start3A_517 = tpu.memref_squeeze %dma_start3A_516 : memref<1x40x128xf32, #tpu.memory_space<vmem>> -> memref<40x128xf32, #tpu.memory_space<vmem>>
      %dma_start3A_518 = tpu.memref_slice %arg8[%mul3A_512] : memref<10000xi32, #tpu.memory_space<vmem>> -> memref<40xi32, #tpu.memory_space<vmem>>
      %dma_start3A_519 = arith.constant 0 : i32
      %dma_start3A_520 = arith.constant 0 : i32
      %dma_start3A_521 = tpu.memref_slice %arg10[%dma_start3A_519, %dma_start3A_520] : memref<10240x128xf32, #tpu.memory_space<vmem_shared>> -> memref<10240x128xf32, #tpu.memory_space<vmem_shared>>
      tpu.enqueue_indirect_dma source(%dma_start3A_517 : memref<40x128xf32, #tpu.memory_space<vmem>>) target(%dma_start3A_521 : memref<10240x128xf32, #tpu.memory_space<vmem_shared>>) offsets(%dma_start3A_518 : memref<40xi32, #tpu.memory_space<vmem>>) semaphore(%arg13 : memref<!tpu.dma_semaphore, #tpu.memory_space<semaphore_mem>>) {add = true}
      %dma_wait3A_522 = arith.constant 2 : i32
      %dma_wait3A_523 = arith.constant 0 : i32
      %dma_wait3A_524 = arith.constant 0 : i32
      %dma_wait3A_525 = tpu.memref_slice %arg9[%dma_wait3A_522, %dma_wait3A_523, %dma_wait3A_524] : memref<5x40x128xf32, #tpu.memory_space<vmem>> -> memref<1x40x128xf32, #tpu.memory_space<vmem>>
      %dma_wait3A_526 = tpu.memref_squeeze %dma_wait3A_525 : memref<1x40x128xf32, #tpu.memory_space<vmem>> -> memref<40x128xf32, #tpu.memory_space<vmem>>
      %dma_wait3A_527 = arith.constant 0 : i32
      %dma_wait3A_528 = arith.constant 0 : i32
      %dma_wait3A_529 = tpu.memref_slice %arg2[%dma_wait3A_527, %dma_wait3A_528] : memref<10000x128xf32, #tpu.memory_space<hbm>> -> memref<40x128xf32, #tpu.memory_space<hbm>>
      %dma_wait3A_530 = arith.constant 0 : i32
      %dma_wait3A_531 = arith.constant 0 : i32
      %dma_wait3A_532 = tpu.memref_slice %arg9[%dma_wait3A_522, %dma_wait3A_530, %dma_wait3A_531] : memref<5x40x128xf32, #tpu.memory_space<vmem>> -> memref<1x40x128xf32, #tpu.memory_space<vmem>>
      %dma_wait3A_533 = tpu.memref_squeeze %dma_wait3A_532 : memref<1x40x128xf32, #tpu.memory_space<vmem>> -> memref<40x128xf32, #tpu.memory_space<vmem>>
      %dma_wait3A_534 = arith.constant 0 : i32
      %dma_wait3A_535 = arith.constant 0 : i32
      %dma_wait3A_536 = tpu.memref_slice %arg2[%dma_wait3A_534, %dma_wait3A_535] : memref<10000x128xf32, #tpu.memory_space<hbm>> -> memref<40x128xf32, #tpu.memory_space<hbm>>
      tpu.wait_dma2 semaphore(%arg13 : memref<!tpu.dma_semaphore, #tpu.memory_space<semaphore_mem>>) src(%dma_wait3A_536 : memref<40x128xf32, #tpu.memory_space<hbm>>) dst(%dma_wait3A_533 : memref<40x128xf32, #tpu.memory_space<vmem>>)
      %add3A_537 = arith.constant 4 : i32
      %add3A_538 = arith.addi %add3A_495, %add3A_537 : i32
      %mul3A_539 = arith.constant 40 : i32
      %mul3A_540 = arith.muli %add3A_538, %mul3A_539 : i32
      %dma_start3A_541 = arith.constant 1 : i32
      %dma_start3A_542 = arith.constant 0 : i32
      %dma_start3A_543 = arith.constant 0 : i32
      %dma_start3A_544 = tpu.memref_slice %arg9[%dma_start3A_541, %dma_start3A_542, %dma_start3A_543] : memref<5x40x128xf32, #tpu.memory_space<vmem>> -> memref<1x40x128xf32, #tpu.memory_space<vmem>>
      %dma_start3A_545 = tpu.memref_squeeze %dma_start3A_544 : memref<1x40x128xf32, #tpu.memory_space<vmem>> -> memref<40x128xf32, #tpu.memory_space<vmem>>
      %dma_start3A_546 = tpu.memref_slice %arg7[%mul3A_540] : memref<10160xi32, #tpu.memory_space<vmem>> -> memref<40xi32, #tpu.memory_space<vmem>>
      %dma_start3A_547 = arith.constant 0 : i32
      %dma_start3A_548 = arith.constant 0 : i32
      %dma_start3A_549 = tpu.memref_slice %arg2[%dma_start3A_547, %dma_start3A_548] : memref<10000x128xf32, #tpu.memory_space<hbm>> -> memref<10000x128xf32, #tpu.memory_space<hbm>>
      tpu.enqueue_indirect_dma source(%dma_start3A_549 : memref<10000x128xf32, #tpu.memory_space<hbm>>) target(%dma_start3A_545 : memref<40x128xf32, #tpu.memory_space<vmem>>) offsets(%dma_start3A_546 : memref<40xi32, #tpu.memory_space<vmem>>) semaphore(%arg12 : memref<!tpu.dma_semaphore, #tpu.memory_space<semaphore_mem>>)
      %mul3A_550 = arith.constant 5 : i32
      %mul3A_551 = arith.muli %scan3A_375, %mul3A_550 : i32
      %add3A_552 = arith.constant 3 : i32
      %add3A_553 = arith.addi %mul3A_551, %add3A_552 : i32
      %dma_wait3A_554 = arith.constant 3 : i32
      %dma_wait3A_555 = arith.constant 0 : i32
      %dma_wait3A_556 = arith.constant 0 : i32
      %dma_wait3A_557 = tpu.memref_slice %arg9[%dma_wait3A_554, %dma_wait3A_555, %dma_wait3A_556] : memref<5x40x128xf32, #tpu.memory_space<vmem>> -> memref<1x40x128xf32, #tpu.memory_space<vmem>>
      %dma_wait3A_558 = tpu.memref_squeeze %dma_wait3A_557 : memref<1x40x128xf32, #tpu.memory_space<vmem>> -> memref<40x128xf32, #tpu.memory_space<vmem>>
      %dma_wait3A_559 = arith.constant 0 : i32
      %dma_wait3A_560 = arith.constant 0 : i32
      %dma_wait3A_561 = tpu.memref_slice %arg2[%dma_wait3A_559, %dma_wait3A_560] : memref<10000x128xf32, #tpu.memory_space<hbm>> -> memref<40x128xf32, #tpu.memory_space<hbm>>
      %dma_wait3A_562 = arith.constant 0 : i32
      %dma_wait3A_563 = arith.constant 0 : i32
      %dma_wait3A_564 = tpu.memref_slice %arg9[%dma_wait3A_554, %dma_wait3A_562, %dma_wait3A_563] : memref<5x40x128xf32, #tpu.memory_space<vmem>> -> memref<1x40x128xf32, #tpu.memory_space<vmem>>
      %dma_wait3A_565 = tpu.memref_squeeze %dma_wait3A_564 : memref<1x40x128xf32, #tpu.memory_space<vmem>> -> memref<40x128xf32, #tpu.memory_space<vmem>>
      %dma_wait3A_566 = arith.constant 0 : i32
      %dma_wait3A_567 = arith.constant 0 : i32
      %dma_wait3A_568 = tpu.memref_slice %arg2[%dma_wait3A_566, %dma_wait3A_567] : memref<10000x128xf32, #tpu.memory_space<hbm>> -> memref<40x128xf32, #tpu.memory_space<hbm>>
      tpu.wait_dma2 semaphore(%arg12 : memref<!tpu.dma_semaphore, #tpu.memory_space<semaphore_mem>>) src(%dma_wait3A_568 : memref<40x128xf32, #tpu.memory_space<hbm>>) dst(%dma_wait3A_565 : memref<40x128xf32, #tpu.memory_space<vmem>>)
      %mul3A_569 = arith.constant 40 : i32
      %mul3A_570 = arith.muli %add3A_553, %mul3A_569 : i32
      %dma_start3A_571 = arith.constant 3 : i32
      %dma_start3A_572 = arith.constant 0 : i32
      %dma_start3A_573 = arith.constant 0 : i32
      %dma_start3A_574 = tpu.memref_slice %arg9[%dma_start3A_571, %dma_start3A_572, %dma_start3A_573] : memref<5x40x128xf32, #tpu.memory_space<vmem>> -> memref<1x40x128xf32, #tpu.memory_space<vmem>>
      %dma_start3A_575 = tpu.memref_squeeze %dma_start3A_574 : memref<1x40x128xf32, #tpu.memory_space<vmem>> -> memref<40x128xf32, #tpu.memory_space<vmem>>
      %dma_start3A_576 = tpu.memref_slice %arg8[%mul3A_570] : memref<10000xi32, #tpu.memory_space<vmem>> -> memref<40xi32, #tpu.memory_space<vmem>>
      %dma_start3A_577 = arith.constant 0 : i32
      %dma_start3A_578 = arith.constant 0 : i32
      %dma_start3A_579 = tpu.memref_slice %arg10[%dma_start3A_577, %dma_start3A_578] : memref<10240x128xf32, #tpu.memory_space<vmem_shared>> -> memref<10240x128xf32, #tpu.memory_space<vmem_shared>>
      tpu.enqueue_indirect_dma source(%dma_start3A_575 : memref<40x128xf32, #tpu.memory_space<vmem>>) target(%dma_start3A_579 : memref<10240x128xf32, #tpu.memory_space<vmem_shared>>) offsets(%dma_start3A_576 : memref<40xi32, #tpu.memory_space<vmem>>) semaphore(%arg13 : memref<!tpu.dma_semaphore, #tpu.memory_space<semaphore_mem>>) {add = true}
      %dma_wait3A_580 = arith.constant 3 : i32
      %dma_wait3A_581 = arith.constant 0 : i32
      %dma_wait3A_582 = arith.constant 0 : i32
      %dma_wait3A_583 = tpu.memref_slice %arg9[%dma_wait3A_580, %dma_wait3A_581, %dma_wait3A_582] : memref<5x40x128xf32, #tpu.memory_space<vmem>> -> memref<1x40x128xf32, #tpu.memory_space<vmem>>
      %dma_wait3A_584 = tpu.memref_squeeze %dma_wait3A_583 : memref<1x40x128xf32, #tpu.memory_space<vmem>> -> memref<40x128xf32, #tpu.memory_space<vmem>>
      %dma_wait3A_585 = arith.constant 0 : i32
      %dma_wait3A_586 = arith.constant 0 : i32
      %dma_wait3A_587 = tpu.memref_slice %arg2[%dma_wait3A_585, %dma_wait3A_586] : memref<10000x128xf32, #tpu.memory_space<hbm>> -> memref<40x128xf32, #tpu.memory_space<hbm>>
      %dma_wait3A_588 = arith.constant 0 : i32
      %dma_wait3A_589 = arith.constant 0 : i32
      %dma_wait3A_590 = tpu.memref_slice %arg9[%dma_wait3A_580, %dma_wait3A_588, %dma_wait3A_589] : memref<5x40x128xf32, #tpu.memory_space<vmem>> -> memref<1x40x128xf32, #tpu.memory_space<vmem>>
      %dma_wait3A_591 = tpu.memref_squeeze %dma_wait3A_590 : memref<1x40x128xf32, #tpu.memory_space<vmem>> -> memref<40x128xf32, #tpu.memory_space<vmem>>
      %dma_wait3A_592 = arith.constant 0 : i32
      %dma_wait3A_593 = arith.constant 0 : i32
      %dma_wait3A_594 = tpu.memref_slice %arg2[%dma_wait3A_592, %dma_wait3A_593] : memref<10000x128xf32, #tpu.memory_space<hbm>> -> memref<40x128xf32, #tpu.memory_space<hbm>>
      tpu.wait_dma2 semaphore(%arg13 : memref<!tpu.dma_semaphore, #tpu.memory_space<semaphore_mem>>) src(%dma_wait3A_594 : memref<40x128xf32, #tpu.memory_space<hbm>>) dst(%dma_wait3A_591 : memref<40x128xf32, #tpu.memory_space<vmem>>)
      %add3A_595 = arith.constant 4 : i32
      %add3A_596 = arith.addi %add3A_553, %add3A_595 : i32
      %mul3A_597 = arith.constant 40 : i32
      %mul3A_598 = arith.muli %add3A_596, %mul3A_597 : i32
      %dma_start3A_599 = arith.constant 2 : i32
      %dma_start3A_600 = arith.constant 0 : i32
      %dma_start3A_601 = arith.constant 0 : i32
      %dma_start3A_602 = tpu.memref_slice %arg9[%dma_start3A_599, %dma_start3A_600, %dma_start3A_601] : memref<5x40x128xf32, #tpu.memory_space<vmem>> -> memref<1x40x128xf32, #tpu.memory_space<vmem>>
      %dma_start3A_603 = tpu.memref_squeeze %dma_start3A_602 : memref<1x40x128xf32, #tpu.memory_space<vmem>> -> memref<40x128xf32, #tpu.memory_space<vmem>>
      %dma_start3A_604 = tpu.memref_slice %arg7[%mul3A_598] : memref<10160xi32, #tpu.memory_space<vmem>> -> memref<40xi32, #tpu.memory_space<vmem>>
      %dma_start3A_605 = arith.constant 0 : i32
      %dma_start3A_606 = arith.constant 0 : i32
      %dma_start3A_607 = tpu.memref_slice %arg2[%dma_start3A_605, %dma_start3A_606] : memref<10000x128xf32, #tpu.memory_space<hbm>> -> memref<10000x128xf32, #tpu.memory_space<hbm>>
      tpu.enqueue_indirect_dma source(%dma_start3A_607 : memref<10000x128xf32, #tpu.memory_space<hbm>>) target(%dma_start3A_603 : memref<40x128xf32, #tpu.memory_space<vmem>>) offsets(%dma_start3A_604 : memref<40xi32, #tpu.memory_space<vmem>>) semaphore(%arg12 : memref<!tpu.dma_semaphore, #tpu.memory_space<semaphore_mem>>)
      %mul3A_608 = arith.constant 5 : i32
      %mul3A_609 = arith.muli %scan3A_375, %mul3A_608 : i32
      %add3A_610 = arith.constant 4 : i32
      %add3A_611 = arith.addi %mul3A_609, %add3A_610 : i32
      %dma_wait3A_612 = arith.constant 4 : i32
      %dma_wait3A_613 = arith.constant 0 : i32
      %dma_wait3A_614 = arith.constant 0 : i32
      %dma_wait3A_615 = tpu.memref_slice %arg9[%dma_wait3A_612, %dma_wait3A_613, %dma_wait3A_614] : memref<5x40x128xf32, #tpu.memory_space<vmem>> -> memref<1x40x128xf32, #tpu.memory_space<vmem>>
      %dma_wait3A_616 = tpu.memref_squeeze %dma_wait3A_615 : memref<1x40x128xf32, #tpu.memory_space<vmem>> -> memref<40x128xf32, #tpu.memory_space<vmem>>
      %dma_wait3A_617 = arith.constant 0 : i32
      %dma_wait3A_618 = arith.constant 0 : i32
      %dma_wait3A_619 = tpu.memref_slice %arg2[%dma_wait3A_617, %dma_wait3A_618] : memref<10000x128xf32, #tpu.memory_space<hbm>> -> memref<40x128xf32, #tpu.memory_space<hbm>>
      %dma_wait3A_620 = arith.constant 0 : i32
      %dma_wait3A_621 = arith.constant 0 : i32
      %dma_wait3A_622 = tpu.memref_slice %arg9[%dma_wait3A_612, %dma_wait3A_620, %dma_wait3A_621] : memref<5x40x128xf32, #tpu.memory_space<vmem>> -> memref<1x40x128xf32, #tpu.memory_space<vmem>>
      %dma_wait3A_623 = tpu.memref_squeeze %dma_wait3A_622 : memref<1x40x128xf32, #tpu.memory_space<vmem>> -> memref<40x128xf32, #tpu.memory_space<vmem>>
      %dma_wait3A_624 = arith.constant 0 : i32
      %dma_wait3A_625 = arith.constant 0 : i32
      %dma_wait3A_626 = tpu.memref_slice %arg2[%dma_wait3A_624, %dma_wait3A_625] : memref<10000x128xf32, #tpu.memory_space<hbm>> -> memref<40x128xf32, #tpu.memory_space<hbm>>
      tpu.wait_dma2 semaphore(%arg12 : memref<!tpu.dma_semaphore, #tpu.memory_space<semaphore_mem>>) src(%dma_wait3A_626 : memref<40x128xf32, #tpu.memory_space<hbm>>) dst(%dma_wait3A_623 : memref<40x128xf32, #tpu.memory_space<vmem>>)
      %mul3A_627 = arith.constant 40 : i32
      %mul3A_628 = arith.muli %add3A_611, %mul3A_627 : i32
      %dma_start3A_629 = arith.constant 4 : i32
      %dma_start3A_630 = arith.constant 0 : i32
      %dma_start3A_631 = arith.constant 0 : i32
      %dma_start3A_632 = tpu.memref_slice %arg9[%dma_start3A_629, %dma_start3A_630, %dma_start3A_631] : memref<5x40x128xf32, #tpu.memory_space<vmem>> -> memref<1x40x128xf32, #tpu.memory_space<vmem>>
      %dma_start3A_633 = tpu.memref_squeeze %dma_start3A_632 : memref<1x40x128xf32, #tpu.memory_space<vmem>> -> memref<40x128xf32, #tpu.memory_space<vmem>>
      %dma_start3A_634 = tpu.memref_slice %arg8[%mul3A_628] : memref<10000xi32, #tpu.memory_space<vmem>> -> memref<40xi32, #tpu.memory_space<vmem>>
      %dma_start3A_635 = arith.constant 0 : i32
      %dma_start3A_636 = arith.constant 0 : i32
      %dma_start3A_637 = tpu.memref_slice %arg10[%dma_start3A_635, %dma_start3A_636] : memref<10240x128xf32, #tpu.memory_space<vmem_shared>> -> memref<10240x128xf32, #tpu.memory_space<vmem_shared>>
      tpu.enqueue_indirect_dma source(%dma_start3A_633 : memref<40x128xf32, #tpu.memory_space<vmem>>) target(%dma_start3A_637 : memref<10240x128xf32, #tpu.memory_space<vmem_shared>>) offsets(%dma_start3A_634 : memref<40xi32, #tpu.memory_space<vmem>>) semaphore(%arg13 : memref<!tpu.dma_semaphore, #tpu.memory_space<semaphore_mem>>) {add = true}
      %dma_wait3A_638 = arith.constant 4 : i32
      %dma_wait3A_639 = arith.constant 0 : i32
      %dma_wait3A_640 = arith.constant 0 : i32
      %dma_wait3A_641 = tpu.memref_slice %arg9[%dma_wait3A_638, %dma_wait3A_639, %dma_wait3A_640] : memref<5x40x128xf32, #tpu.memory_space<vmem>> -> memref<1x40x128xf32, #tpu.memory_space<vmem>>
      %dma_wait3A_642 = tpu.memref_squeeze %dma_wait3A_641 : memref<1x40x128xf32, #tpu.memory_space<vmem>> -> memref<40x128xf32, #tpu.memory_space<vmem>>
      %dma_wait3A_643 = arith.constant 0 : i32
      %dma_wait3A_644 = arith.constant 0 : i32
      %dma_wait3A_645 = tpu.memref_slice %arg2[%dma_wait3A_643, %dma_wait3A_644] : memref<10000x128xf32, #tpu.memory_space<hbm>> -> memref<40x128xf32, #tpu.memory_space<hbm>>
      %dma_wait3A_646 = arith.constant 0 : i32
      %dma_wait3A_647 = arith.constant 0 : i32
      %dma_wait3A_648 = tpu.memref_slice %arg9[%dma_wait3A_638, %dma_wait3A_646, %dma_wait3A_647] : memref<5x40x128xf32, #tpu.memory_space<vmem>> -> memref<1x40x128xf32, #tpu.memory_space<vmem>>
      %dma_wait3A_649 = tpu.memref_squeeze %dma_wait3A_648 : memref<1x40x128xf32, #tpu.memory_space<vmem>> -> memref<40x128xf32, #tpu.memory_space<vmem>>
      %dma_wait3A_650 = arith.constant 0 : i32
      %dma_wait3A_651 = arith.constant 0 : i32
      %dma_wait3A_652 = tpu.memref_slice %arg2[%dma_wait3A_650, %dma_wait3A_651] : memref<10000x128xf32, #tpu.memory_space<hbm>> -> memref<40x128xf32, #tpu.memory_space<hbm>>
      tpu.wait_dma2 semaphore(%arg13 : memref<!tpu.dma_semaphore, #tpu.memory_space<semaphore_mem>>) src(%dma_wait3A_652 : memref<40x128xf32, #tpu.memory_space<hbm>>) dst(%dma_wait3A_649 : memref<40x128xf32, #tpu.memory_space<vmem>>)
      %add3A_653 = arith.constant 4 : i32
      %add3A_654 = arith.addi %add3A_611, %add3A_653 : i32
      %mul3A_655 = arith.constant 40 : i32
      %mul3A_656 = arith.muli %add3A_654, %mul3A_655 : i32
      %dma_start3A_657 = arith.constant 3 : i32
      %dma_start3A_658 = arith.constant 0 : i32
      %dma_start3A_659 = arith.constant 0 : i32
      %dma_start3A_660 = tpu.memref_slice %arg9[%dma_start3A_657, %dma_start3A_658, %dma_start3A_659] : memref<5x40x128xf32, #tpu.memory_space<vmem>> -> memref<1x40x128xf32, #tpu.memory_space<vmem>>
      %dma_start3A_661 = tpu.memref_squeeze %dma_start3A_660 : memref<1x40x128xf32, #tpu.memory_space<vmem>> -> memref<40x128xf32, #tpu.memory_space<vmem>>
      %dma_start3A_662 = tpu.memref_slice %arg7[%mul3A_656] : memref<10160xi32, #tpu.memory_space<vmem>> -> memref<40xi32, #tpu.memory_space<vmem>>
      %dma_start3A_663 = arith.constant 0 : i32
      %dma_start3A_664 = arith.constant 0 : i32
      %dma_start3A_665 = tpu.memref_slice %arg2[%dma_start3A_663, %dma_start3A_664] : memref<10000x128xf32, #tpu.memory_space<hbm>> -> memref<10000x128xf32, #tpu.memory_space<hbm>>
      tpu.enqueue_indirect_dma source(%dma_start3A_665 : memref<10000x128xf32, #tpu.memory_space<hbm>>) target(%dma_start3A_661 : memref<40x128xf32, #tpu.memory_space<vmem>>) offsets(%dma_start3A_662 : memref<40xi32, #tpu.memory_space<vmem>>) semaphore(%arg12 : memref<!tpu.dma_semaphore, #tpu.memory_space<semaphore_mem>>)
    }
    %scan3A_294 = arith.constant 49 : i32
    %dma_wait3A_295 = arith.constant 0 : i32
    %dma_wait3A_296 = arith.constant 0 : i32
    %dma_wait3A_297 = arith.constant 0 : i32
    %dma_wait3A_298 = tpu.memref_slice %arg9[%dma_wait3A_295, %dma_wait3A_296, %dma_wait3A_297] : memref<5x40x128xf32, #tpu.memory_space<vmem>> -> memref<1x40x128xf32, #tpu.memory_space<vmem>>
    %dma_wait3A_299 = tpu.memref_squeeze %dma_wait3A_298 : memref<1x40x128xf32, #tpu.memory_space<vmem>> -> memref<40x128xf32, #tpu.memory_space<vmem>>
    %dma_wait3A_300 = arith.constant 0 : i32
    %dma_wait3A_301 = arith.constant 0 : i32
    %dma_wait3A_302 = tpu.memref_slice %arg2[%dma_wait3A_300, %dma_wait3A_301] : memref<10000x128xf32, #tpu.memory_space<hbm>> -> memref<40x128xf32, #tpu.memory_space<hbm>>
    %dma_wait3A_303 = arith.constant 0 : i32
    %dma_wait3A_304 = arith.constant 0 : i32
    %dma_wait3A_305 = tpu.memref_slice %arg9[%dma_wait3A_295, %dma_wait3A_303, %dma_wait3A_304] : memref<5x40x128xf32, #tpu.memory_space<vmem>> -> memref<1x40x128xf32, #tpu.memory_space<vmem>>
    %dma_wait3A_306 = tpu.memref_squeeze %dma_wait3A_305 : memref<1x40x128xf32, #tpu.memory_space<vmem>> -> memref<40x128xf32, #tpu.memory_space<vmem>>
    %dma_wait3A_307 = arith.constant 0 : i32
    %dma_wait3A_308 = arith.constant 0 : i32
    %dma_wait3A_309 = tpu.memref_slice %arg2[%dma_wait3A_307, %dma_wait3A_308] : memref<10000x128xf32, #tpu.memory_space<hbm>> -> memref<40x128xf32, #tpu.memory_space<hbm>>
    tpu.wait_dma2 semaphore(%arg12 : memref<!tpu.dma_semaphore, #tpu.memory_space<semaphore_mem>>) src(%dma_wait3A_309 : memref<40x128xf32, #tpu.memory_space<hbm>>) dst(%dma_wait3A_306 : memref<40x128xf32, #tpu.memory_space<vmem>>)
    %dma_wait3A_310 = arith.constant 1 : i32
    %dma_wait3A_311 = arith.constant 0 : i32
    %dma_wait3A_312 = arith.constant 0 : i32
    %dma_wait3A_313 = tpu.memref_slice %arg9[%dma_wait3A_310, %dma_wait3A_311, %dma_wait3A_312] : memref<5x40x128xf32, #tpu.memory_space<vmem>> -> memref<1x40x128xf32, #tpu.memory_space<vmem>>
    %dma_wait3A_314 = tpu.memref_squeeze %dma_wait3A_313 : memref<1x40x128xf32, #tpu.memory_space<vmem>> -> memref<40x128xf32, #tpu.memory_space<vmem>>
    %dma_wait3A_315 = arith.constant 0 : i32
    %dma_wait3A_316 = arith.constant 0 : i32
    %dma_wait3A_317 = tpu.memref_slice %arg2[%dma_wait3A_315, %dma_wait3A_316] : memref<10000x128xf32, #tpu.memory_space<hbm>> -> memref<40x128xf32, #tpu.memory_space<hbm>>
    %dma_wait3A_318 = arith.constant 0 : i32
    %dma_wait3A_319 = arith.constant 0 : i32
    %dma_wait3A_320 = tpu.memref_slice %arg9[%dma_wait3A_310, %dma_wait3A_318, %dma_wait3A_319] : memref<5x40x128xf32, #tpu.memory_space<vmem>> -> memref<1x40x128xf32, #tpu.memory_space<vmem>>
    %dma_wait3A_321 = tpu.memref_squeeze %dma_wait3A_320 : memref<1x40x128xf32, #tpu.memory_space<vmem>> -> memref<40x128xf32, #tpu.memory_space<vmem>>
    %dma_wait3A_322 = arith.constant 0 : i32
    %dma_wait3A_323 = arith.constant 0 : i32
    %dma_wait3A_324 = tpu.memref_slice %arg2[%dma_wait3A_322, %dma_wait3A_323] : memref<10000x128xf32, #tpu.memory_space<hbm>> -> memref<40x128xf32, #tpu.memory_space<hbm>>
    tpu.wait_dma2 semaphore(%arg12 : memref<!tpu.dma_semaphore, #tpu.memory_space<semaphore_mem>>) src(%dma_wait3A_324 : memref<40x128xf32, #tpu.memory_space<hbm>>) dst(%dma_wait3A_321 : memref<40x128xf32, #tpu.memory_space<vmem>>)
    %dma_wait3A_325 = arith.constant 2 : i32
    %dma_wait3A_326 = arith.constant 0 : i32
    %dma_wait3A_327 = arith.constant 0 : i32
    %dma_wait3A_328 = tpu.memref_slice %arg9[%dma_wait3A_325, %dma_wait3A_326, %dma_wait3A_327] : memref<5x40x128xf32, #tpu.memory_space<vmem>> -> memref<1x40x128xf32, #tpu.memory_space<vmem>>
    %dma_wait3A_329 = tpu.memref_squeeze %dma_wait3A_328 : memref<1x40x128xf32, #tpu.memory_space<vmem>> -> memref<40x128xf32, #tpu.memory_space<vmem>>
    %dma_wait3A_330 = arith.constant 0 : i32
    %dma_wait3A_331 = arith.constant 0 : i32
    %dma_wait3A_332 = tpu.memref_slice %arg2[%dma_wait3A_330, %dma_wait3A_331] : memref<10000x128xf32, #tpu.memory_space<hbm>> -> memref<40x128xf32, #tpu.memory_space<hbm>>
    %dma_wait3A_333 = arith.constant 0 : i32
    %dma_wait3A_334 = arith.constant 0 : i32
    %dma_wait3A_335 = tpu.memref_slice %arg9[%dma_wait3A_325, %dma_wait3A_333, %dma_wait3A_334] : memref<5x40x128xf32, #tpu.memory_space<vmem>> -> memref<1x40x128xf32, #tpu.memory_space<vmem>>
    %dma_wait3A_336 = tpu.memref_squeeze %dma_wait3A_335 : memref<1x40x128xf32, #tpu.memory_space<vmem>> -> memref<40x128xf32, #tpu.memory_space<vmem>>
    %dma_wait3A_337 = arith.constant 0 : i32
    %dma_wait3A_338 = arith.constant 0 : i32
    %dma_wait3A_339 = tpu.memref_slice %arg2[%dma_wait3A_337, %dma_wait3A_338] : memref<10000x128xf32, #tpu.memory_space<hbm>> -> memref<40x128xf32, #tpu.memory_space<hbm>>
    tpu.wait_dma2 semaphore(%arg12 : memref<!tpu.dma_semaphore, #tpu.memory_space<semaphore_mem>>) src(%dma_wait3A_339 : memref<40x128xf32, #tpu.memory_space<hbm>>) dst(%dma_wait3A_336 : memref<40x128xf32, #tpu.memory_space<vmem>>)
    %dma_wait3A_340 = arith.constant 3 : i32
    %dma_wait3A_341 = arith.constant 0 : i32
    %dma_wait3A_342 = arith.constant 0 : i32
    %dma_wait3A_343 = tpu.memref_slice %arg9[%dma_wait3A_340, %dma_wait3A_341, %dma_wait3A_342] : memref<5x40x128xf32, #tpu.memory_space<vmem>> -> memref<1x40x128xf32, #tpu.memory_space<vmem>>
    %dma_wait3A_344 = tpu.memref_squeeze %dma_wait3A_343 : memref<1x40x128xf32, #tpu.memory_space<vmem>> -> memref<40x128xf32, #tpu.memory_space<vmem>>
    %dma_wait3A_345 = arith.constant 0 : i32
    %dma_wait3A_346 = arith.constant 0 : i32
    %dma_wait3A_347 = tpu.memref_slice %arg2[%dma_wait3A_345, %dma_wait3A_346] : memref<10000x128xf32, #tpu.memory_space<hbm>> -> memref<40x128xf32, #tpu.memory_space<hbm>>
    %dma_wait3A_348 = arith.constant 0 : i32
    %dma_wait3A_349 = arith.constant 0 : i32
    %dma_wait3A_350 = tpu.memref_slice %arg9[%dma_wait3A_340, %dma_wait3A_348, %dma_wait3A_349] : memref<5x40x128xf32, #tpu.memory_space<vmem>> -> memref<1x40x128xf32, #tpu.memory_space<vmem>>
    %dma_wait3A_351 = tpu.memref_squeeze %dma_wait3A_350 : memref<1x40x128xf32, #tpu.memory_space<vmem>> -> memref<40x128xf32, #tpu.memory_space<vmem>>
    %dma_wait3A_352 = arith.constant 0 : i32
    %dma_wait3A_353 = arith.constant 0 : i32
    %dma_wait3A_354 = tpu.memref_slice %arg2[%dma_wait3A_352, %dma_wait3A_353] : memref<10000x128xf32, #tpu.memory_space<hbm>> -> memref<40x128xf32, #tpu.memory_space<hbm>>
    tpu.wait_dma2 semaphore(%arg12 : memref<!tpu.dma_semaphore, #tpu.memory_space<semaphore_mem>>) src(%dma_wait3A_354 : memref<40x128xf32, #tpu.memory_space<hbm>>) dst(%dma_wait3A_351 : memref<40x128xf32, #tpu.memory_space<vmem>>)
    %dma_wait3A_355 = arith.constant 0 : i32
    %dma_wait3A_356 = arith.constant 0 : i32
    %dma_wait3A_357 = arith.constant 0 : i32
    %dma_wait3A_358 = tpu.memref_slice %arg9[%dma_wait3A_355, %dma_wait3A_356, %dma_wait3A_357] : memref<5x40x128xf32, #tpu.memory_space<vmem>> -> memref<1x40x128xf32, #tpu.memory_space<vmem>>
    %dma_wait3A_359 = tpu.memref_squeeze %dma_wait3A_358 : memref<1x40x128xf32, #tpu.memory_space<vmem>> -> memref<40x128xf32, #tpu.memory_space<vmem>>
    %dma_wait3A_360 = arith.constant 0 : i32
    %dma_wait3A_361 = arith.constant 0 : i32
    %dma_wait3A_362 = tpu.memref_slice %arg2[%dma_wait3A_360, %dma_wait3A_361] : memref<10000x128xf32, #tpu.memory_space<hbm>> -> memref<40x128xf32, #tpu.memory_space<hbm>>
    %dma_wait3A_363 = arith.constant 0 : i32
    %dma_wait3A_364 = arith.constant 0 : i32
    %dma_wait3A_365 = tpu.memref_slice %arg9[%dma_wait3A_355, %dma_wait3A_363, %dma_wait3A_364] : memref<5x40x128xf32, #tpu.memory_space<vmem>> -> memref<1x40x128xf32, #tpu.memory_space<vmem>>
    %dma_wait3A_366 = tpu.memref_squeeze %dma_wait3A_365 : memref<1x40x128xf32, #tpu.memory_space<vmem>> -> memref<40x128xf32, #tpu.memory_space<vmem>>
    %dma_wait3A_367 = arith.constant 0 : i32
    %dma_wait3A_368 = arith.constant 0 : i32
    %dma_wait3A_369 = tpu.memref_slice %arg2[%dma_wait3A_367, %dma_wait3A_368] : memref<10000x128xf32, #tpu.memory_space<hbm>> -> memref<40x128xf32, #tpu.memory_space<hbm>>
    tpu.wait_dma2 semaphore(%arg13 : memref<!tpu.dma_semaphore, #tpu.memory_space<semaphore_mem>>) src(%dma_wait3A_369 : memref<40x128xf32, #tpu.memory_space<hbm>>) dst(%dma_wait3A_366 : memref<40x128xf32, #tpu.memory_space<vmem>>)
    %barrier3A_370 = arith.constant 0 : index
    tpu.barrier barrier_id(%barrier3A_370)
    %mul3A_371 = arith.constant 640 : i32
    %mul3A_372 = arith.muli %arg1, %mul3A_371 : i32
    %mul3A_373 = arith.constant 640 : i32
    %mul3A_374 = arith.muli %arg1, %mul3A_373 : i32
    "tpu.region"() ({
      %run_scoped3A = tpu.sem_alloc : memref<!tpu.dma_semaphore, #tpu.memory_space<semaphore_mem>>
      %dma_start3A_375 = arith.constant 0 : i32
      %dma_start3A_376 = tpu.memref_slice %arg6[%arg0, %mul3A_374, %dma_start3A_375] : memref<2x10240x128xf32, #tpu.memory_space<hbm>> -> memref<1x640x128xf32, #tpu.memory_space<hbm>>
      %dma_start3A_377 = tpu.memref_squeeze %dma_start3A_376 : memref<1x640x128xf32, #tpu.memory_space<hbm>> -> memref<640x128xf32, #tpu.memory_space<hbm>>
      %dma_start3A_378 = arith.constant 0 : i32
      %dma_start3A_379 = tpu.memref_slice %arg10[%mul3A_372, %dma_start3A_378] : memref<10240x128xf32, #tpu.memory_space<vmem_shared>> -> memref<640x128xf32, #tpu.memory_space<vmem_shared>>
      tpu.enqueue_dma source(%dma_start3A_379 : memref<640x128xf32, #tpu.memory_space<vmem_shared>>) target(%dma_start3A_377 : memref<640x128xf32, #tpu.memory_space<hbm>>) target_semaphore(%run_scoped3A : memref<!tpu.dma_semaphore, #tpu.memory_space<semaphore_mem>>)
      %dma_wait3A_380 = arith.constant 0 : i32
      %dma_wait3A_381 = tpu.memref_slice %arg6[%arg0, %mul3A_374, %dma_wait3A_380] : memref<2x10240x128xf32, #tpu.memory_space<hbm>> -> memref<1x640x128xf32, #tpu.memory_space<hbm>>
      %dma_wait3A_382 = tpu.memref_squeeze %dma_wait3A_381 : memref<1x640x128xf32, #tpu.memory_space<hbm>> -> memref<640x128xf32, #tpu.memory_space<hbm>>
      %dma_wait3A_383 = arith.constant 0 : i32
      %dma_wait3A_384 = tpu.memref_slice %arg10[%mul3A_372, %dma_wait3A_383] : memref<10240x128xf32, #tpu.memory_space<vmem_shared>> -> memref<640x128xf32, #tpu.memory_space<vmem_shared>>
      tpu.wait_dma2 semaphore(%run_scoped3A : memref<!tpu.dma_semaphore, #tpu.memory_space<semaphore_mem>>) src(%dma_wait3A_384 : memref<640x128xf32, #tpu.memory_space<vmem_shared>>) dst(%dma_wait3A_382 : memref<640x128xf32, #tpu.memory_space<hbm>>)
      tpu.yield
    }) : () -> ()
    return
  }
}

#map = affine_map<(d0, d1) -> (0, 0)>
#map1 = affine_map<(d0, d1) -> (0)>
#map2 = affine_map<(d0, d1) -> (0, 0, 0)>
module attributes {stable_mosaic.version = 14 : i64} {
  func.func @_sc_aggregate(%arg0: i32, %arg1: i32, %arg2: memref<10000x128xf32, #tpu.memory_space<hbm>>, %arg3: memref<320160xi32, #tpu.memory_space<hbm>>, %arg4: memref<320000xi32, #tpu.memory_space<hbm>>, %arg5: memref<640x128xf32, #tpu.memory_space<hbm>>, %arg6: memref<2x10240x128xf32, #tpu.memory_space<hbm>>, %arg7: memref<10160xi32, #tpu.memory_space<vmem>>, %arg8: memref<10000xi32, #tpu.memory_space<vmem>>, %arg9: memref<5x40x128xf32, #tpu.memory_space<vmem>>, %arg10: memref<10240x128xf32, #tpu.memory_space<vmem_shared>>, %arg11: memref<!tpu.dma_semaphore, #tpu.memory_space<semaphore_mem>>, %arg12: memref<!tpu.dma_semaphore, #tpu.memory_space<semaphore_mem>>, %arg13: memref<!tpu.dma_semaphore, #tpu.memory_space<semaphore_mem>>) attributes {dimension_semantics = [#tpu.dimension_semantics<core_parallel>, #tpu.dimension_semantics<subcore_parallel>], iteration_bounds = array<i64: 2, 16>, scalar_prefetch = 0 : i64, scratch_operands = 7 : i64, tpu.core_type = #tpu.core_type<sc_vector_subcore>, window_params = [{transform_indices = #map}, {transform_indices = #map1}, {transform_indices = #map1}, {transform_indices = #map}, {transform_indices = #map2}]} {
    %mul3A = arith.constant 2 : i32
    %mul3A_0 = arith.muli %arg1, %mul3A : i32
    %add3A = arith.addi %mul3A_0, %arg0 : i32
    %mul3A_1 = arith.constant 10000 : i32
    %mul3A_2 = arith.muli %add3A, %mul3A_1 : i32
    %dma_start3A = tpu.memref_slice %arg3[%mul3A_2] : memref<320160xi32, #tpu.memory_space<hbm>> -> memref<10160xi32, #tpu.memory_space<hbm>>
    %dma_start3A_3 = tpu.memref_slice %arg3[%mul3A_2] : memref<320160xi32, #tpu.memory_space<hbm>> -> memref<10160xi32, #tpu.memory_space<hbm>>
    tpu.enqueue_dma source(%dma_start3A_3 : memref<10160xi32, #tpu.memory_space<hbm>>) target(%arg7 : memref<10160xi32, #tpu.memory_space<vmem>>) target_semaphore(%arg11 : memref<!tpu.dma_semaphore, #tpu.memory_space<semaphore_mem>>)
    %dma_start3A_4 = tpu.memref_slice %arg4[%mul3A_2] : memref<320000xi32, #tpu.memory_space<hbm>> -> memref<10000xi32, #tpu.memory_space<hbm>>
    %dma_start3A_5 = tpu.memref_slice %arg4[%mul3A_2] : memref<320000xi32, #tpu.memory_space<hbm>> -> memref<10000xi32, #tpu.memory_space<hbm>>
    tpu.enqueue_dma source(%dma_start3A_5 : memref<10000xi32, #tpu.memory_space<hbm>>) target(%arg8 : memref<10000xi32, #tpu.memory_space<vmem>>) target_semaphore(%arg11 : memref<!tpu.dma_semaphore, #tpu.memory_space<semaphore_mem>>)
    %mul3A_6 = arith.constant 640 : i32
    %mul3A_7 = arith.muli %arg1, %mul3A_6 : i32
    "tpu.region"() ({
      %run_scoped3A = tpu.sem_alloc : memref<!tpu.dma_semaphore, #tpu.memory_space<semaphore_mem>>
      %dma_start3A_375 = arith.constant 0 : i32
      %dma_start3A_376 = tpu.memref_slice %arg10[%mul3A_7, %dma_start3A_375] : memref<10240x128xf32, #tpu.memory_space<vmem_shared>> -> memref<640x128xf32, #tpu.memory_space<vmem_shared>>
      tpu.enqueue_dma source(%arg5 : memref<640x128xf32, #tpu.memory_space<hbm>>) target(%dma_start3A_376 : memref<640x128xf32, #tpu.memory_space<vmem_shared>>) target_semaphore(%run_scoped3A : memref<!tpu.dma_semaphore, #tpu.memory_space<semaphore_mem>>)
      %dma_wait3A_377 = arith.constant 0 : i32
      %dma_wait3A_378 = tpu.memref_slice %arg10[%mul3A_7, %dma_wait3A_377] : memref<10240x128xf32, #tpu.memory_space<vmem_shared>> -> memref<640x128xf32, #tpu.memory_space<vmem_shared>>
      tpu.wait_dma2 semaphore(%run_scoped3A : memref<!tpu.dma_semaphore, #tpu.memory_space<semaphore_mem>>) src(%arg5 : memref<640x128xf32, #tpu.memory_space<hbm>>) dst(%dma_wait3A_378 : memref<640x128xf32, #tpu.memory_space<vmem_shared>>)
      tpu.yield
    }) : () -> ()
    %dma_wait3A = arith.constant 0 : i32
    %dma_wait3A_8 = tpu.memref_slice %arg3[%dma_wait3A] : memref<320160xi32, #tpu.memory_space<hbm>> -> memref<10160xi32, #tpu.memory_space<hbm>>
    %dma_wait3A_9 = arith.constant 0 : i32
    %dma_wait3A_10 = tpu.memref_slice %arg3[%dma_wait3A_9] : memref<320160xi32, #tpu.memory_space<hbm>> -> memref<10160xi32, #tpu.memory_space<hbm>>
    tpu.wait_dma2 semaphore(%arg11 : memref<!tpu.dma_semaphore, #tpu.memory_space<semaphore_mem>>) src(%dma_wait3A_10 : memref<10160xi32, #tpu.memory_space<hbm>>) dst(%arg7 : memref<10160xi32, #tpu.memory_space<vmem>>)
    %dma_start3A_11 = arith.constant 0 : i32
    %dma_start3A_12 = arith.constant 0 : i32
    %dma_start3A_13 = arith.constant 0 : i32
    %dma_start3A_14 = tpu.memref_slice %arg9[%dma_start3A_11, %dma_start3A_12, %dma_start3A_13] : memref<5x40x128xf32, #tpu.memory_space<vmem>> -> memref<1x40x128xf32, #tpu.memory_space<vmem>>
    %dma_start3A_15 = tpu.memref_squeeze %dma_start3A_14 : memref<1x40x128xf32, #tpu.memory_space<vmem>> -> memref<40x128xf32, #tpu.memory_space<vmem>>
    %dma_start3A_16 = arith.constant 0 : i32
    %dma_start3A_17 = tpu.memref_slice %arg7[%dma_start3A_16] : memref<10160xi32, #tpu.memory_space<vmem>> -> memref<40xi32, #tpu.memory_space<vmem>>
    %dma_start3A_18 = arith.constant 0 : i32
    %dma_start3A_19 = arith.constant 0 : i32
    %dma_start3A_20 = tpu.memref_slice %arg2[%dma_start3A_18, %dma_start3A_19] : memref<10000x128xf32, #tpu.memory_space<hbm>> -> memref<10000x128xf32, #tpu.memory_space<hbm>>
    tpu.enqueue_indirect_dma source(%dma_start3A_20 : memref<10000x128xf32, #tpu.memory_space<hbm>>) target(%dma_start3A_15 : memref<40x128xf32, #tpu.memory_space<vmem>>) offsets(%dma_start3A_17 : memref<40xi32, #tpu.memory_space<vmem>>) semaphore(%arg12 : memref<!tpu.dma_semaphore, #tpu.memory_space<semaphore_mem>>)
    %dma_start3A_21 = arith.constant 1 : i32
    %dma_start3A_22 = arith.constant 0 : i32
    %dma_start3A_23 = arith.constant 0 : i32
    %dma_start3A_24 = tpu.memref_slice %arg9[%dma_start3A_21, %dma_start3A_22, %dma_start3A_23] : memref<5x40x128xf32, #tpu.memory_space<vmem>> -> memref<1x40x128xf32, #tpu.memory_space<vmem>>
    %dma_start3A_25 = tpu.memref_squeeze %dma_start3A_24 : memref<1x40x128xf32, #tpu.memory_space<vmem>> -> memref<40x128xf32, #tpu.memory_space<vmem>>
    %dma_start3A_26 = arith.constant 40 : i32
    %dma_start3A_27 = tpu.memref_slice %arg7[%dma_start3A_26] : memref<10160xi32, #tpu.memory_space<vmem>> -> memref<40xi32, #tpu.memory_space<vmem>>
    %dma_start3A_28 = arith.constant 0 : i32
    %dma_start3A_29 = arith.constant 0 : i32
    %dma_start3A_30 = tpu.memref_slice %arg2[%dma_start3A_28, %dma_start3A_29] : memref<10000x128xf32, #tpu.memory_space<hbm>> -> memref<10000x128xf32, #tpu.memory_space<hbm>>
    tpu.enqueue_indirect_dma source(%dma_start3A_30 : memref<10000x128xf32, #tpu.memory_space<hbm>>) target(%dma_start3A_25 : memref<40x128xf32, #tpu.memory_space<vmem>>) offsets(%dma_start3A_27 : memref<40xi32, #tpu.memory_space<vmem>>) semaphore(%arg12 : memref<!tpu.dma_semaphore, #tpu.memory_space<semaphore_mem>>)
    %dma_start3A_31 = arith.constant 2 : i32
    %dma_start3A_32 = arith.constant 0 : i32
    %dma_start3A_33 = arith.constant 0 : i32
    %dma_start3A_34 = tpu.memref_slice %arg9[%dma_start3A_31, %dma_start3A_32, %dma_start3A_33] : memref<5x40x128xf32, #tpu.memory_space<vmem>> -> memref<1x40x128xf32, #tpu.memory_space<vmem>>
    %dma_start3A_35 = tpu.memref_squeeze %dma_start3A_34 : memref<1x40x128xf32, #tpu.memory_space<vmem>> -> memref<40x128xf32, #tpu.memory_space<vmem>>
    %dma_start3A_36 = arith.constant 80 : i32
    %dma_start3A_37 = tpu.memref_slice %arg7[%dma_start3A_36] : memref<10160xi32, #tpu.memory_space<vmem>> -> memref<40xi32, #tpu.memory_space<vmem>>
    %dma_start3A_38 = arith.constant 0 : i32
    %dma_start3A_39 = arith.constant 0 : i32
    %dma_start3A_40 = tpu.memref_slice %arg2[%dma_start3A_38, %dma_start3A_39] : memref<10000x128xf32, #tpu.memory_space<hbm>> -> memref<10000x128xf32, #tpu.memory_space<hbm>>
    tpu.enqueue_indirect_dma source(%dma_start3A_40 : memref<10000x128xf32, #tpu.memory_space<hbm>>) target(%dma_start3A_35 : memref<40x128xf32, #tpu.memory_space<vmem>>) offsets(%dma_start3A_37 : memref<40xi32, #tpu.memory_space<vmem>>) semaphore(%arg12 : memref<!tpu.dma_semaphore, #tpu.memory_space<semaphore_mem>>)
    %dma_start3A_41 = arith.constant 3 : i32
    %dma_start3A_42 = arith.constant 0 : i32
    %dma_start3A_43 = arith.constant 0 : i32
    %dma_start3A_44 = tpu.memref_slice %arg9[%dma_start3A_41, %dma_start3A_42, %dma_start3A_43] : memref<5x40x128xf32, #tpu.memory_space<vmem>> -> memref<1x40x128xf32, #tpu.memory_space<vmem>>
    %dma_start3A_45 = tpu.memref_squeeze %dma_start3A_44 : memref<1x40x128xf32, #tpu.memory_space<vmem>> -> memref<40x128xf32, #tpu.memory_space<vmem>>
    %dma_start3A_46 = arith.constant 120 : i32
    %dma_start3A_47 = tpu.memref_slice %arg7[%dma_start3A_46] : memref<10160xi32, #tpu.memory_space<vmem>> -> memref<40xi32, #tpu.memory_space<vmem>>
    %dma_start3A_48 = arith.constant 0 : i32
    %dma_start3A_49 = arith.constant 0 : i32
    %dma_start3A_50 = tpu.memref_slice %arg2[%dma_start3A_48, %dma_start3A_49] : memref<10000x128xf32, #tpu.memory_space<hbm>> -> memref<10000x128xf32, #tpu.memory_space<hbm>>
    tpu.enqueue_indirect_dma source(%dma_start3A_50 : memref<10000x128xf32, #tpu.memory_space<hbm>>) target(%dma_start3A_45 : memref<40x128xf32, #tpu.memory_space<vmem>>) offsets(%dma_start3A_47 : memref<40xi32, #tpu.memory_space<vmem>>) semaphore(%arg12 : memref<!tpu.dma_semaphore, #tpu.memory_space<semaphore_mem>>)
    %dma_wait3A_51 = arith.constant 0 : i32
    %dma_wait3A_52 = tpu.memref_slice %arg4[%dma_wait3A_51] : memref<320000xi32, #tpu.memory_space<hbm>> -> memref<10000xi32, #tpu.memory_space<hbm>>
    %dma_wait3A_53 = arith.constant 0 : i32
    %dma_wait3A_54 = tpu.memref_slice %arg4[%dma_wait3A_53] : memref<320000xi32, #tpu.memory_space<hbm>> -> memref<10000xi32, #tpu.memory_space<hbm>>
    tpu.wait_dma2 semaphore(%arg11 : memref<!tpu.dma_semaphore, #tpu.memory_space<semaphore_mem>>) src(%dma_wait3A_54 : memref<10000xi32, #tpu.memory_space<hbm>>) dst(%arg8 : memref<10000xi32, #tpu.memory_space<vmem>>)
    %barrier3A = arith.constant 0 : index
    tpu.barrier barrier_id(%barrier3A)
    %dma_wait3A_55 = arith.constant 0 : i32
    %dma_wait3A_56 = arith.constant 0 : i32
    %dma_wait3A_57 = arith.constant 0 : i32
    %dma_wait3A_58 = tpu.memref_slice %arg9[%dma_wait3A_55, %dma_wait3A_56, %dma_wait3A_57] : memref<5x40x128xf32, #tpu.memory_space<vmem>> -> memref<1x40x128xf32, #tpu.memory_space<vmem>>
    %dma_wait3A_59 = tpu.memref_squeeze %dma_wait3A_58 : memref<1x40x128xf32, #tpu.memory_space<vmem>> -> memref<40x128xf32, #tpu.memory_space<vmem>>
    %dma_wait3A_60 = arith.constant 0 : i32
    %dma_wait3A_61 = arith.constant 0 : i32
    %dma_wait3A_62 = tpu.memref_slice %arg2[%dma_wait3A_60, %dma_wait3A_61] : memref<10000x128xf32, #tpu.memory_space<hbm>> -> memref<40x128xf32, #tpu.memory_space<hbm>>
    %dma_wait3A_63 = arith.constant 0 : i32
    %dma_wait3A_64 = arith.constant 0 : i32
    %dma_wait3A_65 = tpu.memref_slice %arg9[%dma_wait3A_55, %dma_wait3A_63, %dma_wait3A_64] : memref<5x40x128xf32, #tpu.memory_space<vmem>> -> memref<1x40x128xf32, #tpu.memory_space<vmem>>
    %dma_wait3A_66 = tpu.memref_squeeze %dma_wait3A_65 : memref<1x40x128xf32, #tpu.memory_space<vmem>> -> memref<40x128xf32, #tpu.memory_space<vmem>>
    %dma_wait3A_67 = arith.constant 0 : i32
    %dma_wait3A_68 = arith.constant 0 : i32
    %dma_wait3A_69 = tpu.memref_slice %arg2[%dma_wait3A_67, %dma_wait3A_68] : memref<10000x128xf32, #tpu.memory_space<hbm>> -> memref<40x128xf32, #tpu.memory_space<hbm>>
    tpu.wait_dma2 semaphore(%arg12 : memref<!tpu.dma_semaphore, #tpu.memory_space<semaphore_mem>>) src(%dma_wait3A_69 : memref<40x128xf32, #tpu.memory_space<hbm>>) dst(%dma_wait3A_66 : memref<40x128xf32, #tpu.memory_space<vmem>>)
    %dma_start3A_70 = arith.constant 0 : i32
    %dma_start3A_71 = arith.constant 0 : i32
    %dma_start3A_72 = arith.constant 0 : i32
    %dma_start3A_73 = tpu.memref_slice %arg9[%dma_start3A_70, %dma_start3A_71, %dma_start3A_72] : memref<5x40x128xf32, #tpu.memory_space<vmem>> -> memref<1x40x128xf32, #tpu.memory_space<vmem>>
    %dma_start3A_74 = tpu.memref_squeeze %dma_start3A_73 : memref<1x40x128xf32, #tpu.memory_space<vmem>> -> memref<40x128xf32, #tpu.memory_space<vmem>>
    %dma_start3A_75 = arith.constant 0 : i32
    %dma_start3A_76 = tpu.memref_slice %arg8[%dma_start3A_75] : memref<10000xi32, #tpu.memory_space<vmem>> -> memref<40xi32, #tpu.memory_space<vmem>>
    %dma_start3A_77 = arith.constant 0 : i32
    %dma_start3A_78 = arith.constant 0 : i32
    %dma_start3A_79 = tpu.memref_slice %arg10[%dma_start3A_77, %dma_start3A_78] : memref<10240x128xf32, #tpu.memory_space<vmem_shared>> -> memref<10240x128xf32, #tpu.memory_space<vmem_shared>>
    tpu.enqueue_indirect_dma source(%dma_start3A_74 : memref<40x128xf32, #tpu.memory_space<vmem>>) target(%dma_start3A_79 : memref<10240x128xf32, #tpu.memory_space<vmem_shared>>) offsets(%dma_start3A_76 : memref<40xi32, #tpu.memory_space<vmem>>) semaphore(%arg13 : memref<!tpu.dma_semaphore, #tpu.memory_space<semaphore_mem>>) {add = true}
    %dma_start3A_80 = arith.constant 4 : i32
    %dma_start3A_81 = arith.constant 0 : i32
    %dma_start3A_82 = arith.constant 0 : i32
    %dma_start3A_83 = tpu.memref_slice %arg9[%dma_start3A_80, %dma_start3A_81, %dma_start3A_82] : memref<5x40x128xf32, #tpu.memory_space<vmem>> -> memref<1x40x128xf32, #tpu.memory_space<vmem>>
    %dma_start3A_84 = tpu.memref_squeeze %dma_start3A_83 : memref<1x40x128xf32, #tpu.memory_space<vmem>> -> memref<40x128xf32, #tpu.memory_space<vmem>>
    %dma_start3A_85 = arith.constant 160 : i32
    %dma_start3A_86 = tpu.memref_slice %arg7[%dma_start3A_85] : memref<10160xi32, #tpu.memory_space<vmem>> -> memref<40xi32, #tpu.memory_space<vmem>>
    %dma_start3A_87 = arith.constant 0 : i32
    %dma_start3A_88 = arith.constant 0 : i32
    %dma_start3A_89 = tpu.memref_slice %arg2[%dma_start3A_87, %dma_start3A_88] : memref<10000x128xf32, #tpu.memory_space<hbm>> -> memref<10000x128xf32, #tpu.memory_space<hbm>>
    tpu.enqueue_indirect_dma source(%dma_start3A_89 : memref<10000x128xf32, #tpu.memory_space<hbm>>) target(%dma_start3A_84 : memref<40x128xf32, #tpu.memory_space<vmem>>) offsets(%dma_start3A_86 : memref<40xi32, #tpu.memory_space<vmem>>) semaphore(%arg12 : memref<!tpu.dma_semaphore, #tpu.memory_space<semaphore_mem>>)
    %dma_wait3A_90 = arith.constant 1 : i32
    %dma_wait3A_91 = arith.constant 0 : i32
    %dma_wait3A_92 = arith.constant 0 : i32
    %dma_wait3A_93 = tpu.memref_slice %arg9[%dma_wait3A_90, %dma_wait3A_91, %dma_wait3A_92] : memref<5x40x128xf32, #tpu.memory_space<vmem>> -> memref<1x40x128xf32, #tpu.memory_space<vmem>>
    %dma_wait3A_94 = tpu.memref_squeeze %dma_wait3A_93 : memref<1x40x128xf32, #tpu.memory_space<vmem>> -> memref<40x128xf32, #tpu.memory_space<vmem>>
    %dma_wait3A_95 = arith.constant 0 : i32
    %dma_wait3A_96 = arith.constant 0 : i32
    %dma_wait3A_97 = tpu.memref_slice %arg2[%dma_wait3A_95, %dma_wait3A_96] : memref<10000x128xf32, #tpu.memory_space<hbm>> -> memref<40x128xf32, #tpu.memory_space<hbm>>
    %dma_wait3A_98 = arith.constant 0 : i32
    %dma_wait3A_99 = arith.constant 0 : i32
    %dma_wait3A_100 = tpu.memref_slice %arg9[%dma_wait3A_90, %dma_wait3A_98, %dma_wait3A_99] : memref<5x40x128xf32, #tpu.memory_space<vmem>> -> memref<1x40x128xf32, #tpu.memory_space<vmem>>
    %dma_wait3A_101 = tpu.memref_squeeze %dma_wait3A_100 : memref<1x40x128xf32, #tpu.memory_space<vmem>> -> memref<40x128xf32, #tpu.memory_space<vmem>>
    %dma_wait3A_102 = arith.constant 0 : i32
    %dma_wait3A_103 = arith.constant 0 : i32
    %dma_wait3A_104 = tpu.memref_slice %arg2[%dma_wait3A_102, %dma_wait3A_103] : memref<10000x128xf32, #tpu.memory_space<hbm>> -> memref<40x128xf32, #tpu.memory_space<hbm>>
    tpu.wait_dma2 semaphore(%arg12 : memref<!tpu.dma_semaphore, #tpu.memory_space<semaphore_mem>>) src(%dma_wait3A_104 : memref<40x128xf32, #tpu.memory_space<hbm>>) dst(%dma_wait3A_101 : memref<40x128xf32, #tpu.memory_space<vmem>>)
    %dma_start3A_105 = arith.constant 1 : i32
    %dma_start3A_106 = arith.constant 0 : i32
    %dma_start3A_107 = arith.constant 0 : i32
    %dma_start3A_108 = tpu.memref_slice %arg9[%dma_start3A_105, %dma_start3A_106, %dma_start3A_107] : memref<5x40x128xf32, #tpu.memory_space<vmem>> -> memref<1x40x128xf32, #tpu.memory_space<vmem>>
    %dma_start3A_109 = tpu.memref_squeeze %dma_start3A_108 : memref<1x40x128xf32, #tpu.memory_space<vmem>> -> memref<40x128xf32, #tpu.memory_space<vmem>>
    %dma_start3A_110 = arith.constant 40 : i32
    %dma_start3A_111 = tpu.memref_slice %arg8[%dma_start3A_110] : memref<10000xi32, #tpu.memory_space<vmem>> -> memref<40xi32, #tpu.memory_space<vmem>>
    %dma_start3A_112 = arith.constant 0 : i32
    %dma_start3A_113 = arith.constant 0 : i32
    %dma_start3A_114 = tpu.memref_slice %arg10[%dma_start3A_112, %dma_start3A_113] : memref<10240x128xf32, #tpu.memory_space<vmem_shared>> -> memref<10240x128xf32, #tpu.memory_space<vmem_shared>>
    tpu.enqueue_indirect_dma source(%dma_start3A_109 : memref<40x128xf32, #tpu.memory_space<vmem>>) target(%dma_start3A_114 : memref<10240x128xf32, #tpu.memory_space<vmem_shared>>) offsets(%dma_start3A_111 : memref<40xi32, #tpu.memory_space<vmem>>) semaphore(%arg13 : memref<!tpu.dma_semaphore, #tpu.memory_space<semaphore_mem>>) {add = true}
    %dma_wait3A_115 = arith.constant 1 : i32
    %dma_wait3A_116 = arith.constant 0 : i32
    %dma_wait3A_117 = arith.constant 0 : i32
    %dma_wait3A_118 = tpu.memref_slice %arg9[%dma_wait3A_115, %dma_wait3A_116, %dma_wait3A_117] : memref<5x40x128xf32, #tpu.memory_space<vmem>> -> memref<1x40x128xf32, #tpu.memory_space<vmem>>
    %dma_wait3A_119 = tpu.memref_squeeze %dma_wait3A_118 : memref<1x40x128xf32, #tpu.memory_space<vmem>> -> memref<40x128xf32, #tpu.memory_space<vmem>>
    %dma_wait3A_120 = arith.constant 0 : i32
    %dma_wait3A_121 = arith.constant 0 : i32
    %dma_wait3A_122 = tpu.memref_slice %arg2[%dma_wait3A_120, %dma_wait3A_121] : memref<10000x128xf32, #tpu.memory_space<hbm>> -> memref<40x128xf32, #tpu.memory_space<hbm>>
    %dma_wait3A_123 = arith.constant 0 : i32
    %dma_wait3A_124 = arith.constant 0 : i32
    %dma_wait3A_125 = tpu.memref_slice %arg9[%dma_wait3A_115, %dma_wait3A_123, %dma_wait3A_124] : memref<5x40x128xf32, #tpu.memory_space<vmem>> -> memref<1x40x128xf32, #tpu.memory_space<vmem>>
    %dma_wait3A_126 = tpu.memref_squeeze %dma_wait3A_125 : memref<1x40x128xf32, #tpu.memory_space<vmem>> -> memref<40x128xf32, #tpu.memory_space<vmem>>
    %dma_wait3A_127 = arith.constant 0 : i32
    %dma_wait3A_128 = arith.constant 0 : i32
    %dma_wait3A_129 = tpu.memref_slice %arg2[%dma_wait3A_127, %dma_wait3A_128] : memref<10000x128xf32, #tpu.memory_space<hbm>> -> memref<40x128xf32, #tpu.memory_space<hbm>>
    tpu.wait_dma2 semaphore(%arg13 : memref<!tpu.dma_semaphore, #tpu.memory_space<semaphore_mem>>) src(%dma_wait3A_129 : memref<40x128xf32, #tpu.memory_space<hbm>>) dst(%dma_wait3A_126 : memref<40x128xf32, #tpu.memory_space<vmem>>)
    %dma_start3A_130 = arith.constant 0 : i32
    %dma_start3A_131 = arith.constant 0 : i32
    %dma_start3A_132 = arith.constant 0 : i32
    %dma_start3A_133 = tpu.memref_slice %arg9[%dma_start3A_130, %dma_start3A_131, %dma_start3A_132] : memref<5x40x128xf32, #tpu.memory_space<vmem>> -> memref<1x40x128xf32, #tpu.memory_space<vmem>>
    %dma_start3A_134 = tpu.memref_squeeze %dma_start3A_133 : memref<1x40x128xf32, #tpu.memory_space<vmem>> -> memref<40x128xf32, #tpu.memory_space<vmem>>
    %dma_start3A_135 = arith.constant 200 : i32
    %dma_start3A_136 = tpu.memref_slice %arg7[%dma_start3A_135] : memref<10160xi32, #tpu.memory_space<vmem>> -> memref<40xi32, #tpu.memory_space<vmem>>
    %dma_start3A_137 = arith.constant 0 : i32
    %dma_start3A_138 = arith.constant 0 : i32
    %dma_start3A_139 = tpu.memref_slice %arg2[%dma_start3A_137, %dma_start3A_138] : memref<10000x128xf32, #tpu.memory_space<hbm>> -> memref<10000x128xf32, #tpu.memory_space<hbm>>
    tpu.enqueue_indirect_dma source(%dma_start3A_139 : memref<10000x128xf32, #tpu.memory_space<hbm>>) target(%dma_start3A_134 : memref<40x128xf32, #tpu.memory_space<vmem>>) offsets(%dma_start3A_136 : memref<40xi32, #tpu.memory_space<vmem>>) semaphore(%arg12 : memref<!tpu.dma_semaphore, #tpu.memory_space<semaphore_mem>>)
    %dma_wait3A_140 = arith.constant 2 : i32
    %dma_wait3A_141 = arith.constant 0 : i32
    %dma_wait3A_142 = arith.constant 0 : i32
    %dma_wait3A_143 = tpu.memref_slice %arg9[%dma_wait3A_140, %dma_wait3A_141, %dma_wait3A_142] : memref<5x40x128xf32, #tpu.memory_space<vmem>> -> memref<1x40x128xf32, #tpu.memory_space<vmem>>
    %dma_wait3A_144 = tpu.memref_squeeze %dma_wait3A_143 : memref<1x40x128xf32, #tpu.memory_space<vmem>> -> memref<40x128xf32, #tpu.memory_space<vmem>>
    %dma_wait3A_145 = arith.constant 0 : i32
    %dma_wait3A_146 = arith.constant 0 : i32
    %dma_wait3A_147 = tpu.memref_slice %arg2[%dma_wait3A_145, %dma_wait3A_146] : memref<10000x128xf32, #tpu.memory_space<hbm>> -> memref<40x128xf32, #tpu.memory_space<hbm>>
    %dma_wait3A_148 = arith.constant 0 : i32
    %dma_wait3A_149 = arith.constant 0 : i32
    %dma_wait3A_150 = tpu.memref_slice %arg9[%dma_wait3A_140, %dma_wait3A_148, %dma_wait3A_149] : memref<5x40x128xf32, #tpu.memory_space<vmem>> -> memref<1x40x128xf32, #tpu.memory_space<vmem>>
    %dma_wait3A_151 = tpu.memref_squeeze %dma_wait3A_150 : memref<1x40x128xf32, #tpu.memory_space<vmem>> -> memref<40x128xf32, #tpu.memory_space<vmem>>
    %dma_wait3A_152 = arith.constant 0 : i32
    %dma_wait3A_153 = arith.constant 0 : i32
    %dma_wait3A_154 = tpu.memref_slice %arg2[%dma_wait3A_152, %dma_wait3A_153] : memref<10000x128xf32, #tpu.memory_space<hbm>> -> memref<40x128xf32, #tpu.memory_space<hbm>>
    tpu.wait_dma2 semaphore(%arg12 : memref<!tpu.dma_semaphore, #tpu.memory_space<semaphore_mem>>) src(%dma_wait3A_154 : memref<40x128xf32, #tpu.memory_space<hbm>>) dst(%dma_wait3A_151 : memref<40x128xf32, #tpu.memory_space<vmem>>)
    %dma_start3A_155 = arith.constant 2 : i32
    %dma_start3A_156 = arith.constant 0 : i32
    %dma_start3A_157 = arith.constant 0 : i32
    %dma_start3A_158 = tpu.memref_slice %arg9[%dma_start3A_155, %dma_start3A_156, %dma_start3A_157] : memref<5x40x128xf32, #tpu.memory_space<vmem>> -> memref<1x40x128xf32, #tpu.memory_space<vmem>>
    %dma_start3A_159 = tpu.memref_squeeze %dma_start3A_158 : memref<1x40x128xf32, #tpu.memory_space<vmem>> -> memref<40x128xf32, #tpu.memory_space<vmem>>
    %dma_start3A_160 = arith.constant 80 : i32
    %dma_start3A_161 = tpu.memref_slice %arg8[%dma_start3A_160] : memref<10000xi32, #tpu.memory_space<vmem>> -> memref<40xi32, #tpu.memory_space<vmem>>
    %dma_start3A_162 = arith.constant 0 : i32
    %dma_start3A_163 = arith.constant 0 : i32
    %dma_start3A_164 = tpu.memref_slice %arg10[%dma_start3A_162, %dma_start3A_163] : memref<10240x128xf32, #tpu.memory_space<vmem_shared>> -> memref<10240x128xf32, #tpu.memory_space<vmem_shared>>
    tpu.enqueue_indirect_dma source(%dma_start3A_159 : memref<40x128xf32, #tpu.memory_space<vmem>>) target(%dma_start3A_164 : memref<10240x128xf32, #tpu.memory_space<vmem_shared>>) offsets(%dma_start3A_161 : memref<40xi32, #tpu.memory_space<vmem>>) semaphore(%arg13 : memref<!tpu.dma_semaphore, #tpu.memory_space<semaphore_mem>>) {add = true}
    %dma_wait3A_165 = arith.constant 2 : i32
    %dma_wait3A_166 = arith.constant 0 : i32
    %dma_wait3A_167 = arith.constant 0 : i32
    %dma_wait3A_168 = tpu.memref_slice %arg9[%dma_wait3A_165, %dma_wait3A_166, %dma_wait3A_167] : memref<5x40x128xf32, #tpu.memory_space<vmem>> -> memref<1x40x128xf32, #tpu.memory_space<vmem>>
    %dma_wait3A_169 = tpu.memref_squeeze %dma_wait3A_168 : memref<1x40x128xf32, #tpu.memory_space<vmem>> -> memref<40x128xf32, #tpu.memory_space<vmem>>
    %dma_wait3A_170 = arith.constant 0 : i32
    %dma_wait3A_171 = arith.constant 0 : i32
    %dma_wait3A_172 = tpu.memref_slice %arg2[%dma_wait3A_170, %dma_wait3A_171] : memref<10000x128xf32, #tpu.memory_space<hbm>> -> memref<40x128xf32, #tpu.memory_space<hbm>>
    %dma_wait3A_173 = arith.constant 0 : i32
    %dma_wait3A_174 = arith.constant 0 : i32
    %dma_wait3A_175 = tpu.memref_slice %arg9[%dma_wait3A_165, %dma_wait3A_173, %dma_wait3A_174] : memref<5x40x128xf32, #tpu.memory_space<vmem>> -> memref<1x40x128xf32, #tpu.memory_space<vmem>>
    %dma_wait3A_176 = tpu.memref_squeeze %dma_wait3A_175 : memref<1x40x128xf32, #tpu.memory_space<vmem>> -> memref<40x128xf32, #tpu.memory_space<vmem>>
    %dma_wait3A_177 = arith.constant 0 : i32
    %dma_wait3A_178 = arith.constant 0 : i32
    %dma_wait3A_179 = tpu.memref_slice %arg2[%dma_wait3A_177, %dma_wait3A_178] : memref<10000x128xf32, #tpu.memory_space<hbm>> -> memref<40x128xf32, #tpu.memory_space<hbm>>
    tpu.wait_dma2 semaphore(%arg13 : memref<!tpu.dma_semaphore, #tpu.memory_space<semaphore_mem>>) src(%dma_wait3A_179 : memref<40x128xf32, #tpu.memory_space<hbm>>) dst(%dma_wait3A_176 : memref<40x128xf32, #tpu.memory_space<vmem>>)
    %dma_start3A_180 = arith.constant 1 : i32
    %dma_start3A_181 = arith.constant 0 : i32
    %dma_start3A_182 = arith.constant 0 : i32
    %dma_start3A_183 = tpu.memref_slice %arg9[%dma_start3A_180, %dma_start3A_181, %dma_start3A_182] : memref<5x40x128xf32, #tpu.memory_space<vmem>> -> memref<1x40x128xf32, #tpu.memory_space<vmem>>
    %dma_start3A_184 = tpu.memref_squeeze %dma_start3A_183 : memref<1x40x128xf32, #tpu.memory_space<vmem>> -> memref<40x128xf32, #tpu.memory_space<vmem>>
    %dma_start3A_185 = arith.constant 240 : i32
    %dma_start3A_186 = tpu.memref_slice %arg7[%dma_start3A_185] : memref<10160xi32, #tpu.memory_space<vmem>> -> memref<40xi32, #tpu.memory_space<vmem>>
    %dma_start3A_187 = arith.constant 0 : i32
    %dma_start3A_188 = arith.constant 0 : i32
    %dma_start3A_189 = tpu.memref_slice %arg2[%dma_start3A_187, %dma_start3A_188] : memref<10000x128xf32, #tpu.memory_space<hbm>> -> memref<10000x128xf32, #tpu.memory_space<hbm>>
    tpu.enqueue_indirect_dma source(%dma_start3A_189 : memref<10000x128xf32, #tpu.memory_space<hbm>>) target(%dma_start3A_184 : memref<40x128xf32, #tpu.memory_space<vmem>>) offsets(%dma_start3A_186 : memref<40xi32, #tpu.memory_space<vmem>>) semaphore(%arg12 : memref<!tpu.dma_semaphore, #tpu.memory_space<semaphore_mem>>)
    %dma_wait3A_190 = arith.constant 3 : i32
    %dma_wait3A_191 = arith.constant 0 : i32
    %dma_wait3A_192 = arith.constant 0 : i32
    %dma_wait3A_193 = tpu.memref_slice %arg9[%dma_wait3A_190, %dma_wait3A_191, %dma_wait3A_192] : memref<5x40x128xf32, #tpu.memory_space<vmem>> -> memref<1x40x128xf32, #tpu.memory_space<vmem>>
    %dma_wait3A_194 = tpu.memref_squeeze %dma_wait3A_193 : memref<1x40x128xf32, #tpu.memory_space<vmem>> -> memref<40x128xf32, #tpu.memory_space<vmem>>
    %dma_wait3A_195 = arith.constant 0 : i32
    %dma_wait3A_196 = arith.constant 0 : i32
    %dma_wait3A_197 = tpu.memref_slice %arg2[%dma_wait3A_195, %dma_wait3A_196] : memref<10000x128xf32, #tpu.memory_space<hbm>> -> memref<40x128xf32, #tpu.memory_space<hbm>>
    %dma_wait3A_198 = arith.constant 0 : i32
    %dma_wait3A_199 = arith.constant 0 : i32
    %dma_wait3A_200 = tpu.memref_slice %arg9[%dma_wait3A_190, %dma_wait3A_198, %dma_wait3A_199] : memref<5x40x128xf32, #tpu.memory_space<vmem>> -> memref<1x40x128xf32, #tpu.memory_space<vmem>>
    %dma_wait3A_201 = tpu.memref_squeeze %dma_wait3A_200 : memref<1x40x128xf32, #tpu.memory_space<vmem>> -> memref<40x128xf32, #tpu.memory_space<vmem>>
    %dma_wait3A_202 = arith.constant 0 : i32
    %dma_wait3A_203 = arith.constant 0 : i32
    %dma_wait3A_204 = tpu.memref_slice %arg2[%dma_wait3A_202, %dma_wait3A_203] : memref<10000x128xf32, #tpu.memory_space<hbm>> -> memref<40x128xf32, #tpu.memory_space<hbm>>
    tpu.wait_dma2 semaphore(%arg12 : memref<!tpu.dma_semaphore, #tpu.memory_space<semaphore_mem>>) src(%dma_wait3A_204 : memref<40x128xf32, #tpu.memory_space<hbm>>) dst(%dma_wait3A_201 : memref<40x128xf32, #tpu.memory_space<vmem>>)
    %dma_start3A_205 = arith.constant 3 : i32
    %dma_start3A_206 = arith.constant 0 : i32
    %dma_start3A_207 = arith.constant 0 : i32
    %dma_start3A_208 = tpu.memref_slice %arg9[%dma_start3A_205, %dma_start3A_206, %dma_start3A_207] : memref<5x40x128xf32, #tpu.memory_space<vmem>> -> memref<1x40x128xf32, #tpu.memory_space<vmem>>
    %dma_start3A_209 = tpu.memref_squeeze %dma_start3A_208 : memref<1x40x128xf32, #tpu.memory_space<vmem>> -> memref<40x128xf32, #tpu.memory_space<vmem>>
    %dma_start3A_210 = arith.constant 120 : i32
    %dma_start3A_211 = tpu.memref_slice %arg8[%dma_start3A_210] : memref<10000xi32, #tpu.memory_space<vmem>> -> memref<40xi32, #tpu.memory_space<vmem>>
    %dma_start3A_212 = arith.constant 0 : i32
    %dma_start3A_213 = arith.constant 0 : i32
    %dma_start3A_214 = tpu.memref_slice %arg10[%dma_start3A_212, %dma_start3A_213] : memref<10240x128xf32, #tpu.memory_space<vmem_shared>> -> memref<10240x128xf32, #tpu.memory_space<vmem_shared>>
    tpu.enqueue_indirect_dma source(%dma_start3A_209 : memref<40x128xf32, #tpu.memory_space<vmem>>) target(%dma_start3A_214 : memref<10240x128xf32, #tpu.memory_space<vmem_shared>>) offsets(%dma_start3A_211 : memref<40xi32, #tpu.memory_space<vmem>>) semaphore(%arg13 : memref<!tpu.dma_semaphore, #tpu.memory_space<semaphore_mem>>) {add = true}
    %dma_wait3A_215 = arith.constant 3 : i32
    %dma_wait3A_216 = arith.constant 0 : i32
    %dma_wait3A_217 = arith.constant 0 : i32
    %dma_wait3A_218 = tpu.memref_slice %arg9[%dma_wait3A_215, %dma_wait3A_216, %dma_wait3A_217] : memref<5x40x128xf32, #tpu.memory_space<vmem>> -> memref<1x40x128xf32, #tpu.memory_space<vmem>>
    %dma_wait3A_219 = tpu.memref_squeeze %dma_wait3A_218 : memref<1x40x128xf32, #tpu.memory_space<vmem>> -> memref<40x128xf32, #tpu.memory_space<vmem>>
    %dma_wait3A_220 = arith.constant 0 : i32
    %dma_wait3A_221 = arith.constant 0 : i32
    %dma_wait3A_222 = tpu.memref_slice %arg2[%dma_wait3A_220, %dma_wait3A_221] : memref<10000x128xf32, #tpu.memory_space<hbm>> -> memref<40x128xf32, #tpu.memory_space<hbm>>
    %dma_wait3A_223 = arith.constant 0 : i32
    %dma_wait3A_224 = arith.constant 0 : i32
    %dma_wait3A_225 = tpu.memref_slice %arg9[%dma_wait3A_215, %dma_wait3A_223, %dma_wait3A_224] : memref<5x40x128xf32, #tpu.memory_space<vmem>> -> memref<1x40x128xf32, #tpu.memory_space<vmem>>
    %dma_wait3A_226 = tpu.memref_squeeze %dma_wait3A_225 : memref<1x40x128xf32, #tpu.memory_space<vmem>> -> memref<40x128xf32, #tpu.memory_space<vmem>>
    %dma_wait3A_227 = arith.constant 0 : i32
    %dma_wait3A_228 = arith.constant 0 : i32
    %dma_wait3A_229 = tpu.memref_slice %arg2[%dma_wait3A_227, %dma_wait3A_228] : memref<10000x128xf32, #tpu.memory_space<hbm>> -> memref<40x128xf32, #tpu.memory_space<hbm>>
    tpu.wait_dma2 semaphore(%arg13 : memref<!tpu.dma_semaphore, #tpu.memory_space<semaphore_mem>>) src(%dma_wait3A_229 : memref<40x128xf32, #tpu.memory_space<hbm>>) dst(%dma_wait3A_226 : memref<40x128xf32, #tpu.memory_space<vmem>>)
    %dma_start3A_230 = arith.constant 2 : i32
    %dma_start3A_231 = arith.constant 0 : i32
    %dma_start3A_232 = arith.constant 0 : i32
    %dma_start3A_233 = tpu.memref_slice %arg9[%dma_start3A_230, %dma_start3A_231, %dma_start3A_232] : memref<5x40x128xf32, #tpu.memory_space<vmem>> -> memref<1x40x128xf32, #tpu.memory_space<vmem>>
    %dma_start3A_234 = tpu.memref_squeeze %dma_start3A_233 : memref<1x40x128xf32, #tpu.memory_space<vmem>> -> memref<40x128xf32, #tpu.memory_space<vmem>>
    %dma_start3A_235 = arith.constant 280 : i32
    %dma_start3A_236 = tpu.memref_slice %arg7[%dma_start3A_235] : memref<10160xi32, #tpu.memory_space<vmem>> -> memref<40xi32, #tpu.memory_space<vmem>>
    %dma_start3A_237 = arith.constant 0 : i32
    %dma_start3A_238 = arith.constant 0 : i32
    %dma_start3A_239 = tpu.memref_slice %arg2[%dma_start3A_237, %dma_start3A_238] : memref<10000x128xf32, #tpu.memory_space<hbm>> -> memref<10000x128xf32, #tpu.memory_space<hbm>>
    tpu.enqueue_indirect_dma source(%dma_start3A_239 : memref<10000x128xf32, #tpu.memory_space<hbm>>) target(%dma_start3A_234 : memref<40x128xf32, #tpu.memory_space<vmem>>) offsets(%dma_start3A_236 : memref<40xi32, #tpu.memory_space<vmem>>) semaphore(%arg12 : memref<!tpu.dma_semaphore, #tpu.memory_space<semaphore_mem>>)
    %dma_wait3A_240 = arith.constant 4 : i32
    %dma_wait3A_241 = arith.constant 0 : i32
    %dma_wait3A_242 = arith.constant 0 : i32
    %dma_wait3A_243 = tpu.memref_slice %arg9[%dma_wait3A_240, %dma_wait3A_241, %dma_wait3A_242] : memref<5x40x128xf32, #tpu.memory_space<vmem>> -> memref<1x40x128xf32, #tpu.memory_space<vmem>>
    %dma_wait3A_244 = tpu.memref_squeeze %dma_wait3A_243 : memref<1x40x128xf32, #tpu.memory_space<vmem>> -> memref<40x128xf32, #tpu.memory_space<vmem>>
    %dma_wait3A_245 = arith.constant 0 : i32
    %dma_wait3A_246 = arith.constant 0 : i32
    %dma_wait3A_247 = tpu.memref_slice %arg2[%dma_wait3A_245, %dma_wait3A_246] : memref<10000x128xf32, #tpu.memory_space<hbm>> -> memref<40x128xf32, #tpu.memory_space<hbm>>
    %dma_wait3A_248 = arith.constant 0 : i32
    %dma_wait3A_249 = arith.constant 0 : i32
    %dma_wait3A_250 = tpu.memref_slice %arg9[%dma_wait3A_240, %dma_wait3A_248, %dma_wait3A_249] : memref<5x40x128xf32, #tpu.memory_space<vmem>> -> memref<1x40x128xf32, #tpu.memory_space<vmem>>
    %dma_wait3A_251 = tpu.memref_squeeze %dma_wait3A_250 : memref<1x40x128xf32, #tpu.memory_space<vmem>> -> memref<40x128xf32, #tpu.memory_space<vmem>>
    %dma_wait3A_252 = arith.constant 0 : i32
    %dma_wait3A_253 = arith.constant 0 : i32
    %dma_wait3A_254 = tpu.memref_slice %arg2[%dma_wait3A_252, %dma_wait3A_253] : memref<10000x128xf32, #tpu.memory_space<hbm>> -> memref<40x128xf32, #tpu.memory_space<hbm>>
    tpu.wait_dma2 semaphore(%arg12 : memref<!tpu.dma_semaphore, #tpu.memory_space<semaphore_mem>>) src(%dma_wait3A_254 : memref<40x128xf32, #tpu.memory_space<hbm>>) dst(%dma_wait3A_251 : memref<40x128xf32, #tpu.memory_space<vmem>>)
    %dma_start3A_255 = arith.constant 4 : i32
    %dma_start3A_256 = arith.constant 0 : i32
    %dma_start3A_257 = arith.constant 0 : i32
    %dma_start3A_258 = tpu.memref_slice %arg9[%dma_start3A_255, %dma_start3A_256, %dma_start3A_257] : memref<5x40x128xf32, #tpu.memory_space<vmem>> -> memref<1x40x128xf32, #tpu.memory_space<vmem>>
    %dma_start3A_259 = tpu.memref_squeeze %dma_start3A_258 : memref<1x40x128xf32, #tpu.memory_space<vmem>> -> memref<40x128xf32, #tpu.memory_space<vmem>>
    %dma_start3A_260 = arith.constant 160 : i32
    %dma_start3A_261 = tpu.memref_slice %arg8[%dma_start3A_260] : memref<10000xi32, #tpu.memory_space<vmem>> -> memref<40xi32, #tpu.memory_space<vmem>>
    %dma_start3A_262 = arith.constant 0 : i32
    %dma_start3A_263 = arith.constant 0 : i32
    %dma_start3A_264 = tpu.memref_slice %arg10[%dma_start3A_262, %dma_start3A_263] : memref<10240x128xf32, #tpu.memory_space<vmem_shared>> -> memref<10240x128xf32, #tpu.memory_space<vmem_shared>>
    tpu.enqueue_indirect_dma source(%dma_start3A_259 : memref<40x128xf32, #tpu.memory_space<vmem>>) target(%dma_start3A_264 : memref<10240x128xf32, #tpu.memory_space<vmem_shared>>) offsets(%dma_start3A_261 : memref<40xi32, #tpu.memory_space<vmem>>) semaphore(%arg13 : memref<!tpu.dma_semaphore, #tpu.memory_space<semaphore_mem>>) {add = true}
    %dma_wait3A_265 = arith.constant 4 : i32
    %dma_wait3A_266 = arith.constant 0 : i32
    %dma_wait3A_267 = arith.constant 0 : i32
    %dma_wait3A_268 = tpu.memref_slice %arg9[%dma_wait3A_265, %dma_wait3A_266, %dma_wait3A_267] : memref<5x40x128xf32, #tpu.memory_space<vmem>> -> memref<1x40x128xf32, #tpu.memory_space<vmem>>
    %dma_wait3A_269 = tpu.memref_squeeze %dma_wait3A_268 : memref<1x40x128xf32, #tpu.memory_space<vmem>> -> memref<40x128xf32, #tpu.memory_space<vmem>>
    %dma_wait3A_270 = arith.constant 0 : i32
    %dma_wait3A_271 = arith.constant 0 : i32
    %dma_wait3A_272 = tpu.memref_slice %arg2[%dma_wait3A_270, %dma_wait3A_271] : memref<10000x128xf32, #tpu.memory_space<hbm>> -> memref<40x128xf32, #tpu.memory_space<hbm>>
    %dma_wait3A_273 = arith.constant 0 : i32
    %dma_wait3A_274 = arith.constant 0 : i32
    %dma_wait3A_275 = tpu.memref_slice %arg9[%dma_wait3A_265, %dma_wait3A_273, %dma_wait3A_274] : memref<5x40x128xf32, #tpu.memory_space<vmem>> -> memref<1x40x128xf32, #tpu.memory_space<vmem>>
    %dma_wait3A_276 = tpu.memref_squeeze %dma_wait3A_275 : memref<1x40x128xf32, #tpu.memory_space<vmem>> -> memref<40x128xf32, #tpu.memory_space<vmem>>
    %dma_wait3A_277 = arith.constant 0 : i32
    %dma_wait3A_278 = arith.constant 0 : i32
    %dma_wait3A_279 = tpu.memref_slice %arg2[%dma_wait3A_277, %dma_wait3A_278] : memref<10000x128xf32, #tpu.memory_space<hbm>> -> memref<40x128xf32, #tpu.memory_space<hbm>>
    tpu.wait_dma2 semaphore(%arg13 : memref<!tpu.dma_semaphore, #tpu.memory_space<semaphore_mem>>) src(%dma_wait3A_279 : memref<40x128xf32, #tpu.memory_space<hbm>>) dst(%dma_wait3A_276 : memref<40x128xf32, #tpu.memory_space<vmem>>)
    %dma_start3A_280 = arith.constant 3 : i32
    %dma_start3A_281 = arith.constant 0 : i32
    %dma_start3A_282 = arith.constant 0 : i32
    %dma_start3A_283 = tpu.memref_slice %arg9[%dma_start3A_280, %dma_start3A_281, %dma_start3A_282] : memref<5x40x128xf32, #tpu.memory_space<vmem>> -> memref<1x40x128xf32, #tpu.memory_space<vmem>>
    %dma_start3A_284 = tpu.memref_squeeze %dma_start3A_283 : memref<1x40x128xf32, #tpu.memory_space<vmem>> -> memref<40x128xf32, #tpu.memory_space<vmem>>
    %dma_start3A_285 = arith.constant 320 : i32
    %dma_start3A_286 = tpu.memref_slice %arg7[%dma_start3A_285] : memref<10160xi32, #tpu.memory_space<vmem>> -> memref<40xi32, #tpu.memory_space<vmem>>
    %dma_start3A_287 = arith.constant 0 : i32
    %dma_start3A_288 = arith.constant 0 : i32
    %dma_start3A_289 = tpu.memref_slice %arg2[%dma_start3A_287, %dma_start3A_288] : memref<10000x128xf32, #tpu.memory_space<hbm>> -> memref<10000x128xf32, #tpu.memory_space<hbm>>
    tpu.enqueue_indirect_dma source(%dma_start3A_289 : memref<10000x128xf32, #tpu.memory_space<hbm>>) target(%dma_start3A_284 : memref<40x128xf32, #tpu.memory_space<vmem>>) offsets(%dma_start3A_286 : memref<40xi32, #tpu.memory_space<vmem>>) semaphore(%arg12 : memref<!tpu.dma_semaphore, #tpu.memory_space<semaphore_mem>>)
    %scan3A = arith.constant 0 : i32
    %scan3A_290 = arith.constant 1 : i32
    %scan3A_291 = arith.constant 49 : i32
    %scan3A_292 = arith.addi %scan3A_290, %scan3A_291 : i32
    %scan3A_293 = arith.constant 1 : i32
    scf.for %scan3A_375 = %scan3A_290 to %scan3A_292 step %scan3A_293  : i32 {
      %mul3A_376 = arith.constant 5 : i32
      %mul3A_377 = arith.muli %scan3A_375, %mul3A_376 : i32
      %add3A_378 = arith.constant 0 : i32
      %add3A_379 = arith.addi %mul3A_377, %add3A_378 : i32
      %dma_wait3A_380 = arith.constant 0 : i32
      %dma_wait3A_381 = arith.constant 0 : i32
      %dma_wait3A_382 = arith.constant 0 : i32
      %dma_wait3A_383 = tpu.memref_slice %arg9[%dma_wait3A_380, %dma_wait3A_381, %dma_wait3A_382] : memref<5x40x128xf32, #tpu.memory_space<vmem>> -> memref<1x40x128xf32, #tpu.memory_space<vmem>>
      %dma_wait3A_384 = tpu.memref_squeeze %dma_wait3A_383 : memref<1x40x128xf32, #tpu.memory_space<vmem>> -> memref<40x128xf32, #tpu.memory_space<vmem>>
      %dma_wait3A_385 = arith.constant 0 : i32
      %dma_wait3A_386 = arith.constant 0 : i32
      %dma_wait3A_387 = tpu.memref_slice %arg2[%dma_wait3A_385, %dma_wait3A_386] : memref<10000x128xf32, #tpu.memory_space<hbm>> -> memref<40x128xf32, #tpu.memory_space<hbm>>
      %dma_wait3A_388 = arith.constant 0 : i32
      %dma_wait3A_389 = arith.constant 0 : i32
      %dma_wait3A_390 = tpu.memref_slice %arg9[%dma_wait3A_380, %dma_wait3A_388, %dma_wait3A_389] : memref<5x40x128xf32, #tpu.memory_space<vmem>> -> memref<1x40x128xf32, #tpu.memory_space<vmem>>
      %dma_wait3A_391 = tpu.memref_squeeze %dma_wait3A_390 : memref<1x40x128xf32, #tpu.memory_space<vmem>> -> memref<40x128xf32, #tpu.memory_space<vmem>>
      %dma_wait3A_392 = arith.constant 0 : i32
      %dma_wait3A_393 = arith.constant 0 : i32
      %dma_wait3A_394 = tpu.memref_slice %arg2[%dma_wait3A_392, %dma_wait3A_393] : memref<10000x128xf32, #tpu.memory_space<hbm>> -> memref<40x128xf32, #tpu.memory_space<hbm>>
      tpu.wait_dma2 semaphore(%arg12 : memref<!tpu.dma_semaphore, #tpu.memory_space<semaphore_mem>>) src(%dma_wait3A_394 : memref<40x128xf32, #tpu.memory_space<hbm>>) dst(%dma_wait3A_391 : memref<40x128xf32, #tpu.memory_space<vmem>>)
      %mul3A_395 = arith.constant 40 : i32
      %mul3A_396 = arith.muli %add3A_379, %mul3A_395 : i32
      %dma_start3A_397 = arith.constant 0 : i32
      %dma_start3A_398 = arith.constant 0 : i32
      %dma_start3A_399 = arith.constant 0 : i32
      %dma_start3A_400 = tpu.memref_slice %arg9[%dma_start3A_397, %dma_start3A_398, %dma_start3A_399] : memref<5x40x128xf32, #tpu.memory_space<vmem>> -> memref<1x40x128xf32, #tpu.memory_space<vmem>>
      %dma_start3A_401 = tpu.memref_squeeze %dma_start3A_400 : memref<1x40x128xf32, #tpu.memory_space<vmem>> -> memref<40x128xf32, #tpu.memory_space<vmem>>
      %dma_start3A_402 = tpu.memref_slice %arg8[%mul3A_396] : memref<10000xi32, #tpu.memory_space<vmem>> -> memref<40xi32, #tpu.memory_space<vmem>>
      %dma_start3A_403 = arith.constant 0 : i32
      %dma_start3A_404 = arith.constant 0 : i32
      %dma_start3A_405 = tpu.memref_slice %arg10[%dma_start3A_403, %dma_start3A_404] : memref<10240x128xf32, #tpu.memory_space<vmem_shared>> -> memref<10240x128xf32, #tpu.memory_space<vmem_shared>>
      tpu.enqueue_indirect_dma source(%dma_start3A_401 : memref<40x128xf32, #tpu.memory_space<vmem>>) target(%dma_start3A_405 : memref<10240x128xf32, #tpu.memory_space<vmem_shared>>) offsets(%dma_start3A_402 : memref<40xi32, #tpu.memory_space<vmem>>) semaphore(%arg13 : memref<!tpu.dma_semaphore, #tpu.memory_space<semaphore_mem>>) {add = true}
      %dma_wait3A_406 = arith.constant 0 : i32
      %dma_wait3A_407 = arith.constant 0 : i32
      %dma_wait3A_408 = arith.constant 0 : i32
      %dma_wait3A_409 = tpu.memref_slice %arg9[%dma_wait3A_406, %dma_wait3A_407, %dma_wait3A_408] : memref<5x40x128xf32, #tpu.memory_space<vmem>> -> memref<1x40x128xf32, #tpu.memory_space<vmem>>
      %dma_wait3A_410 = tpu.memref_squeeze %dma_wait3A_409 : memref<1x40x128xf32, #tpu.memory_space<vmem>> -> memref<40x128xf32, #tpu.memory_space<vmem>>
      %dma_wait3A_411 = arith.constant 0 : i32
      %dma_wait3A_412 = arith.constant 0 : i32
      %dma_wait3A_413 = tpu.memref_slice %arg2[%dma_wait3A_411, %dma_wait3A_412] : memref<10000x128xf32, #tpu.memory_space<hbm>> -> memref<40x128xf32, #tpu.memory_space<hbm>>
      %dma_wait3A_414 = arith.constant 0 : i32
      %dma_wait3A_415 = arith.constant 0 : i32
      %dma_wait3A_416 = tpu.memref_slice %arg9[%dma_wait3A_406, %dma_wait3A_414, %dma_wait3A_415] : memref<5x40x128xf32, #tpu.memory_space<vmem>> -> memref<1x40x128xf32, #tpu.memory_space<vmem>>
      %dma_wait3A_417 = tpu.memref_squeeze %dma_wait3A_416 : memref<1x40x128xf32, #tpu.memory_space<vmem>> -> memref<40x128xf32, #tpu.memory_space<vmem>>
      %dma_wait3A_418 = arith.constant 0 : i32
      %dma_wait3A_419 = arith.constant 0 : i32
      %dma_wait3A_420 = tpu.memref_slice %arg2[%dma_wait3A_418, %dma_wait3A_419] : memref<10000x128xf32, #tpu.memory_space<hbm>> -> memref<40x128xf32, #tpu.memory_space<hbm>>
      tpu.wait_dma2 semaphore(%arg13 : memref<!tpu.dma_semaphore, #tpu.memory_space<semaphore_mem>>) src(%dma_wait3A_420 : memref<40x128xf32, #tpu.memory_space<hbm>>) dst(%dma_wait3A_417 : memref<40x128xf32, #tpu.memory_space<vmem>>)
      %add3A_421 = arith.constant 4 : i32
      %add3A_422 = arith.addi %add3A_379, %add3A_421 : i32
      %mul3A_423 = arith.constant 40 : i32
      %mul3A_424 = arith.muli %add3A_422, %mul3A_423 : i32
      %dma_start3A_425 = arith.constant 4 : i32
      %dma_start3A_426 = arith.constant 0 : i32
      %dma_start3A_427 = arith.constant 0 : i32
      %dma_start3A_428 = tpu.memref_slice %arg9[%dma_start3A_425, %dma_start3A_426, %dma_start3A_427] : memref<5x40x128xf32, #tpu.memory_space<vmem>> -> memref<1x40x128xf32, #tpu.memory_space<vmem>>
      %dma_start3A_429 = tpu.memref_squeeze %dma_start3A_428 : memref<1x40x128xf32, #tpu.memory_space<vmem>> -> memref<40x128xf32, #tpu.memory_space<vmem>>
      %dma_start3A_430 = tpu.memref_slice %arg7[%mul3A_424] : memref<10160xi32, #tpu.memory_space<vmem>> -> memref<40xi32, #tpu.memory_space<vmem>>
      %dma_start3A_431 = arith.constant 0 : i32
      %dma_start3A_432 = arith.constant 0 : i32
      %dma_start3A_433 = tpu.memref_slice %arg2[%dma_start3A_431, %dma_start3A_432] : memref<10000x128xf32, #tpu.memory_space<hbm>> -> memref<10000x128xf32, #tpu.memory_space<hbm>>
      tpu.enqueue_indirect_dma source(%dma_start3A_433 : memref<10000x128xf32, #tpu.memory_space<hbm>>) target(%dma_start3A_429 : memref<40x128xf32, #tpu.memory_space<vmem>>) offsets(%dma_start3A_430 : memref<40xi32, #tpu.memory_space<vmem>>) semaphore(%arg12 : memref<!tpu.dma_semaphore, #tpu.memory_space<semaphore_mem>>)
      %mul3A_434 = arith.constant 5 : i32
      %mul3A_435 = arith.muli %scan3A_375, %mul3A_434 : i32
      %add3A_436 = arith.constant 1 : i32
      %add3A_437 = arith.addi %mul3A_435, %add3A_436 : i32
      %dma_wait3A_438 = arith.constant 1 : i32
      %dma_wait3A_439 = arith.constant 0 : i32
      %dma_wait3A_440 = arith.constant 0 : i32
      %dma_wait3A_441 = tpu.memref_slice %arg9[%dma_wait3A_438, %dma_wait3A_439, %dma_wait3A_440] : memref<5x40x128xf32, #tpu.memory_space<vmem>> -> memref<1x40x128xf32, #tpu.memory_space<vmem>>
      %dma_wait3A_442 = tpu.memref_squeeze %dma_wait3A_441 : memref<1x40x128xf32, #tpu.memory_space<vmem>> -> memref<40x128xf32, #tpu.memory_space<vmem>>
      %dma_wait3A_443 = arith.constant 0 : i32
      %dma_wait3A_444 = arith.constant 0 : i32
      %dma_wait3A_445 = tpu.memref_slice %arg2[%dma_wait3A_443, %dma_wait3A_444] : memref<10000x128xf32, #tpu.memory_space<hbm>> -> memref<40x128xf32, #tpu.memory_space<hbm>>
      %dma_wait3A_446 = arith.constant 0 : i32
      %dma_wait3A_447 = arith.constant 0 : i32
      %dma_wait3A_448 = tpu.memref_slice %arg9[%dma_wait3A_438, %dma_wait3A_446, %dma_wait3A_447] : memref<5x40x128xf32, #tpu.memory_space<vmem>> -> memref<1x40x128xf32, #tpu.memory_space<vmem>>
      %dma_wait3A_449 = tpu.memref_squeeze %dma_wait3A_448 : memref<1x40x128xf32, #tpu.memory_space<vmem>> -> memref<40x128xf32, #tpu.memory_space<vmem>>
      %dma_wait3A_450 = arith.constant 0 : i32
      %dma_wait3A_451 = arith.constant 0 : i32
      %dma_wait3A_452 = tpu.memref_slice %arg2[%dma_wait3A_450, %dma_wait3A_451] : memref<10000x128xf32, #tpu.memory_space<hbm>> -> memref<40x128xf32, #tpu.memory_space<hbm>>
      tpu.wait_dma2 semaphore(%arg12 : memref<!tpu.dma_semaphore, #tpu.memory_space<semaphore_mem>>) src(%dma_wait3A_452 : memref<40x128xf32, #tpu.memory_space<hbm>>) dst(%dma_wait3A_449 : memref<40x128xf32, #tpu.memory_space<vmem>>)
      %mul3A_453 = arith.constant 40 : i32
      %mul3A_454 = arith.muli %add3A_437, %mul3A_453 : i32
      %dma_start3A_455 = arith.constant 1 : i32
      %dma_start3A_456 = arith.constant 0 : i32
      %dma_start3A_457 = arith.constant 0 : i32
      %dma_start3A_458 = tpu.memref_slice %arg9[%dma_start3A_455, %dma_start3A_456, %dma_start3A_457] : memref<5x40x128xf32, #tpu.memory_space<vmem>> -> memref<1x40x128xf32, #tpu.memory_space<vmem>>
      %dma_start3A_459 = tpu.memref_squeeze %dma_start3A_458 : memref<1x40x128xf32, #tpu.memory_space<vmem>> -> memref<40x128xf32, #tpu.memory_space<vmem>>
      %dma_start3A_460 = tpu.memref_slice %arg8[%mul3A_454] : memref<10000xi32, #tpu.memory_space<vmem>> -> memref<40xi32, #tpu.memory_space<vmem>>
      %dma_start3A_461 = arith.constant 0 : i32
      %dma_start3A_462 = arith.constant 0 : i32
      %dma_start3A_463 = tpu.memref_slice %arg10[%dma_start3A_461, %dma_start3A_462] : memref<10240x128xf32, #tpu.memory_space<vmem_shared>> -> memref<10240x128xf32, #tpu.memory_space<vmem_shared>>
      tpu.enqueue_indirect_dma source(%dma_start3A_459 : memref<40x128xf32, #tpu.memory_space<vmem>>) target(%dma_start3A_463 : memref<10240x128xf32, #tpu.memory_space<vmem_shared>>) offsets(%dma_start3A_460 : memref<40xi32, #tpu.memory_space<vmem>>) semaphore(%arg13 : memref<!tpu.dma_semaphore, #tpu.memory_space<semaphore_mem>>) {add = true}
      %dma_wait3A_464 = arith.constant 1 : i32
      %dma_wait3A_465 = arith.constant 0 : i32
      %dma_wait3A_466 = arith.constant 0 : i32
      %dma_wait3A_467 = tpu.memref_slice %arg9[%dma_wait3A_464, %dma_wait3A_465, %dma_wait3A_466] : memref<5x40x128xf32, #tpu.memory_space<vmem>> -> memref<1x40x128xf32, #tpu.memory_space<vmem>>
      %dma_wait3A_468 = tpu.memref_squeeze %dma_wait3A_467 : memref<1x40x128xf32, #tpu.memory_space<vmem>> -> memref<40x128xf32, #tpu.memory_space<vmem>>
      %dma_wait3A_469 = arith.constant 0 : i32
      %dma_wait3A_470 = arith.constant 0 : i32
      %dma_wait3A_471 = tpu.memref_slice %arg2[%dma_wait3A_469, %dma_wait3A_470] : memref<10000x128xf32, #tpu.memory_space<hbm>> -> memref<40x128xf32, #tpu.memory_space<hbm>>
      %dma_wait3A_472 = arith.constant 0 : i32
      %dma_wait3A_473 = arith.constant 0 : i32
      %dma_wait3A_474 = tpu.memref_slice %arg9[%dma_wait3A_464, %dma_wait3A_472, %dma_wait3A_473] : memref<5x40x128xf32, #tpu.memory_space<vmem>> -> memref<1x40x128xf32, #tpu.memory_space<vmem>>
      %dma_wait3A_475 = tpu.memref_squeeze %dma_wait3A_474 : memref<1x40x128xf32, #tpu.memory_space<vmem>> -> memref<40x128xf32, #tpu.memory_space<vmem>>
      %dma_wait3A_476 = arith.constant 0 : i32
      %dma_wait3A_477 = arith.constant 0 : i32
      %dma_wait3A_478 = tpu.memref_slice %arg2[%dma_wait3A_476, %dma_wait3A_477] : memref<10000x128xf32, #tpu.memory_space<hbm>> -> memref<40x128xf32, #tpu.memory_space<hbm>>
      tpu.wait_dma2 semaphore(%arg13 : memref<!tpu.dma_semaphore, #tpu.memory_space<semaphore_mem>>) src(%dma_wait3A_478 : memref<40x128xf32, #tpu.memory_space<hbm>>) dst(%dma_wait3A_475 : memref<40x128xf32, #tpu.memory_space<vmem>>)
      %add3A_479 = arith.constant 4 : i32
      %add3A_480 = arith.addi %add3A_437, %add3A_479 : i32
      %mul3A_481 = arith.constant 40 : i32
      %mul3A_482 = arith.muli %add3A_480, %mul3A_481 : i32
      %dma_start3A_483 = arith.constant 0 : i32
      %dma_start3A_484 = arith.constant 0 : i32
      %dma_start3A_485 = arith.constant 0 : i32
      %dma_start3A_486 = tpu.memref_slice %arg9[%dma_start3A_483, %dma_start3A_484, %dma_start3A_485] : memref<5x40x128xf32, #tpu.memory_space<vmem>> -> memref<1x40x128xf32, #tpu.memory_space<vmem>>
      %dma_start3A_487 = tpu.memref_squeeze %dma_start3A_486 : memref<1x40x128xf32, #tpu.memory_space<vmem>> -> memref<40x128xf32, #tpu.memory_space<vmem>>
      %dma_start3A_488 = tpu.memref_slice %arg7[%mul3A_482] : memref<10160xi32, #tpu.memory_space<vmem>> -> memref<40xi32, #tpu.memory_space<vmem>>
      %dma_start3A_489 = arith.constant 0 : i32
      %dma_start3A_490 = arith.constant 0 : i32
      %dma_start3A_491 = tpu.memref_slice %arg2[%dma_start3A_489, %dma_start3A_490] : memref<10000x128xf32, #tpu.memory_space<hbm>> -> memref<10000x128xf32, #tpu.memory_space<hbm>>
      tpu.enqueue_indirect_dma source(%dma_start3A_491 : memref<10000x128xf32, #tpu.memory_space<hbm>>) target(%dma_start3A_487 : memref<40x128xf32, #tpu.memory_space<vmem>>) offsets(%dma_start3A_488 : memref<40xi32, #tpu.memory_space<vmem>>) semaphore(%arg12 : memref<!tpu.dma_semaphore, #tpu.memory_space<semaphore_mem>>)
      %mul3A_492 = arith.constant 5 : i32
      %mul3A_493 = arith.muli %scan3A_375, %mul3A_492 : i32
      %add3A_494 = arith.constant 2 : i32
      %add3A_495 = arith.addi %mul3A_493, %add3A_494 : i32
      %dma_wait3A_496 = arith.constant 2 : i32
      %dma_wait3A_497 = arith.constant 0 : i32
      %dma_wait3A_498 = arith.constant 0 : i32
      %dma_wait3A_499 = tpu.memref_slice %arg9[%dma_wait3A_496, %dma_wait3A_497, %dma_wait3A_498] : memref<5x40x128xf32, #tpu.memory_space<vmem>> -> memref<1x40x128xf32, #tpu.memory_space<vmem>>
      %dma_wait3A_500 = tpu.memref_squeeze %dma_wait3A_499 : memref<1x40x128xf32, #tpu.memory_space<vmem>> -> memref<40x128xf32, #tpu.memory_space<vmem>>
      %dma_wait3A_501 = arith.constant 0 : i32
      %dma_wait3A_502 = arith.constant 0 : i32
      %dma_wait3A_503 = tpu.memref_slice %arg2[%dma_wait3A_501, %dma_wait3A_502] : memref<10000x128xf32, #tpu.memory_space<hbm>> -> memref<40x128xf32, #tpu.memory_space<hbm>>
      %dma_wait3A_504 = arith.constant 0 : i32
      %dma_wait3A_505 = arith.constant 0 : i32
      %dma_wait3A_506 = tpu.memref_slice %arg9[%dma_wait3A_496, %dma_wait3A_504, %dma_wait3A_505] : memref<5x40x128xf32, #tpu.memory_space<vmem>> -> memref<1x40x128xf32, #tpu.memory_space<vmem>>
      %dma_wait3A_507 = tpu.memref_squeeze %dma_wait3A_506 : memref<1x40x128xf32, #tpu.memory_space<vmem>> -> memref<40x128xf32, #tpu.memory_space<vmem>>
      %dma_wait3A_508 = arith.constant 0 : i32
      %dma_wait3A_509 = arith.constant 0 : i32
      %dma_wait3A_510 = tpu.memref_slice %arg2[%dma_wait3A_508, %dma_wait3A_509] : memref<10000x128xf32, #tpu.memory_space<hbm>> -> memref<40x128xf32, #tpu.memory_space<hbm>>
      tpu.wait_dma2 semaphore(%arg12 : memref<!tpu.dma_semaphore, #tpu.memory_space<semaphore_mem>>) src(%dma_wait3A_510 : memref<40x128xf32, #tpu.memory_space<hbm>>) dst(%dma_wait3A_507 : memref<40x128xf32, #tpu.memory_space<vmem>>)
      %mul3A_511 = arith.constant 40 : i32
      %mul3A_512 = arith.muli %add3A_495, %mul3A_511 : i32
      %dma_start3A_513 = arith.constant 2 : i32
      %dma_start3A_514 = arith.constant 0 : i32
      %dma_start3A_515 = arith.constant 0 : i32
      %dma_start3A_516 = tpu.memref_slice %arg9[%dma_start3A_513, %dma_start3A_514, %dma_start3A_515] : memref<5x40x128xf32, #tpu.memory_space<vmem>> -> memref<1x40x128xf32, #tpu.memory_space<vmem>>
      %dma_start3A_517 = tpu.memref_squeeze %dma_start3A_516 : memref<1x40x128xf32, #tpu.memory_space<vmem>> -> memref<40x128xf32, #tpu.memory_space<vmem>>
      %dma_start3A_518 = tpu.memref_slice %arg8[%mul3A_512] : memref<10000xi32, #tpu.memory_space<vmem>> -> memref<40xi32, #tpu.memory_space<vmem>>
      %dma_start3A_519 = arith.constant 0 : i32
      %dma_start3A_520 = arith.constant 0 : i32
      %dma_start3A_521 = tpu.memref_slice %arg10[%dma_start3A_519, %dma_start3A_520] : memref<10240x128xf32, #tpu.memory_space<vmem_shared>> -> memref<10240x128xf32, #tpu.memory_space<vmem_shared>>
      tpu.enqueue_indirect_dma source(%dma_start3A_517 : memref<40x128xf32, #tpu.memory_space<vmem>>) target(%dma_start3A_521 : memref<10240x128xf32, #tpu.memory_space<vmem_shared>>) offsets(%dma_start3A_518 : memref<40xi32, #tpu.memory_space<vmem>>) semaphore(%arg13 : memref<!tpu.dma_semaphore, #tpu.memory_space<semaphore_mem>>) {add = true}
      %dma_wait3A_522 = arith.constant 2 : i32
      %dma_wait3A_523 = arith.constant 0 : i32
      %dma_wait3A_524 = arith.constant 0 : i32
      %dma_wait3A_525 = tpu.memref_slice %arg9[%dma_wait3A_522, %dma_wait3A_523, %dma_wait3A_524] : memref<5x40x128xf32, #tpu.memory_space<vmem>> -> memref<1x40x128xf32, #tpu.memory_space<vmem>>
      %dma_wait3A_526 = tpu.memref_squeeze %dma_wait3A_525 : memref<1x40x128xf32, #tpu.memory_space<vmem>> -> memref<40x128xf32, #tpu.memory_space<vmem>>
      %dma_wait3A_527 = arith.constant 0 : i32
      %dma_wait3A_528 = arith.constant 0 : i32
      %dma_wait3A_529 = tpu.memref_slice %arg2[%dma_wait3A_527, %dma_wait3A_528] : memref<10000x128xf32, #tpu.memory_space<hbm>> -> memref<40x128xf32, #tpu.memory_space<hbm>>
      %dma_wait3A_530 = arith.constant 0 : i32
      %dma_wait3A_531 = arith.constant 0 : i32
      %dma_wait3A_532 = tpu.memref_slice %arg9[%dma_wait3A_522, %dma_wait3A_530, %dma_wait3A_531] : memref<5x40x128xf32, #tpu.memory_space<vmem>> -> memref<1x40x128xf32, #tpu.memory_space<vmem>>
      %dma_wait3A_533 = tpu.memref_squeeze %dma_wait3A_532 : memref<1x40x128xf32, #tpu.memory_space<vmem>> -> memref<40x128xf32, #tpu.memory_space<vmem>>
      %dma_wait3A_534 = arith.constant 0 : i32
      %dma_wait3A_535 = arith.constant 0 : i32
      %dma_wait3A_536 = tpu.memref_slice %arg2[%dma_wait3A_534, %dma_wait3A_535] : memref<10000x128xf32, #tpu.memory_space<hbm>> -> memref<40x128xf32, #tpu.memory_space<hbm>>
      tpu.wait_dma2 semaphore(%arg13 : memref<!tpu.dma_semaphore, #tpu.memory_space<semaphore_mem>>) src(%dma_wait3A_536 : memref<40x128xf32, #tpu.memory_space<hbm>>) dst(%dma_wait3A_533 : memref<40x128xf32, #tpu.memory_space<vmem>>)
      %add3A_537 = arith.constant 4 : i32
      %add3A_538 = arith.addi %add3A_495, %add3A_537 : i32
      %mul3A_539 = arith.constant 40 : i32
      %mul3A_540 = arith.muli %add3A_538, %mul3A_539 : i32
      %dma_start3A_541 = arith.constant 1 : i32
      %dma_start3A_542 = arith.constant 0 : i32
      %dma_start3A_543 = arith.constant 0 : i32
      %dma_start3A_544 = tpu.memref_slice %arg9[%dma_start3A_541, %dma_start3A_542, %dma_start3A_543] : memref<5x40x128xf32, #tpu.memory_space<vmem>> -> memref<1x40x128xf32, #tpu.memory_space<vmem>>
      %dma_start3A_545 = tpu.memref_squeeze %dma_start3A_544 : memref<1x40x128xf32, #tpu.memory_space<vmem>> -> memref<40x128xf32, #tpu.memory_space<vmem>>
      %dma_start3A_546 = tpu.memref_slice %arg7[%mul3A_540] : memref<10160xi32, #tpu.memory_space<vmem>> -> memref<40xi32, #tpu.memory_space<vmem>>
      %dma_start3A_547 = arith.constant 0 : i32
      %dma_start3A_548 = arith.constant 0 : i32
      %dma_start3A_549 = tpu.memref_slice %arg2[%dma_start3A_547, %dma_start3A_548] : memref<10000x128xf32, #tpu.memory_space<hbm>> -> memref<10000x128xf32, #tpu.memory_space<hbm>>
      tpu.enqueue_indirect_dma source(%dma_start3A_549 : memref<10000x128xf32, #tpu.memory_space<hbm>>) target(%dma_start3A_545 : memref<40x128xf32, #tpu.memory_space<vmem>>) offsets(%dma_start3A_546 : memref<40xi32, #tpu.memory_space<vmem>>) semaphore(%arg12 : memref<!tpu.dma_semaphore, #tpu.memory_space<semaphore_mem>>)
      %mul3A_550 = arith.constant 5 : i32
      %mul3A_551 = arith.muli %scan3A_375, %mul3A_550 : i32
      %add3A_552 = arith.constant 3 : i32
      %add3A_553 = arith.addi %mul3A_551, %add3A_552 : i32
      %dma_wait3A_554 = arith.constant 3 : i32
      %dma_wait3A_555 = arith.constant 0 : i32
      %dma_wait3A_556 = arith.constant 0 : i32
      %dma_wait3A_557 = tpu.memref_slice %arg9[%dma_wait3A_554, %dma_wait3A_555, %dma_wait3A_556] : memref<5x40x128xf32, #tpu.memory_space<vmem>> -> memref<1x40x128xf32, #tpu.memory_space<vmem>>
      %dma_wait3A_558 = tpu.memref_squeeze %dma_wait3A_557 : memref<1x40x128xf32, #tpu.memory_space<vmem>> -> memref<40x128xf32, #tpu.memory_space<vmem>>
      %dma_wait3A_559 = arith.constant 0 : i32
      %dma_wait3A_560 = arith.constant 0 : i32
      %dma_wait3A_561 = tpu.memref_slice %arg2[%dma_wait3A_559, %dma_wait3A_560] : memref<10000x128xf32, #tpu.memory_space<hbm>> -> memref<40x128xf32, #tpu.memory_space<hbm>>
      %dma_wait3A_562 = arith.constant 0 : i32
      %dma_wait3A_563 = arith.constant 0 : i32
      %dma_wait3A_564 = tpu.memref_slice %arg9[%dma_wait3A_554, %dma_wait3A_562, %dma_wait3A_563] : memref<5x40x128xf32, #tpu.memory_space<vmem>> -> memref<1x40x128xf32, #tpu.memory_space<vmem>>
      %dma_wait3A_565 = tpu.memref_squeeze %dma_wait3A_564 : memref<1x40x128xf32, #tpu.memory_space<vmem>> -> memref<40x128xf32, #tpu.memory_space<vmem>>
      %dma_wait3A_566 = arith.constant 0 : i32
      %dma_wait3A_567 = arith.constant 0 : i32
      %dma_wait3A_568 = tpu.memref_slice %arg2[%dma_wait3A_566, %dma_wait3A_567] : memref<10000x128xf32, #tpu.memory_space<hbm>> -> memref<40x128xf32, #tpu.memory_space<hbm>>
      tpu.wait_dma2 semaphore(%arg12 : memref<!tpu.dma_semaphore, #tpu.memory_space<semaphore_mem>>) src(%dma_wait3A_568 : memref<40x128xf32, #tpu.memory_space<hbm>>) dst(%dma_wait3A_565 : memref<40x128xf32, #tpu.memory_space<vmem>>)
      %mul3A_569 = arith.constant 40 : i32
      %mul3A_570 = arith.muli %add3A_553, %mul3A_569 : i32
      %dma_start3A_571 = arith.constant 3 : i32
      %dma_start3A_572 = arith.constant 0 : i32
      %dma_start3A_573 = arith.constant 0 : i32
      %dma_start3A_574 = tpu.memref_slice %arg9[%dma_start3A_571, %dma_start3A_572, %dma_start3A_573] : memref<5x40x128xf32, #tpu.memory_space<vmem>> -> memref<1x40x128xf32, #tpu.memory_space<vmem>>
      %dma_start3A_575 = tpu.memref_squeeze %dma_start3A_574 : memref<1x40x128xf32, #tpu.memory_space<vmem>> -> memref<40x128xf32, #tpu.memory_space<vmem>>
      %dma_start3A_576 = tpu.memref_slice %arg8[%mul3A_570] : memref<10000xi32, #tpu.memory_space<vmem>> -> memref<40xi32, #tpu.memory_space<vmem>>
      %dma_start3A_577 = arith.constant 0 : i32
      %dma_start3A_578 = arith.constant 0 : i32
      %dma_start3A_579 = tpu.memref_slice %arg10[%dma_start3A_577, %dma_start3A_578] : memref<10240x128xf32, #tpu.memory_space<vmem_shared>> -> memref<10240x128xf32, #tpu.memory_space<vmem_shared>>
      tpu.enqueue_indirect_dma source(%dma_start3A_575 : memref<40x128xf32, #tpu.memory_space<vmem>>) target(%dma_start3A_579 : memref<10240x128xf32, #tpu.memory_space<vmem_shared>>) offsets(%dma_start3A_576 : memref<40xi32, #tpu.memory_space<vmem>>) semaphore(%arg13 : memref<!tpu.dma_semaphore, #tpu.memory_space<semaphore_mem>>) {add = true}
      %dma_wait3A_580 = arith.constant 3 : i32
      %dma_wait3A_581 = arith.constant 0 : i32
      %dma_wait3A_582 = arith.constant 0 : i32
      %dma_wait3A_583 = tpu.memref_slice %arg9[%dma_wait3A_580, %dma_wait3A_581, %dma_wait3A_582] : memref<5x40x128xf32, #tpu.memory_space<vmem>> -> memref<1x40x128xf32, #tpu.memory_space<vmem>>
      %dma_wait3A_584 = tpu.memref_squeeze %dma_wait3A_583 : memref<1x40x128xf32, #tpu.memory_space<vmem>> -> memref<40x128xf32, #tpu.memory_space<vmem>>
      %dma_wait3A_585 = arith.constant 0 : i32
      %dma_wait3A_586 = arith.constant 0 : i32
      %dma_wait3A_587 = tpu.memref_slice %arg2[%dma_wait3A_585, %dma_wait3A_586] : memref<10000x128xf32, #tpu.memory_space<hbm>> -> memref<40x128xf32, #tpu.memory_space<hbm>>
      %dma_wait3A_588 = arith.constant 0 : i32
      %dma_wait3A_589 = arith.constant 0 : i32
      %dma_wait3A_590 = tpu.memref_slice %arg9[%dma_wait3A_580, %dma_wait3A_588, %dma_wait3A_589] : memref<5x40x128xf32, #tpu.memory_space<vmem>> -> memref<1x40x128xf32, #tpu.memory_space<vmem>>
      %dma_wait3A_591 = tpu.memref_squeeze %dma_wait3A_590 : memref<1x40x128xf32, #tpu.memory_space<vmem>> -> memref<40x128xf32, #tpu.memory_space<vmem>>
      %dma_wait3A_592 = arith.constant 0 : i32
      %dma_wait3A_593 = arith.constant 0 : i32
      %dma_wait3A_594 = tpu.memref_slice %arg2[%dma_wait3A_592, %dma_wait3A_593] : memref<10000x128xf32, #tpu.memory_space<hbm>> -> memref<40x128xf32, #tpu.memory_space<hbm>>
      tpu.wait_dma2 semaphore(%arg13 : memref<!tpu.dma_semaphore, #tpu.memory_space<semaphore_mem>>) src(%dma_wait3A_594 : memref<40x128xf32, #tpu.memory_space<hbm>>) dst(%dma_wait3A_591 : memref<40x128xf32, #tpu.memory_space<vmem>>)
      %add3A_595 = arith.constant 4 : i32
      %add3A_596 = arith.addi %add3A_553, %add3A_595 : i32
      %mul3A_597 = arith.constant 40 : i32
      %mul3A_598 = arith.muli %add3A_596, %mul3A_597 : i32
      %dma_start3A_599 = arith.constant 2 : i32
      %dma_start3A_600 = arith.constant 0 : i32
      %dma_start3A_601 = arith.constant 0 : i32
      %dma_start3A_602 = tpu.memref_slice %arg9[%dma_start3A_599, %dma_start3A_600, %dma_start3A_601] : memref<5x40x128xf32, #tpu.memory_space<vmem>> -> memref<1x40x128xf32, #tpu.memory_space<vmem>>
      %dma_start3A_603 = tpu.memref_squeeze %dma_start3A_602 : memref<1x40x128xf32, #tpu.memory_space<vmem>> -> memref<40x128xf32, #tpu.memory_space<vmem>>
      %dma_start3A_604 = tpu.memref_slice %arg7[%mul3A_598] : memref<10160xi32, #tpu.memory_space<vmem>> -> memref<40xi32, #tpu.memory_space<vmem>>
      %dma_start3A_605 = arith.constant 0 : i32
      %dma_start3A_606 = arith.constant 0 : i32
      %dma_start3A_607 = tpu.memref_slice %arg2[%dma_start3A_605, %dma_start3A_606] : memref<10000x128xf32, #tpu.memory_space<hbm>> -> memref<10000x128xf32, #tpu.memory_space<hbm>>
      tpu.enqueue_indirect_dma source(%dma_start3A_607 : memref<10000x128xf32, #tpu.memory_space<hbm>>) target(%dma_start3A_603 : memref<40x128xf32, #tpu.memory_space<vmem>>) offsets(%dma_start3A_604 : memref<40xi32, #tpu.memory_space<vmem>>) semaphore(%arg12 : memref<!tpu.dma_semaphore, #tpu.memory_space<semaphore_mem>>)
      %mul3A_608 = arith.constant 5 : i32
      %mul3A_609 = arith.muli %scan3A_375, %mul3A_608 : i32
      %add3A_610 = arith.constant 4 : i32
      %add3A_611 = arith.addi %mul3A_609, %add3A_610 : i32
      %dma_wait3A_612 = arith.constant 4 : i32
      %dma_wait3A_613 = arith.constant 0 : i32
      %dma_wait3A_614 = arith.constant 0 : i32
      %dma_wait3A_615 = tpu.memref_slice %arg9[%dma_wait3A_612, %dma_wait3A_613, %dma_wait3A_614] : memref<5x40x128xf32, #tpu.memory_space<vmem>> -> memref<1x40x128xf32, #tpu.memory_space<vmem>>
      %dma_wait3A_616 = tpu.memref_squeeze %dma_wait3A_615 : memref<1x40x128xf32, #tpu.memory_space<vmem>> -> memref<40x128xf32, #tpu.memory_space<vmem>>
      %dma_wait3A_617 = arith.constant 0 : i32
      %dma_wait3A_618 = arith.constant 0 : i32
      %dma_wait3A_619 = tpu.memref_slice %arg2[%dma_wait3A_617, %dma_wait3A_618] : memref<10000x128xf32, #tpu.memory_space<hbm>> -> memref<40x128xf32, #tpu.memory_space<hbm>>
      %dma_wait3A_620 = arith.constant 0 : i32
      %dma_wait3A_621 = arith.constant 0 : i32
      %dma_wait3A_622 = tpu.memref_slice %arg9[%dma_wait3A_612, %dma_wait3A_620, %dma_wait3A_621] : memref<5x40x128xf32, #tpu.memory_space<vmem>> -> memref<1x40x128xf32, #tpu.memory_space<vmem>>
      %dma_wait3A_623 = tpu.memref_squeeze %dma_wait3A_622 : memref<1x40x128xf32, #tpu.memory_space<vmem>> -> memref<40x128xf32, #tpu.memory_space<vmem>>
      %dma_wait3A_624 = arith.constant 0 : i32
      %dma_wait3A_625 = arith.constant 0 : i32
      %dma_wait3A_626 = tpu.memref_slice %arg2[%dma_wait3A_624, %dma_wait3A_625] : memref<10000x128xf32, #tpu.memory_space<hbm>> -> memref<40x128xf32, #tpu.memory_space<hbm>>
      tpu.wait_dma2 semaphore(%arg12 : memref<!tpu.dma_semaphore, #tpu.memory_space<semaphore_mem>>) src(%dma_wait3A_626 : memref<40x128xf32, #tpu.memory_space<hbm>>) dst(%dma_wait3A_623 : memref<40x128xf32, #tpu.memory_space<vmem>>)
      %mul3A_627 = arith.constant 40 : i32
      %mul3A_628 = arith.muli %add3A_611, %mul3A_627 : i32
      %dma_start3A_629 = arith.constant 4 : i32
      %dma_start3A_630 = arith.constant 0 : i32
      %dma_start3A_631 = arith.constant 0 : i32
      %dma_start3A_632 = tpu.memref_slice %arg9[%dma_start3A_629, %dma_start3A_630, %dma_start3A_631] : memref<5x40x128xf32, #tpu.memory_space<vmem>> -> memref<1x40x128xf32, #tpu.memory_space<vmem>>
      %dma_start3A_633 = tpu.memref_squeeze %dma_start3A_632 : memref<1x40x128xf32, #tpu.memory_space<vmem>> -> memref<40x128xf32, #tpu.memory_space<vmem>>
      %dma_start3A_634 = tpu.memref_slice %arg8[%mul3A_628] : memref<10000xi32, #tpu.memory_space<vmem>> -> memref<40xi32, #tpu.memory_space<vmem>>
      %dma_start3A_635 = arith.constant 0 : i32
      %dma_start3A_636 = arith.constant 0 : i32
      %dma_start3A_637 = tpu.memref_slice %arg10[%dma_start3A_635, %dma_start3A_636] : memref<10240x128xf32, #tpu.memory_space<vmem_shared>> -> memref<10240x128xf32, #tpu.memory_space<vmem_shared>>
      tpu.enqueue_indirect_dma source(%dma_start3A_633 : memref<40x128xf32, #tpu.memory_space<vmem>>) target(%dma_start3A_637 : memref<10240x128xf32, #tpu.memory_space<vmem_shared>>) offsets(%dma_start3A_634 : memref<40xi32, #tpu.memory_space<vmem>>) semaphore(%arg13 : memref<!tpu.dma_semaphore, #tpu.memory_space<semaphore_mem>>) {add = true}
      %dma_wait3A_638 = arith.constant 4 : i32
      %dma_wait3A_639 = arith.constant 0 : i32
      %dma_wait3A_640 = arith.constant 0 : i32
      %dma_wait3A_641 = tpu.memref_slice %arg9[%dma_wait3A_638, %dma_wait3A_639, %dma_wait3A_640] : memref<5x40x128xf32, #tpu.memory_space<vmem>> -> memref<1x40x128xf32, #tpu.memory_space<vmem>>
      %dma_wait3A_642 = tpu.memref_squeeze %dma_wait3A_641 : memref<1x40x128xf32, #tpu.memory_space<vmem>> -> memref<40x128xf32, #tpu.memory_space<vmem>>
      %dma_wait3A_643 = arith.constant 0 : i32
      %dma_wait3A_644 = arith.constant 0 : i32
      %dma_wait3A_645 = tpu.memref_slice %arg2[%dma_wait3A_643, %dma_wait3A_644] : memref<10000x128xf32, #tpu.memory_space<hbm>> -> memref<40x128xf32, #tpu.memory_space<hbm>>
      %dma_wait3A_646 = arith.constant 0 : i32
      %dma_wait3A_647 = arith.constant 0 : i32
      %dma_wait3A_648 = tpu.memref_slice %arg9[%dma_wait3A_638, %dma_wait3A_646, %dma_wait3A_647] : memref<5x40x128xf32, #tpu.memory_space<vmem>> -> memref<1x40x128xf32, #tpu.memory_space<vmem>>
      %dma_wait3A_649 = tpu.memref_squeeze %dma_wait3A_648 : memref<1x40x128xf32, #tpu.memory_space<vmem>> -> memref<40x128xf32, #tpu.memory_space<vmem>>
      %dma_wait3A_650 = arith.constant 0 : i32
      %dma_wait3A_651 = arith.constant 0 : i32
      %dma_wait3A_652 = tpu.memref_slice %arg2[%dma_wait3A_650, %dma_wait3A_651] : memref<10000x128xf32, #tpu.memory_space<hbm>> -> memref<40x128xf32, #tpu.memory_space<hbm>>
      tpu.wait_dma2 semaphore(%arg13 : memref<!tpu.dma_semaphore, #tpu.memory_space<semaphore_mem>>) src(%dma_wait3A_652 : memref<40x128xf32, #tpu.memory_space<hbm>>) dst(%dma_wait3A_649 : memref<40x128xf32, #tpu.memory_space<vmem>>)
      %add3A_653 = arith.constant 4 : i32
      %add3A_654 = arith.addi %add3A_611, %add3A_653 : i32
      %mul3A_655 = arith.constant 40 : i32
      %mul3A_656 = arith.muli %add3A_654, %mul3A_655 : i32
      %dma_start3A_657 = arith.constant 3 : i32
      %dma_start3A_658 = arith.constant 0 : i32
      %dma_start3A_659 = arith.constant 0 : i32
      %dma_start3A_660 = tpu.memref_slice %arg9[%dma_start3A_657, %dma_start3A_658, %dma_start3A_659] : memref<5x40x128xf32, #tpu.memory_space<vmem>> -> memref<1x40x128xf32, #tpu.memory_space<vmem>>
      %dma_start3A_661 = tpu.memref_squeeze %dma_start3A_660 : memref<1x40x128xf32, #tpu.memory_space<vmem>> -> memref<40x128xf32, #tpu.memory_space<vmem>>
      %dma_start3A_662 = tpu.memref_slice %arg7[%mul3A_656] : memref<10160xi32, #tpu.memory_space<vmem>> -> memref<40xi32, #tpu.memory_space<vmem>>
      %dma_start3A_663 = arith.constant 0 : i32
      %dma_start3A_664 = arith.constant 0 : i32
      %dma_start3A_665 = tpu.memref_slice %arg2[%dma_start3A_663, %dma_start3A_664] : memref<10000x128xf32, #tpu.memory_space<hbm>> -> memref<10000x128xf32, #tpu.memory_space<hbm>>
      tpu.enqueue_indirect_dma source(%dma_start3A_665 : memref<10000x128xf32, #tpu.memory_space<hbm>>) target(%dma_start3A_661 : memref<40x128xf32, #tpu.memory_space<vmem>>) offsets(%dma_start3A_662 : memref<40xi32, #tpu.memory_space<vmem>>) semaphore(%arg12 : memref<!tpu.dma_semaphore, #tpu.memory_space<semaphore_mem>>)
    }
    %scan3A_294 = arith.constant 49 : i32
    %dma_wait3A_295 = arith.constant 0 : i32
    %dma_wait3A_296 = arith.constant 0 : i32
    %dma_wait3A_297 = arith.constant 0 : i32
    %dma_wait3A_298 = tpu.memref_slice %arg9[%dma_wait3A_295, %dma_wait3A_296, %dma_wait3A_297] : memref<5x40x128xf32, #tpu.memory_space<vmem>> -> memref<1x40x128xf32, #tpu.memory_space<vmem>>
    %dma_wait3A_299 = tpu.memref_squeeze %dma_wait3A_298 : memref<1x40x128xf32, #tpu.memory_space<vmem>> -> memref<40x128xf32, #tpu.memory_space<vmem>>
    %dma_wait3A_300 = arith.constant 0 : i32
    %dma_wait3A_301 = arith.constant 0 : i32
    %dma_wait3A_302 = tpu.memref_slice %arg2[%dma_wait3A_300, %dma_wait3A_301] : memref<10000x128xf32, #tpu.memory_space<hbm>> -> memref<40x128xf32, #tpu.memory_space<hbm>>
    %dma_wait3A_303 = arith.constant 0 : i32
    %dma_wait3A_304 = arith.constant 0 : i32
    %dma_wait3A_305 = tpu.memref_slice %arg9[%dma_wait3A_295, %dma_wait3A_303, %dma_wait3A_304] : memref<5x40x128xf32, #tpu.memory_space<vmem>> -> memref<1x40x128xf32, #tpu.memory_space<vmem>>
    %dma_wait3A_306 = tpu.memref_squeeze %dma_wait3A_305 : memref<1x40x128xf32, #tpu.memory_space<vmem>> -> memref<40x128xf32, #tpu.memory_space<vmem>>
    %dma_wait3A_307 = arith.constant 0 : i32
    %dma_wait3A_308 = arith.constant 0 : i32
    %dma_wait3A_309 = tpu.memref_slice %arg2[%dma_wait3A_307, %dma_wait3A_308] : memref<10000x128xf32, #tpu.memory_space<hbm>> -> memref<40x128xf32, #tpu.memory_space<hbm>>
    tpu.wait_dma2 semaphore(%arg12 : memref<!tpu.dma_semaphore, #tpu.memory_space<semaphore_mem>>) src(%dma_wait3A_309 : memref<40x128xf32, #tpu.memory_space<hbm>>) dst(%dma_wait3A_306 : memref<40x128xf32, #tpu.memory_space<vmem>>)
    %dma_wait3A_310 = arith.constant 1 : i32
    %dma_wait3A_311 = arith.constant 0 : i32
    %dma_wait3A_312 = arith.constant 0 : i32
    %dma_wait3A_313 = tpu.memref_slice %arg9[%dma_wait3A_310, %dma_wait3A_311, %dma_wait3A_312] : memref<5x40x128xf32, #tpu.memory_space<vmem>> -> memref<1x40x128xf32, #tpu.memory_space<vmem>>
    %dma_wait3A_314 = tpu.memref_squeeze %dma_wait3A_313 : memref<1x40x128xf32, #tpu.memory_space<vmem>> -> memref<40x128xf32, #tpu.memory_space<vmem>>
    %dma_wait3A_315 = arith.constant 0 : i32
    %dma_wait3A_316 = arith.constant 0 : i32
    %dma_wait3A_317 = tpu.memref_slice %arg2[%dma_wait3A_315, %dma_wait3A_316] : memref<10000x128xf32, #tpu.memory_space<hbm>> -> memref<40x128xf32, #tpu.memory_space<hbm>>
    %dma_wait3A_318 = arith.constant 0 : i32
    %dma_wait3A_319 = arith.constant 0 : i32
    %dma_wait3A_320 = tpu.memref_slice %arg9[%dma_wait3A_310, %dma_wait3A_318, %dma_wait3A_319] : memref<5x40x128xf32, #tpu.memory_space<vmem>> -> memref<1x40x128xf32, #tpu.memory_space<vmem>>
    %dma_wait3A_321 = tpu.memref_squeeze %dma_wait3A_320 : memref<1x40x128xf32, #tpu.memory_space<vmem>> -> memref<40x128xf32, #tpu.memory_space<vmem>>
    %dma_wait3A_322 = arith.constant 0 : i32
    %dma_wait3A_323 = arith.constant 0 : i32
    %dma_wait3A_324 = tpu.memref_slice %arg2[%dma_wait3A_322, %dma_wait3A_323] : memref<10000x128xf32, #tpu.memory_space<hbm>> -> memref<40x128xf32, #tpu.memory_space<hbm>>
    tpu.wait_dma2 semaphore(%arg12 : memref<!tpu.dma_semaphore, #tpu.memory_space<semaphore_mem>>) src(%dma_wait3A_324 : memref<40x128xf32, #tpu.memory_space<hbm>>) dst(%dma_wait3A_321 : memref<40x128xf32, #tpu.memory_space<vmem>>)
    %dma_wait3A_325 = arith.constant 2 : i32
    %dma_wait3A_326 = arith.constant 0 : i32
    %dma_wait3A_327 = arith.constant 0 : i32
    %dma_wait3A_328 = tpu.memref_slice %arg9[%dma_wait3A_325, %dma_wait3A_326, %dma_wait3A_327] : memref<5x40x128xf32, #tpu.memory_space<vmem>> -> memref<1x40x128xf32, #tpu.memory_space<vmem>>
    %dma_wait3A_329 = tpu.memref_squeeze %dma_wait3A_328 : memref<1x40x128xf32, #tpu.memory_space<vmem>> -> memref<40x128xf32, #tpu.memory_space<vmem>>
    %dma_wait3A_330 = arith.constant 0 : i32
    %dma_wait3A_331 = arith.constant 0 : i32
    %dma_wait3A_332 = tpu.memref_slice %arg2[%dma_wait3A_330, %dma_wait3A_331] : memref<10000x128xf32, #tpu.memory_space<hbm>> -> memref<40x128xf32, #tpu.memory_space<hbm>>
    %dma_wait3A_333 = arith.constant 0 : i32
    %dma_wait3A_334 = arith.constant 0 : i32
    %dma_wait3A_335 = tpu.memref_slice %arg9[%dma_wait3A_325, %dma_wait3A_333, %dma_wait3A_334] : memref<5x40x128xf32, #tpu.memory_space<vmem>> -> memref<1x40x128xf32, #tpu.memory_space<vmem>>
    %dma_wait3A_336 = tpu.memref_squeeze %dma_wait3A_335 : memref<1x40x128xf32, #tpu.memory_space<vmem>> -> memref<40x128xf32, #tpu.memory_space<vmem>>
    %dma_wait3A_337 = arith.constant 0 : i32
    %dma_wait3A_338 = arith.constant 0 : i32
    %dma_wait3A_339 = tpu.memref_slice %arg2[%dma_wait3A_337, %dma_wait3A_338] : memref<10000x128xf32, #tpu.memory_space<hbm>> -> memref<40x128xf32, #tpu.memory_space<hbm>>
    tpu.wait_dma2 semaphore(%arg12 : memref<!tpu.dma_semaphore, #tpu.memory_space<semaphore_mem>>) src(%dma_wait3A_339 : memref<40x128xf32, #tpu.memory_space<hbm>>) dst(%dma_wait3A_336 : memref<40x128xf32, #tpu.memory_space<vmem>>)
    %dma_wait3A_340 = arith.constant 3 : i32
    %dma_wait3A_341 = arith.constant 0 : i32
    %dma_wait3A_342 = arith.constant 0 : i32
    %dma_wait3A_343 = tpu.memref_slice %arg9[%dma_wait3A_340, %dma_wait3A_341, %dma_wait3A_342] : memref<5x40x128xf32, #tpu.memory_space<vmem>> -> memref<1x40x128xf32, #tpu.memory_space<vmem>>
    %dma_wait3A_344 = tpu.memref_squeeze %dma_wait3A_343 : memref<1x40x128xf32, #tpu.memory_space<vmem>> -> memref<40x128xf32, #tpu.memory_space<vmem>>
    %dma_wait3A_345 = arith.constant 0 : i32
    %dma_wait3A_346 = arith.constant 0 : i32
    %dma_wait3A_347 = tpu.memref_slice %arg2[%dma_wait3A_345, %dma_wait3A_346] : memref<10000x128xf32, #tpu.memory_space<hbm>> -> memref<40x128xf32, #tpu.memory_space<hbm>>
    %dma_wait3A_348 = arith.constant 0 : i32
    %dma_wait3A_349 = arith.constant 0 : i32
    %dma_wait3A_350 = tpu.memref_slice %arg9[%dma_wait3A_340, %dma_wait3A_348, %dma_wait3A_349] : memref<5x40x128xf32, #tpu.memory_space<vmem>> -> memref<1x40x128xf32, #tpu.memory_space<vmem>>
    %dma_wait3A_351 = tpu.memref_squeeze %dma_wait3A_350 : memref<1x40x128xf32, #tpu.memory_space<vmem>> -> memref<40x128xf32, #tpu.memory_space<vmem>>
    %dma_wait3A_352 = arith.constant 0 : i32
    %dma_wait3A_353 = arith.constant 0 : i32
    %dma_wait3A_354 = tpu.memref_slice %arg2[%dma_wait3A_352, %dma_wait3A_353] : memref<10000x128xf32, #tpu.memory_space<hbm>> -> memref<40x128xf32, #tpu.memory_space<hbm>>
    tpu.wait_dma2 semaphore(%arg12 : memref<!tpu.dma_semaphore, #tpu.memory_space<semaphore_mem>>) src(%dma_wait3A_354 : memref<40x128xf32, #tpu.memory_space<hbm>>) dst(%dma_wait3A_351 : memref<40x128xf32, #tpu.memory_space<vmem>>)
    %dma_wait3A_355 = arith.constant 0 : i32
    %dma_wait3A_356 = arith.constant 0 : i32
    %dma_wait3A_357 = arith.constant 0 : i32
    %dma_wait3A_358 = tpu.memref_slice %arg9[%dma_wait3A_355, %dma_wait3A_356, %dma_wait3A_357] : memref<5x40x128xf32, #tpu.memory_space<vmem>> -> memref<1x40x128xf32, #tpu.memory_space<vmem>>
    %dma_wait3A_359 = tpu.memref_squeeze %dma_wait3A_358 : memref<1x40x128xf32, #tpu.memory_space<vmem>> -> memref<40x128xf32, #tpu.memory_space<vmem>>
    %dma_wait3A_360 = arith.constant 0 : i32
    %dma_wait3A_361 = arith.constant 0 : i32
    %dma_wait3A_362 = tpu.memref_slice %arg2[%dma_wait3A_360, %dma_wait3A_361] : memref<10000x128xf32, #tpu.memory_space<hbm>> -> memref<40x128xf32, #tpu.memory_space<hbm>>
    %dma_wait3A_363 = arith.constant 0 : i32
    %dma_wait3A_364 = arith.constant 0 : i32
    %dma_wait3A_365 = tpu.memref_slice %arg9[%dma_wait3A_355, %dma_wait3A_363, %dma_wait3A_364] : memref<5x40x128xf32, #tpu.memory_space<vmem>> -> memref<1x40x128xf32, #tpu.memory_space<vmem>>
    %dma_wait3A_366 = tpu.memref_squeeze %dma_wait3A_365 : memref<1x40x128xf32, #tpu.memory_space<vmem>> -> memref<40x128xf32, #tpu.memory_space<vmem>>
    %dma_wait3A_367 = arith.constant 0 : i32
    %dma_wait3A_368 = arith.constant 0 : i32
    %dma_wait3A_369 = tpu.memref_slice %arg2[%dma_wait3A_367, %dma_wait3A_368] : memref<10000x128xf32, #tpu.memory_space<hbm>> -> memref<40x128xf32, #tpu.memory_space<hbm>>
    tpu.wait_dma2 semaphore(%arg13 : memref<!tpu.dma_semaphore, #tpu.memory_space<semaphore_mem>>) src(%dma_wait3A_369 : memref<40x128xf32, #tpu.memory_space<hbm>>) dst(%dma_wait3A_366 : memref<40x128xf32, #tpu.memory_space<vmem>>)
    %barrier3A_370 = arith.constant 0 : index
    tpu.barrier barrier_id(%barrier3A_370)
    %mul3A_371 = arith.constant 640 : i32
    %mul3A_372 = arith.muli %arg1, %mul3A_371 : i32
    %mul3A_373 = arith.constant 640 : i32
    %mul3A_374 = arith.muli %arg1, %mul3A_373 : i32
    "tpu.region"() ({
      %run_scoped3A = tpu.sem_alloc : memref<!tpu.dma_semaphore, #tpu.memory_space<semaphore_mem>>
      %dma_start3A_375 = arith.constant 0 : i32
      %dma_start3A_376 = tpu.memref_slice %arg6[%arg0, %mul3A_374, %dma_start3A_375] : memref<2x10240x128xf32, #tpu.memory_space<hbm>> -> memref<1x640x128xf32, #tpu.memory_space<hbm>>
      %dma_start3A_377 = tpu.memref_squeeze %dma_start3A_376 : memref<1x640x128xf32, #tpu.memory_space<hbm>> -> memref<640x128xf32, #tpu.memory_space<hbm>>
      %dma_start3A_378 = arith.constant 0 : i32
      %dma_start3A_379 = tpu.memref_slice %arg10[%mul3A_372, %dma_start3A_378] : memref<10240x128xf32, #tpu.memory_space<vmem_shared>> -> memref<640x128xf32, #tpu.memory_space<vmem_shared>>
      tpu.enqueue_dma source(%dma_start3A_379 : memref<640x128xf32, #tpu.memory_space<vmem_shared>>) target(%dma_start3A_377 : memref<640x128xf32, #tpu.memory_space<hbm>>) target_semaphore(%run_scoped3A : memref<!tpu.dma_semaphore, #tpu.memory_space<semaphore_mem>>)
      %dma_wait3A_380 = arith.constant 0 : i32
      %dma_wait3A_381 = tpu.memref_slice %arg6[%arg0, %mul3A_374, %dma_wait3A_380] : memref<2x10240x128xf32, #tpu.memory_space<hbm>> -> memref<1x640x128xf32, #tpu.memory_space<hbm>>
      %dma_wait3A_382 = tpu.memref_squeeze %dma_wait3A_381 : memref<1x640x128xf32, #tpu.memory_space<hbm>> -> memref<640x128xf32, #tpu.memory_space<hbm>>
      %dma_wait3A_383 = arith.constant 0 : i32
      %dma_wait3A_384 = tpu.memref_slice %arg10[%mul3A_372, %dma_wait3A_383] : memref<10240x128xf32, #tpu.memory_space<vmem_shared>> -> memref<640x128xf32, #tpu.memory_space<vmem_shared>>
      tpu.wait_dma2 semaphore(%run_scoped3A : memref<!tpu.dma_semaphore, #tpu.memory_space<semaphore_mem>>) src(%dma_wait3A_384 : memref<640x128xf32, #tpu.memory_space<vmem_shared>>) dst(%dma_wait3A_382 : memref<640x128xf32, #tpu.memory_space<hbm>>)
      tpu.yield
    }) : () -> ()
    return
  }
}

module attributes {stable_mosaic.version = 14 : i64} {
  func.func @_dense_body(%arg0: memref<10000x128xf32, #tpu.memory_space<vmem>>, %arg1: memref<2x10240x128xf32, #tpu.memory_space<vmem>>, %arg2: memref<128x128xf32, #tpu.memory_space<vmem>>, %arg3: memref<1x128xf32, #tpu.memory_space<vmem>>, %arg4: memref<128x128xf32, #tpu.memory_space<vmem>>, %arg5: memref<1x128xf32, #tpu.memory_space<vmem>>, %arg6: memref<1x128xf32, #tpu.memory_space<vmem>>, %arg7: memref<1x128xf32, #tpu.memory_space<vmem>>, %arg8: memref<10000x128xf32, #tpu.memory_space<vmem>>) attributes {dimension_semantics = [], scalar_prefetch = 0 : i64, scratch_operands = 0 : i64, tpu.core_type = #tpu.core_type<tc>} {
    %get3A = arith.constant 0 : index
    %get3A_0 = arith.constant 0 : index
    %get3A_1 = vector.load %arg0[%get3A, %get3A_0] : memref<10000x128xf32, #tpu.memory_space<vmem>>, vector<10000x128xf32>
    %get3A_2 = arith.constant 0 : index
    %get3A_3 = arith.constant 0 : index
    %get3A_4 = arith.constant 0 : index
    %get3A_5 = vector.load %arg1[%get3A_2, %get3A_3, %get3A_4] : memref<2x10240x128xf32, #tpu.memory_space<vmem>>, vector<1x10000x128xf32>
    %get3A_6 = vector.shape_cast %get3A_5 : vector<1x10000x128xf32> to vector<10000x128xf32>
    %add3A = arith.addf %get3A_1, %get3A_6 : vector<10000x128xf32>
    %get3A_7 = arith.constant 1 : index
    %get3A_8 = arith.constant 0 : index
    %get3A_9 = arith.constant 0 : index
    %get3A_10 = vector.load %arg1[%get3A_7, %get3A_8, %get3A_9] : memref<2x10240x128xf32, #tpu.memory_space<vmem>>, vector<1x10000x128xf32>
    %get3A_11 = vector.shape_cast %get3A_10 : vector<1x10000x128xf32> to vector<10000x128xf32>
    %add3A_12 = arith.addf %add3A, %get3A_11 : vector<10000x128xf32>
    %get3A_13 = arith.constant 0 : index
    %get3A_14 = arith.constant 0 : index
    %get3A_15 = vector.load %arg2[%get3A_13, %get3A_14] : memref<128x128xf32, #tpu.memory_space<vmem>>, vector<128x128xf32>
    %dot_general3A = arith.constant dense<0.000000e+00> : vector<10000x128xf32>
    %dot_general3A_16 = tpu.matmul %add3A_12, %get3A_15, %dot_general3A {dimension_numbers = #tpu.dot_dimension_numbers<[1], [0], [0], [1], [0, 0, 1, 1], [], []>, transpose_lhs_hint = false} : vector<10000x128xf32>, vector<128x128xf32>, vector<10000x128xf32> -> vector<10000x128xf32>
    %get3A_17 = arith.constant 0 : index
    %get3A_18 = arith.constant 0 : index
    %get3A_19 = vector.load %arg3[%get3A_17, %get3A_18] : memref<1x128xf32, #tpu.memory_space<vmem>>, vector<1x128xf32>
    %add3A_20 = vector.broadcast %get3A_19 : vector<1x128xf32> to vector<10000x128xf32>
    %add3A_21 = arith.addf %dot_general3A_16, %add3A_20 : vector<10000x128xf32>
    %max3A = arith.constant 0.000000e+00 : f32
    %max3A_22 = vector.broadcast %max3A : f32 to vector<10000x128xf32>
    %max3A_23 = arith.maximumf %add3A_21, %max3A_22 : vector<10000x128xf32>
    %get3A_24 = arith.constant 0 : index
    %get3A_25 = arith.constant 0 : index
    %get3A_26 = vector.load %arg4[%get3A_24, %get3A_25] : memref<128x128xf32, #tpu.memory_space<vmem>>, vector<128x128xf32>
    %dot_general3A_27 = arith.constant dense<0.000000e+00> : vector<10000x128xf32>
    %dot_general3A_28 = tpu.matmul %max3A_23, %get3A_26, %dot_general3A_27 {dimension_numbers = #tpu.dot_dimension_numbers<[1], [0], [0], [1], [0, 0, 1, 1], [], []>, transpose_lhs_hint = false} : vector<10000x128xf32>, vector<128x128xf32>, vector<10000x128xf32> -> vector<10000x128xf32>
    %get3A_29 = arith.constant 0 : index
    %get3A_30 = arith.constant 0 : index
    %get3A_31 = vector.load %arg5[%get3A_29, %get3A_30] : memref<1x128xf32, #tpu.memory_space<vmem>>, vector<1x128xf32>
    %add3A_32 = vector.broadcast %get3A_31 : vector<1x128xf32> to vector<10000x128xf32>
    %add3A_33 = arith.addf %dot_general3A_28, %add3A_32 : vector<10000x128xf32>
    %reduce_sum3A = arith.constant dense<0.000000e+00> : vector<128xf32>
    %reduce_sum3A_34 = vector.multi_reduction <add>, %add3A_33, %reduce_sum3A [0] : vector<10000x128xf32> to vector<128xf32>
    %broadcast_in_dim3A = vector.shape_cast %reduce_sum3A_34 : vector<128xf32> to vector<1x128xf32>
    %div3A = arith.constant 1.000000e+04 : f32
    %div3A_35 = vector.broadcast %div3A : f32 to vector<1x128xf32>
    %div3A_36 = arith.divf %broadcast_in_dim3A, %div3A_35 : vector<1x128xf32>
    %sub3A = vector.broadcast %div3A_36 : vector<1x128xf32> to vector<10000x128xf32>
    %sub3A_37 = arith.subf %add3A_33, %sub3A : vector<10000x128xf32>
    %integer_pow3A = arith.mulf %sub3A_37, %sub3A_37 : vector<10000x128xf32>
    %reduce_sum3A_38 = arith.constant dense<0.000000e+00> : vector<128xf32>
    %reduce_sum3A_39 = vector.multi_reduction <add>, %integer_pow3A, %reduce_sum3A_38 [0] : vector<10000x128xf32> to vector<128xf32>
    %broadcast_in_dim3A_40 = vector.shape_cast %reduce_sum3A_39 : vector<128xf32> to vector<1x128xf32>
    %div3A_41 = arith.constant 1.000000e+04 : f32
    %div3A_42 = vector.broadcast %div3A_41 : f32 to vector<1x128xf32>
    %div3A_43 = arith.divf %broadcast_in_dim3A_40, %div3A_42 : vector<1x128xf32>
    %sub3A_44 = vector.broadcast %div3A_36 : vector<1x128xf32> to vector<10000x128xf32>
    %sub3A_45 = arith.subf %add3A_33, %sub3A_44 : vector<10000x128xf32>
    %add3A_46 = arith.constant 9.99999974E-6 : f32
    %add3A_47 = vector.broadcast %add3A_46 : f32 to vector<1x128xf32>
    %add3A_48 = arith.addf %div3A_43, %add3A_47 : vector<1x128xf32>
    %rsqrt3A = math.rsqrt %add3A_48 : vector<1x128xf32>
    %mul3A = vector.broadcast %rsqrt3A : vector<1x128xf32> to vector<10000x128xf32>
    %mul3A_49 = arith.mulf %sub3A_45, %mul3A : vector<10000x128xf32>
    %get3A_50 = arith.constant 0 : index
    %get3A_51 = arith.constant 0 : index
    %get3A_52 = vector.load %arg6[%get3A_50, %get3A_51] : memref<1x128xf32, #tpu.memory_space<vmem>>, vector<1x128xf32>
    %mul3A_53 = vector.broadcast %get3A_52 : vector<1x128xf32> to vector<10000x128xf32>
    %mul3A_54 = arith.mulf %mul3A_49, %mul3A_53 : vector<10000x128xf32>
    %get3A_55 = arith.constant 0 : index
    %get3A_56 = arith.constant 0 : index
    %get3A_57 = vector.load %arg7[%get3A_55, %get3A_56] : memref<1x128xf32, #tpu.memory_space<vmem>>, vector<1x128xf32>
    %add3A_58 = vector.broadcast %get3A_57 : vector<1x128xf32> to vector<10000x128xf32>
    %add3A_59 = arith.addf %mul3A_54, %add3A_58 : vector<10000x128xf32>
    %max3A_60 = arith.constant 0.000000e+00 : f32
    %max3A_61 = vector.broadcast %max3A_60 : f32 to vector<10000x128xf32>
    %max3A_62 = arith.maximumf %add3A_59, %max3A_61 : vector<10000x128xf32>
    %swap3A = arith.constant 0 : index
    %swap3A_63 = arith.constant 0 : index
    %swap3A_64 = vector.load %arg8[%swap3A, %swap3A_63] : memref<10000x128xf32, #tpu.memory_space<vmem>>, vector<10000x128xf32>
    tpu.vector_store %arg8[%swap3A, %swap3A_63], %max3A_62 {strides = array<i32>} : memref<10000x128xf32, #tpu.memory_space<vmem>>, vector<10000x128xf32>,
    return
  }
}

module attributes {stable_mosaic.version = 14 : i64} {
  func.func @_dense_body(%arg0: memref<10000x128xf32, #tpu.memory_space<vmem>>, %arg1: memref<2x10240x128xf32, #tpu.memory_space<vmem>>, %arg2: memref<128x128xf32, #tpu.memory_space<vmem>>, %arg3: memref<1x128xf32, #tpu.memory_space<vmem>>, %arg4: memref<128x128xf32, #tpu.memory_space<vmem>>, %arg5: memref<1x128xf32, #tpu.memory_space<vmem>>, %arg6: memref<1x128xf32, #tpu.memory_space<vmem>>, %arg7: memref<1x128xf32, #tpu.memory_space<vmem>>, %arg8: memref<10000x128xf32, #tpu.memory_space<vmem>>) attributes {dimension_semantics = [], scalar_prefetch = 0 : i64, scratch_operands = 0 : i64, tpu.core_type = #tpu.core_type<tc>} {
    %get3A = arith.constant 0 : index
    %get3A_0 = arith.constant 0 : index
    %get3A_1 = vector.load %arg0[%get3A, %get3A_0] : memref<10000x128xf32, #tpu.memory_space<vmem>>, vector<10000x128xf32>
    %get3A_2 = arith.constant 0 : index
    %get3A_3 = arith.constant 0 : index
    %get3A_4 = arith.constant 0 : index
    %get3A_5 = vector.load %arg1[%get3A_2, %get3A_3, %get3A_4] : memref<2x10240x128xf32, #tpu.memory_space<vmem>>, vector<1x10000x128xf32>
    %get3A_6 = vector.shape_cast %get3A_5 : vector<1x10000x128xf32> to vector<10000x128xf32>
    %add3A = arith.addf %get3A_1, %get3A_6 : vector<10000x128xf32>
    %get3A_7 = arith.constant 1 : index
    %get3A_8 = arith.constant 0 : index
    %get3A_9 = arith.constant 0 : index
    %get3A_10 = vector.load %arg1[%get3A_7, %get3A_8, %get3A_9] : memref<2x10240x128xf32, #tpu.memory_space<vmem>>, vector<1x10000x128xf32>
    %get3A_11 = vector.shape_cast %get3A_10 : vector<1x10000x128xf32> to vector<10000x128xf32>
    %add3A_12 = arith.addf %add3A, %get3A_11 : vector<10000x128xf32>
    %get3A_13 = arith.constant 0 : index
    %get3A_14 = arith.constant 0 : index
    %get3A_15 = vector.load %arg2[%get3A_13, %get3A_14] : memref<128x128xf32, #tpu.memory_space<vmem>>, vector<128x128xf32>
    %dot_general3A = arith.constant dense<0.000000e+00> : vector<10000x128xf32>
    %dot_general3A_16 = tpu.matmul %add3A_12, %get3A_15, %dot_general3A {dimension_numbers = #tpu.dot_dimension_numbers<[1], [0], [0], [1], [0, 0, 1, 1], [], []>, transpose_lhs_hint = false} : vector<10000x128xf32>, vector<128x128xf32>, vector<10000x128xf32> -> vector<10000x128xf32>
    %get3A_17 = arith.constant 0 : index
    %get3A_18 = arith.constant 0 : index
    %get3A_19 = vector.load %arg3[%get3A_17, %get3A_18] : memref<1x128xf32, #tpu.memory_space<vmem>>, vector<1x128xf32>
    %add3A_20 = vector.broadcast %get3A_19 : vector<1x128xf32> to vector<10000x128xf32>
    %add3A_21 = arith.addf %dot_general3A_16, %add3A_20 : vector<10000x128xf32>
    %max3A = arith.constant 0.000000e+00 : f32
    %max3A_22 = vector.broadcast %max3A : f32 to vector<10000x128xf32>
    %max3A_23 = arith.maximumf %add3A_21, %max3A_22 : vector<10000x128xf32>
    %get3A_24 = arith.constant 0 : index
    %get3A_25 = arith.constant 0 : index
    %get3A_26 = vector.load %arg4[%get3A_24, %get3A_25] : memref<128x128xf32, #tpu.memory_space<vmem>>, vector<128x128xf32>
    %dot_general3A_27 = arith.constant dense<0.000000e+00> : vector<10000x128xf32>
    %dot_general3A_28 = tpu.matmul %max3A_23, %get3A_26, %dot_general3A_27 {dimension_numbers = #tpu.dot_dimension_numbers<[1], [0], [0], [1], [0, 0, 1, 1], [], []>, transpose_lhs_hint = false} : vector<10000x128xf32>, vector<128x128xf32>, vector<10000x128xf32> -> vector<10000x128xf32>
    %get3A_29 = arith.constant 0 : index
    %get3A_30 = arith.constant 0 : index
    %get3A_31 = vector.load %arg5[%get3A_29, %get3A_30] : memref<1x128xf32, #tpu.memory_space<vmem>>, vector<1x128xf32>
    %add3A_32 = vector.broadcast %get3A_31 : vector<1x128xf32> to vector<10000x128xf32>
    %add3A_33 = arith.addf %dot_general3A_28, %add3A_32 : vector<10000x128xf32>
    %reduce_sum3A = arith.constant dense<0.000000e+00> : vector<128xf32>
    %reduce_sum3A_34 = vector.multi_reduction <add>, %add3A_33, %reduce_sum3A [0] : vector<10000x128xf32> to vector<128xf32>
    %broadcast_in_dim3A = vector.shape_cast %reduce_sum3A_34 : vector<128xf32> to vector<1x128xf32>
    %div3A = arith.constant 1.000000e+04 : f32
    %div3A_35 = vector.broadcast %div3A : f32 to vector<1x128xf32>
    %div3A_36 = arith.divf %broadcast_in_dim3A, %div3A_35 : vector<1x128xf32>
    %sub3A = vector.broadcast %div3A_36 : vector<1x128xf32> to vector<10000x128xf32>
    %sub3A_37 = arith.subf %add3A_33, %sub3A : vector<10000x128xf32>
    %integer_pow3A = arith.mulf %sub3A_37, %sub3A_37 : vector<10000x128xf32>
    %reduce_sum3A_38 = arith.constant dense<0.000000e+00> : vector<128xf32>
    %reduce_sum3A_39 = vector.multi_reduction <add>, %integer_pow3A, %reduce_sum3A_38 [0] : vector<10000x128xf32> to vector<128xf32>
    %broadcast_in_dim3A_40 = vector.shape_cast %reduce_sum3A_39 : vector<128xf32> to vector<1x128xf32>
    %div3A_41 = arith.constant 1.000000e+04 : f32
    %div3A_42 = vector.broadcast %div3A_41 : f32 to vector<1x128xf32>
    %div3A_43 = arith.divf %broadcast_in_dim3A_40, %div3A_42 : vector<1x128xf32>
    %sub3A_44 = vector.broadcast %div3A_36 : vector<1x128xf32> to vector<10000x128xf32>
    %sub3A_45 = arith.subf %add3A_33, %sub3A_44 : vector<10000x128xf32>
    %add3A_46 = arith.constant 9.99999974E-6 : f32
    %add3A_47 = vector.broadcast %add3A_46 : f32 to vector<1x128xf32>
    %add3A_48 = arith.addf %div3A_43, %add3A_47 : vector<1x128xf32>
    %rsqrt3A = math.rsqrt %add3A_48 : vector<1x128xf32>
    %mul3A = vector.broadcast %rsqrt3A : vector<1x128xf32> to vector<10000x128xf32>
    %mul3A_49 = arith.mulf %sub3A_45, %mul3A : vector<10000x128xf32>
    %get3A_50 = arith.constant 0 : index
    %get3A_51 = arith.constant 0 : index
    %get3A_52 = vector.load %arg6[%get3A_50, %get3A_51] : memref<1x128xf32, #tpu.memory_space<vmem>>, vector<1x128xf32>
    %mul3A_53 = vector.broadcast %get3A_52 : vector<1x128xf32> to vector<10000x128xf32>
    %mul3A_54 = arith.mulf %mul3A_49, %mul3A_53 : vector<10000x128xf32>
    %get3A_55 = arith.constant 0 : index
    %get3A_56 = arith.constant 0 : index
    %get3A_57 = vector.load %arg7[%get3A_55, %get3A_56] : memref<1x128xf32, #tpu.memory_space<vmem>>, vector<1x128xf32>
    %add3A_58 = vector.broadcast %get3A_57 : vector<1x128xf32> to vector<10000x128xf32>
    %add3A_59 = arith.addf %mul3A_54, %add3A_58 : vector<10000x128xf32>
    %max3A_60 = arith.constant 0.000000e+00 : f32
    %max3A_61 = vector.broadcast %max3A_60 : f32 to vector<10000x128xf32>
    %max3A_62 = arith.maximumf %add3A_59, %max3A_61 : vector<10000x128xf32>
    %swap3A = arith.constant 0 : index
    %swap3A_63 = arith.constant 0 : index
    %swap3A_64 = vector.load %arg8[%swap3A, %swap3A_63] : memref<10000x128xf32, #tpu.memory_space<vmem>>, vector<10000x128xf32>
    tpu.vector_store %arg8[%swap3A, %swap3A_63], %max3A_62 {strides = array<i32>} : memref<10000x128xf32, #tpu.memory_space<vmem>>, vector<10000x128xf32>,
    return
  }
}

</mosaic_0001>

<sc_bundles>
// kernel: kernel.6.cloned.1.call-start
scs
__scs_entry_jumppad:
0x0: {  	(pc) =	sbr.rel $0x88, $3  }
0x1: {  	(tag) =	ssettag $0x0;
	lr =	simm.s32 $0x1  }
0x2: {  	[smem:$0x3F93] =	sst lr;
	_ =	strace $0xD0000000  }
0x3: {  	_ = 	snop  }
0x4: {  	_ = 	snop  }
0x5: {  	_ = 	snop  }
0x6: {  	_ = 	snop  }
0x7: {  	_ = 	snop  }
__scs_overlays_trampoline_lowered:
0x8: {  	[smem:$0x3FA2] =	sst s0  }
0x9: {  	[smem:$0x3FA3] =	sst s1  }
0xa: {  	[smem:$0x3FA4] =	sst s2  }
0xb: {  	[smem:$0x3FA5] =	sst s3  }
0xc: {  	[smem:$0x3FA6] =	sst s4  }
0xd: {  	[smem:$0x3FA7] =	sst s5  }
0xe: {  	[smem:$0x3FA8] =	sst s6  }
0xf: {  	[smem:$0x3FA9] =	sst s7  }
0x10: {  	[smem:$0x3FAA] =	sst s8  }
0x11: {  	[smem:$0x3FAB] =	sst s9;
	s0 =	simm.s32 @!p0 $0x0  }
0x12: {  	s1 =	sld [smem:$0x3F91];
	s0 =	simm.s32 @p0 $0x1  }
0x13: {  	[smem:$0x3FAC] =	sst s0;
	s0 =	simm.s32 @!p1 $0x0  }
0x14: {  	s2 =	sld [smem:$0x3F90];
	s0 =	simm.s32 @p1 $0x1  }
0x15: {  	[smem:$0x3FAD] =	sst s0;
	s0 =	simm.s32 @!p2 $0x0  }
0x16: {  	s3 =	sld [smem:$0x3FDB];
	s0 =	simm.s32 @p2 $0x1  }
0x17: {  	s4 =	simm.s32 $0x1BF5;
	[smem:$0x3FAF] =	sst s0  }
0x18: {  	s0 =	sld [smem:$0x3F92];
	_ =	swait.ge [sflag:s4], $0x0  }
0x19: {  	s7 =	sld [smem:$0x3F93]  }
0x1a: {  	s8 =	sadd.s32 $0xFFFFE003, lr  }
0x1b: {  	s9 =	sadd.s32 $0xFFFFFEF7, lr;
	s5 =	simm.s32 $0xFFFFFFFF;
	p2 =	slt.u32 s8, $0xFFFFF086  }
0x1c: {  	p1 =	slt.u32 s9, $0xF7A;
	s5 =	simm.s32 @!p2 $0x0  }
0x1d: {  	s5 =	simm.s32 @p1 $0x1;
	p0 =	seq.s32 s7, s2  }
0x1e: {  	s7 =	smul.u32 @!p0 $0xF7A, s2;
	p2 =	seq.s32 @!p0 s5, $0x0  }
0x1f: {  	s9 =	smul.u32 $0xF7A, s1;
	s8 =	simm.s32 @!p0 $0x1BF5;
	p2 =	por !p2, p0  }
0x20: {  	[sflag:s8] =	ssyncset.s32 @!p0 $0xFFFFF086;
	s6 =	sadd.s32 @!p0 s3, s7;
	s7 =	simm.s32 @!p0 $0x108  }
0x21: {  	s3 =	sadd.s32 s3, s9;
	s6 =	sadd.s32 @!p0 $0x88, s6;
	s7 =	simm.s32 @p2 $0x1082  }
0x22: {  	[simem:s7], [sflag:s8] =	dma.local @!p0 [hbm:s6], $0xF7A  }
0x23: {  	s9 =	sor.u32 $0xD0000000, s2;
	s6 =	simm.s32 $0x108;
	_ =	swait.ge @!p0 [sflag:s8], $0x0  }
0x24: {  	s3 =	sadd.s32 $0x88, s3;
	s6 =	simm.s32 @!p1 $0x1082;
	[sflag:s4] =	ssyncset.s32 $0xFFFFF086  }
0x25: {  	[simem:s6], [sflag:s4] =	dma.local [hbm:s3], $0xF7A  }
0x26: {  	[smem:$0x3F93] =	sst s1;
	(tag) =	ssettag s2;
	_ =	strace s9  }
0x27: {  	s1 =	sld [smem:$0x3FA3]  }
0x28: {  	s2 =	sld [smem:$0x3FA4]  }
0x29: {  	s4 =	sld [smem:$0x3FA6]  }
0x2a: {  	p0 =	seq.s32 s5, $0x0;
	s5 =	sld [smem:$0x3FA7]  }
0x2b: {  	s6 =	sld [smem:$0x3FA8]  }
0x2c: {  	s7 =	sld [smem:$0x3FA9]  }
0x2d: {  	s3 =	simm.s32 $0x108;
	s8 =	sld [smem:$0x3FAA]  }
0x2e: {  	s3 =	simm.s32 @!p0 $0x1082;
	s9 =	sld [smem:$0x3FAB]  }
0x2f: {  	lr =	sadd.s32 s0, s3;
	s0 =	sld [smem:$0x3FA2]  }
0x30: {  	s3 =	sld [smem:$0x3FA5]  }
0x31: {  	[smem:$0x3FAE] =	sst s10  }
0x32: {  	s10 =	sld [smem:$0x3FAC];
	_ =	sdelay $0x3  }
0x33: {  	p0 =	seq.s32 s10, $0x1;
	s10 =	sld [smem:$0x3FAE];
	_ =	sdelay $0x3  }
0x34: {  	[smem:$0x3FAE] =	sst s10  }
0x35: {  	s10 =	sld [smem:$0x3FAD];
	_ =	sdelay $0x3  }
0x36: {  	p1 =	seq.s32 s10, $0x1;
	s10 =	sld [smem:$0x3FAE];
	_ =	sdelay $0x3  }
0x37: {  	[smem:$0x3FAE] =	sst s10  }
0x38: {  	s10 =	sld [smem:$0x3FAF]  }
0x39: {  	_ = 	snop;
	(pc) =	sbr.ind lr, $3  }
0x3a: {  	_ = 	snop  }
0x3b: {  	_ = 	snop  }
0x3c: {  	p2 =	seq.s32 s10, $0x1;
	s10 =	sld [smem:$0x3FAE]  }
0x3d: {  	_ =	shalt  }
0x3e: {  	_ =	shalt  }
0x3f: {  	_ =	shalt  }
0x40: {  	_ =	shalt  }
0x41: {  	_ =	shalt  }
0x42: {  	_ =	shalt  }
0x43: {  	_ =	shalt  }
0x44: {  	_ =	shalt  }
0x45: {  	_ =	shalt  }
0x46: {  	_ =	shalt  }
0x47: {  	_ =	shalt  }
0x48: {  	_ =	shalt  }
0x49: {  	_ =	shalt  }
0x4a: {  	_ =	shalt  }
0x4b: {  	_ =	shalt  }
0x4c: {  	_ =	shalt  }
0x4d: {  	_ =	shalt  }
0x4e: {  	_ =	shalt  }
0x4f: {  	_ =	shalt  }
0x50: {  	_ =	shalt  }
0x51: {  	_ =	shalt  }
0x52: {  	_ =	shalt  }
0x53: {  	_ =	shalt  }
0x54: {  	_ =	shalt  }
0x55: {  	_ =	shalt  }
0x56: {  	_ =	shalt  }
0x57: {  	_ =	shalt  }
0x58: {  	_ =	shalt  }
0x59: {  	_ =	shalt  }
0x5a: {  	_ =	shalt  }
0x5b: {  	_ =	shalt  }
0x5c: {  	_ =	shalt  }
0x5d: {  	_ =	shalt  }
0x5e: {  	_ =	shalt  }
0x5f: {  	_ =	shalt  }
0x60: {  	_ =	shalt  }
0x61: {  	_ =	shalt  }
0x62: {  	_ =	shalt  }
0x63: {  	_ =	shalt  }
0x64: {  	_ =	shalt  }
0x65: {  	_ =	shalt  }
0x66: {  	_ =	shalt  }
0x67: {  	_ =	shalt  }
0x68: {  	_ =	shalt  }
0x69: {  	_ =	shalt  }
0x6a: {  	_ =	shalt  }
0x6b: {  	_ =	shalt  }
0x6c: {  	_ =	shalt  }
0x6d: {  	_ =	shalt  }
0x6e: {  	_ =	shalt  }
0x6f: {  	_ =	shalt  }
0x70: {  	_ =	shalt  }
0x71: {  	_ =	shalt  }
0x72: {  	_ =	shalt  }
0x73: {  	_ =	shalt  }
0x74: {  	_ =	shalt  }
0x75: {  	_ =	shalt  }
0x76: {  	_ =	shalt  }
0x77: {  	_ =	shalt  }
0x78: {  	_ =	shalt  }
0x79: {  	_ =	shalt  }
0x7a: {  	_ =	shalt  }
0x7b: {  	_ =	shalt  }
0x7c: {  	_ =	shalt  }
0x7d: {  	_ =	shalt  }
0x7e: {  	_ =	shalt  }
0x7f: {  	_ =	shalt  }
0x80: {  	_ =	shalt  }
0x81: {  	_ =	shalt  }
0x82: {  	_ =	shalt  }
0x83: {  	_ =	shalt  }
0x84: {  	_ =	shalt  }
0x85: {  	_ =	shalt  }
0x86: {  	_ =	shalt  }
0x87: {  	_ =	shalt  }
.Lfunc_end0:
.L_simem_size_0:
called_computation_lowered:
.L_overlay_start_0:
0x88: {  	s2 =	sld [smem:$0x3FD9]  }
0x89: {  	s3 =	sld [smem:$0x3FFE];
	_ =	sdelay $0x1  }
0x8a: {  	s1 =	srdreg.scid  }
0x8b: {  	s0 =	sand.u32 $0x1, s1  }
0x8c: {  	s17 =	sshll.u32 s0, $0xA;
	s2 =	sadd.s32 s3, s2  }
0x8d: {  	s2 =	sadd.s32 s2, s17  }
0x8e: {  	[smem:$0x3FBA] =	sst s2  }
0x8f: {  	_ = 	snop  }
0x90: {  	s2 =	sld [smem:$0x3FC9];
	(tm) =	ssettm $0x1  }
0x91: {  	s18 =	sld [smem:$0x3FFB];
	_ =	sdelay $0x3  }
0x92: {  	_ =	strace s18  }
0x93: {  	s3 =	sld [smem:$0x3FFC];
	_ =	sdelay $0x3  }
0x94: {  	_ =	strace s3  }
0x95: {  	s3 =	sld [smem:$0x3FFD];
	_ =	sdelay $0x3  }
0x96: {  	_ =	strace s3  }
0x97: {  	_ =	strace $0x8FFFFFFF  }
0x98: {  	s19 =	sld [smem:$0x3FDB];
	_ =	sdelay $0x1  }
0x99: {  	s4 =	simm.s32 $_scs_section_size  }
0x9a: {  	s5 =	simm.s32 $_size__tile_overlayer_lowered;
	s6 =	simm.s32 $_tile_overlayer_lowered  }
0x9b: {  	s22 =	simm.s32 $0x1BFF;
	s21 =	sshll.u32 s6, $0x1;
	s3 =	sadd.s32 s4, s19  }
0x9c: {  	s7 =	simm.s32 $0x0;
	s20 =	sshll.u32 s5, $0x1;
	s5 =	sadd.s32 s21, s3  }
0x9d: {  	[timem:s7], [sflag:s22] =	dma.local [hbm:s5], s20  }
0x9e: {  	_ =	swait.ge [sflag:s22], s20  }
0x9f: {  	s4 =	ssub.s32 $0x0, s20;
	[sflag:s22] =	ssyncset.done $0x0  }
0xa0: {  	[sflag:s22] =	ssyncadd.s32 s4;
	_ =	sdelay $0x1  }
0xa1: {  	s23 =	simm.s32 $0x1B8B  }
0xa2: {  	_ =	swait.ge [sflag:s23], $0x1  }
0xa3: {  	[sflag:s23] =	ssyncset.done $0x0  }
0xa4: {  	s25 =	simm.s32 $0x1B8E;
	s24 =	sld [smem:$0x3FFE];
	[sflag:s23] =	ssyncadd.s32 $0xFFFFFFFF  }
0xa5: {  	s26 =	simm.s32 $execute0_lowered;
	[smem:$0x3FD2] =	sst s25  }
0xa6: {  	s5 =	sshll.u32 s26, $0x1;
	_ =	strace $0x80000046;
	[dreg:$0x1] =	wrdreg $0xFFFFFFFF  }
0xa7: {  	s28 =	simm.s32 $_size_execute0_lowered;
	s3 =	sadd.s32 s3, s5;
	[dreg:$0x0] =	wrdreg $0x0  }
0xa8: {  	s5 =	sshll.u32 s28, $0x1;
	[dreg:$0x2] =	wrdreg s3  }
0xa9: {  	[dreg:$0x3] =	wrdreg s5  }
0xaa: {  	[dreg:$0x4] =	wrdreg $0xC0  }
0xab: {  	_ =	task [dreg:s7], $0x5FFFF  }
0xac: {  	[dreg:$0x1] =	wrdreg $0xFFFFFFFF  }
0xad: {  	[dreg:$0x0] =	wrdreg $0x60  }
0xae: {  	[dreg:$0x2] =	wrdreg s2  }
0xaf: {  	[dreg:$0x3] =	wrdreg s24  }
0xb0: {  	[dreg:$0x4] =	wrdreg $0xB3800  }
0xb1: {  	[dreg:$0x5] =	wrdreg $0x9  }
0xb2: {  	_ =	task.clear_ibuf [dreg:s7], $0x6FFFF;
	_ =	strace $0x90000046  }
0xb3: {  	s29 =	simm.s32 $0x9;
	_ =	strace $0x80000048  }
0xb4: {  	_ =	swait.ge [sflag:s29], $0x1  }
0xb5: {  	[sflag:s29] =	ssyncadd.s32 $0xFFFFFFFF  }
0xb6: {  	_ =	strace $0x90000048  }
0xb7: {  	_ =	sfence  }
0xb8: {  	s30 =	sld [smem:$0x0];
	_ =	sdelay $0x2  }
0xb9: {  	s31 =	sshll.u32 s1, $0xD;
	s1 =	sshrl.u32 s1, $0x2  }
0xba: {  	s3 =	sand.u32 $0x4000, s31;
	s1 =	sadd.s32 s1, s30  }
0xbb: {  	s0 =	sor.u32 s3, s0;
	s1 =	sshll.u32 s1, $0x11  }
0xbc: {  	s0 =	sor.u32 s1, s0  }
0xbd: {  	s0 =	sadd.s32 $0x8F2B, s0  }
0xbe: {  	[sflag:s0] =	ssyncadd.remote.s32 $0x1  }
0xbf: {  	_ =	sfence.sel $0xFFFF  }
0xc0: {  	[dreg:$0x0] =	wrdreg $0xFFFFFFFF;
	(pc) =	sbr.abs _section_cstart, $3  }
0xc1: {  	[dreg:$0x1] =	wrdreg $0xFFFFFFFF  }
0xc2: {  	_ =	task.clear_ibuf [dreg:s7], $0x2FFFF;
	_ =	strace $0x9FFFFFFF  }
0xc3: {  	(tm) =	ssettm $0x7FFFFFFF  }
tec
execute0_lowered:
.L_overlay_start_1:
0x0: {  	(tag) =	ssettag $0x1  }
0x1: {  	s2 =	rddreg [dreg:$0x0]  }
0x2: {  	s0 =	srdreg.scid;
	s6 =	rddreg [dreg:$0x1]  }
0x3: {  	s10 =	stileid.u32;
	s3 =	rddreg [dreg:$0x2]  }
0x4: {  	s4 =	simm.s32 $0x0;
	s11 =	simm.s32 $0x2800;
	s13 =	simm.s32 $0x4  }
0x5: {  	s14 =	simm.s32 $0x1;
	s15 =	simm.s32 $0x28;
	s16 =	simm.s32 $0x4F80  }
0x6: {  	s17 =	simm.s32 $0x6380;
	s19 =	simm.s32 $0x7780;
	s21 =	simm.s32 $0x8B80  }
0x7: {  	s22 =	simm.s32 $0x2;
	s24 =	simm.s32 $0x9F80;
	s29 =	simm.s32 $0x2850  }
0x8: {  	s30 =	simm.s32 $0xF0;
	s31 =	simm.s32 $0x2878;
	s18 =	simm.s32 $0x140  }
0x9: {  	s20 =	simm.s32 $0x0;
	s0 =	sand.u32 $0x1, s0;
	s7 =	smul.u32 $0x14000, s10  }
0xa: {  	s1 =	sshll.u32 s10, $0x1;
	[smem:$0x7FF] =	sst s4;
	s8 =	smul.u32 $0x50000, s10  }
0xb: {  	s28 =	sshll.u32 s10, $0x6;
	s1 =	sor.u32 s0, s1;
	s5 =	smul.u32 $0x140000, s0  }
0xc: {  	_ =	strace $0x80000047;
	s0 =	ssub.s32 $0x2, s0;
	s1 =	smul.u32 $0x4E2, s1  }
0xd: {  	s25 =	sshrl.u32 s0, $0x1;
	s8 =	sshrl.u32 s8, $0x2;
	s5 =	sadd.s32 s7, s5  }
0xe: {  	s0 =	ssub.s32 s0, s25;
	s26 =	sadd.s32 s8, s3;
	s8 =	sor.u32 $0x1C04, s28  }
0xf: {  	s1 =	sadd.s32 s1, s6;
	s7 =	sshrl.u32 s5, $0x3;
	s5 =	sadd.s32 $0x16400, s6  }
0x10: {  	s10 =	smax.u32 s0, $0x1;
	s12 =	sshrl.u32 s26, $0x3;
	s26 =	simm.s32 $0x3  }
0x11: {  	s0 =	simm.s32 $0x28A0;
	s9 =	sadd.s32 s7, s6;
	s6 =	sadd.s32 $0xC600, s1  }
0x12: {  	s7 =	sadd.s32 $0x2800, s1;
	s1 =	simm.s32 $0x118;
	s9 =	sadd.s32 $0x18C00, s9  }
.LBB2_1:
0x13: {  	[tilespmem:s4], [sflag:$0x1] =	stream.linear.gather [hbm4b:s6+s4], $0x27B0, $0x38;
	[tilespmem:$0x1F380] =	vst v63  }
0x14: {  	_ = 	snop  }
0x15: {  	[tilespmem:s11], [sflag:$0x1] =	stream.linear.gather [hbm4b:s7+s4], $0x2710, $0x38;
	[tilespmem:$0x1F380] =	vst v63  }
0x16: {  	[spmem:s12], [sflag:s8] =	dma.local [hbm:s5], $0x2800  }
0x17: {  	_ =	swait.ge [sflag:s13], $0x2800  }
0x18: {  	[sflag:s13] =	ssyncset.done $0x0  }
0x19: {  	[sflag:s13] =	ssyncadd.s32 $0xFFFFD800  }
0x1a: {  	_ =	swait.ge [sflag:s14], $0x27B0  }
0x1b: {  	[sflag:s14] =	ssyncset.done $0x0  }
0x1c: {  	[sflag:s14] =	ssyncadd.s32 $0xFFFFD850  }
0x1d: {  	[tilespmem:s16], [sflag:$0x2] =	stream.indirect.gather [hbm4b:s2+s15], $0x80, s4, s15, $0xb8;
	[tilespmem:$0x1F380] =	vst v63  }
0x1e: {  	_ = 	snop  }
0x1f: {  	[tilespmem:s17], [sflag:$0x2] =	stream.indirect.gather [hbm4b:s2+s15], $0x80, s15, s15, $0xb8;
	[tilespmem:$0x1F380] =	vst v63  }
0x20: {  	s23 =	simm.s32 $0x50  }
0x21: {  	[tilespmem:s19], [sflag:$0x2] =	stream.indirect.gather [hbm4b:s2+s15], $0x80, s23, s15, $0xb8;
	[tilespmem:$0x1F380] =	vst v63  }
0x22: {  	s28 =	simm.s32 $0x78  }
0x23: {  	[tilespmem:s21], [sflag:$0x2] =	stream.indirect.gather [hbm4b:s2+s15], $0x80, s28, s15, $0xb8;
	[tilespmem:$0x1F380] =	vst v63  }
0x24: {  	_ =	swait.ge [sflag:s14], $0x2710  }
0x25: {  	[sflag:s14] =	ssyncset.done $0x0  }
0x26: {  	[sflag:s14] =	ssyncadd.s32 $0xFFFFD8F0  }
0x27: {  	[bflag:$0x0] =	sbarrier.arrive $0xFFFF  }
0x28: {  	_ =	swait.ge [sflag:s22], $0x1400  }
0x29: {  	[sflag:s22] =	ssyncset.done $0x0  }
0x2a: {  	[sflag:s22] =	ssyncadd.s32 $0xFFFFEC00  }
0x2b: {  	[spmem:s3] =	stream.indirect.scatter.add.f32 [tilespmem:s16], [sflag:$0x3], $0x80, s11, s15, $0xb8;
	[tilespmem:$0x1F380] =	vst v63  }
0x2c: {  	s25 =	simm.s32 $0xA0  }
0x2d: {  	[tilespmem:s24], [sflag:$0x2] =	stream.indirect.gather [hbm4b:s2+s15], $0x80, s25, s15, $0xb8;
	[tilespmem:$0x1F380] =	vst v63  }
0x2e: {  	_ =	swait.ge [sflag:s22], $0x1400  }
0x2f: {  	[sflag:s22] =	ssyncset.done $0x0  }
0x30: {  	s28 =	simm.s32 $0x2828;
	[sflag:s22] =	ssyncadd.s32 $0xFFFFEC00  }
0x31: {  	[spmem:s3] =	stream.indirect.scatter.add.f32 [tilespmem:s17], [sflag:$0x3], $0x80, s28, s15, $0xb8;
	[tilespmem:$0x1F380] =	vst v63  }
0x32: {  	_ =	swait.ge [sflag:s26], $0x1400  }
0x33: {  	[sflag:s26] =	ssyncset.done $0x0  }
0x34: {  	s25 =	simm.s32 $0xC8;
	[sflag:s26] =	ssyncadd.s32 $0xFFFFEC00  }
0x35: {  	[tilespmem:s16], [sflag:$0x2] =	stream.indirect.gather [hbm4b:s2+s15], $0x80, s25, s15, $0xb8;
	[tilespmem:$0x1F380] =	vst v63  }
0x36: {  	_ =	swait.ge [sflag:s22], $0x1400  }
0x37: {  	[sflag:s22] =	ssyncset.done $0x0  }
0x38: {  	[sflag:s22] =	ssyncadd.s32 $0xFFFFEC00  }
0x39: {  	[spmem:s3] =	stream.indirect.scatter.add.f32 [tilespmem:s19], [sflag:$0x3], $0x80, s29, s15, $0xb8;
	[tilespmem:$0x1F380] =	vst v63  }
0x3a: {  	_ =	swait.ge [sflag:s26], $0x1400  }
0x3b: {  	[sflag:s26] =	ssyncset.done $0x0  }
0x3c: {  	[sflag:s26] =	ssyncadd.s32 $0xFFFFEC00  }
0x3d: {  	[tilespmem:s17], [sflag:$0x2] =	stream.indirect.gather [hbm4b:s2+s15], $0x80, s30, s15, $0xb8;
	[tilespmem:$0x1F380] =	vst v63  }
0x3e: {  	_ =	swait.ge [sflag:s22], $0x1400  }
0x3f: {  	[sflag:s22] =	ssyncset.done $0x0  }
0x40: {  	[sflag:s22] =	ssyncadd.s32 $0xFFFFEC00  }
0x41: {  	[spmem:s3] =	stream.indirect.scatter.add.f32 [tilespmem:s21], [sflag:$0x3], $0x80, s31, s15, $0xb8;
	[tilespmem:$0x1F380] =	vst v63  }
0x42: {  	_ =	swait.ge [sflag:s26], $0x1400  }
0x43: {  	[sflag:s26] =	ssyncset.done $0x0  }
0x44: {  	[sflag:s26] =	ssyncadd.s32 $0xFFFFEC00  }
0x45: {  	[tilespmem:s19], [sflag:$0x2] =	stream.indirect.gather [hbm4b:s2+s15], $0x80, s1, s15, $0xb8;
	[tilespmem:$0x1F380] =	vst v63  }
0x46: {  	_ =	swait.ge [sflag:s22], $0x1400  }
0x47: {  	[sflag:s22] =	ssyncset.done $0x0  }
0x48: {  	[sflag:s22] =	ssyncadd.s32 $0xFFFFEC00  }
0x49: {  	[spmem:s3] =	stream.indirect.scatter.add.f32 [tilespmem:s24], [sflag:$0x3], $0x80, s0, s15, $0xb8;
	[tilespmem:$0x1F380] =	vst v63  }
0x4a: {  	_ =	swait.ge [sflag:s26], $0x1400  }
0x4b: {  	[sflag:s26] =	ssyncset.done $0x0  }
0x4c: {  	[sflag:s26] =	ssyncadd.s32 $0xFFFFEC00  }
0x4d: {  	[tilespmem:s21], [sflag:$0x2] =	stream.indirect.gather [hbm4b:s2+s15], $0x80, s18, s15, $0xb8;
	[tilespmem:$0x1F380] =	vst v63  }
0x4e: {  	_ =	swait.ge [sflag:s22], $0x1400  }
0x4f: {  	[sflag:s22] =	ssyncset.done $0x0  }
0x50: {  	s28 =	simm.s32 $0x28C8;
	[sflag:s22] =	ssyncadd.s32 $0xFFFFEC00  }
0x51: {  	[spmem:s3] =	stream.indirect.scatter.add.f32 [tilespmem:s16], [sflag:$0x3], $0x80, s28, s15, $0xb8;
	[tilespmem:$0x1F380] =	vst v63  }
0x52: {  	_ =	swait.ge [sflag:s26], $0x1400  }
0x53: {  	[sflag:s26] =	ssyncset.done $0x0  }
0x54: {  	s25 =	simm.s32 $0x168;
	[sflag:s26] =	ssyncadd.s32 $0xFFFFEC00  }
0x55: {  	[tilespmem:s24], [sflag:$0x2] =	stream.indirect.gather [hbm4b:s2+s15], $0x80, s25, s15, $0xb8;
	[tilespmem:$0x1F380] =	vst v63  }
0x56: {  	_ =	swait.ge [sflag:s22], $0x1400  }
0x57: {  	[sflag:s22] =	ssyncset.done $0x0  }
0x58: {  	s28 =	simm.s32 $0x28F0;
	[sflag:s22] =	ssyncadd.s32 $0xFFFFEC00  }
0x59: {  	[spmem:s3] =	stream.indirect.scatter.add.f32 [tilespmem:s17], [sflag:$0x3], $0x80, s28, s15, $0xb8;
	[tilespmem:$0x1F380] =	vst v63  }
0x5a: {  	_ =	swait.ge [sflag:s26], $0x1400  }
0x5b: {  	[sflag:s26] =	ssyncset.done $0x0  }
0x5c: {  	s25 =	simm.s32 $0x190;
	[sflag:s26] =	ssyncadd.s32 $0xFFFFEC00  }
0x5d: {  	[tilespmem:s16], [sflag:$0x2] =	stream.indirect.gather [hbm4b:s2+s15], $0x80, s25, s15, $0xb8;
	[tilespmem:$0x1F380] =	vst v63  }
0x5e: {  	_ =	swait.ge [sflag:s22], $0x1400  }
0x5f: {  	[sflag:s22] =	ssyncset.done $0x0  }
0x60: {  	s28 =	simm.s32 $0x2918;
	[sflag:s22] =	ssyncadd.s32 $0xFFFFEC00  }
0x61: {  	[spmem:s3] =	stream.indirect.scatter.add.f32 [tilespmem:s19], [sflag:$0x3], $0x80, s28, s15, $0xb8;
	[tilespmem:$0x1F380] =	vst v63  }
0x62: {  	_ =	swait.ge [sflag:s26], $0x1400  }
0x63: {  	[sflag:s26] =	ssyncset.done $0x0  }
0x64: {  	s25 =	simm.s32 $0x1B8;
	[sflag:s26] =	ssyncadd.s32 $0xFFFFEC00  }
0x65: {  	[tilespmem:s17], [sflag:$0x2] =	stream.indirect.gather [hbm4b:s2+s15], $0x80, s25, s15, $0xb8;
	[tilespmem:$0x1F380] =	vst v63  }
0x66: {  	_ =	swait.ge [sflag:s22], $0x1400  }
0x67: {  	[sflag:s22] =	ssyncset.done $0x0  }
0x68: {  	s28 =	simm.s32 $0x2940;
	[sflag:s22] =	ssyncadd.s32 $0xFFFFEC00  }
0x69: {  	[spmem:s3] =	stream.indirect.scatter.add.f32 [tilespmem:s21], [sflag:$0x3], $0x80, s28, s15, $0xb8;
	[tilespmem:$0x1F380] =	vst v63  }
0x6a: {  	_ =	swait.ge [sflag:s26], $0x1400  }
0x6b: {  	[sflag:s26] =	ssyncset.done $0x0  }
0x6c: {  	s25 =	simm.s32 $0x1E0;
	[sflag:s26] =	ssyncadd.s32 $0xFFFFEC00  }
0x6d: {  	[tilespmem:s19], [sflag:$0x2] =	stream.indirect.gather [hbm4b:s2+s15], $0x80, s25, s15, $0xb8;
	[tilespmem:$0x1F380] =	vst v63  }
0x6e: {  	_ =	swait.ge [sflag:s22], $0x1400  }
0x6f: {  	[sflag:s22] =	ssyncset.done $0x0  }
0x70: {  	s28 =	simm.s32 $0x2968;
	[sflag:s22] =	ssyncadd.s32 $0xFFFFEC00  }
0x71: {  	[spmem:s3] =	stream.indirect.scatter.add.f32 [tilespmem:s24], [sflag:$0x3], $0x80, s28, s15, $0xb8;
	[tilespmem:$0x1F380] =	vst v63  }
0x72: {  	_ =	swait.ge [sflag:s26], $0x1400  }
0x73: {  	[sflag:s26] =	ssyncset.done $0x0  }
0x74: {  	s23 =	simm.s32 $0x320;
	s25 =	simm.s32 $0x208;
	[sflag:s26] =	ssyncadd.s32 $0xFFFFEC00  }
.LBB2_2:
0x75: {  	[tilespmem:s21], [sflag:$0x2] =	stream.indirect.gather [hbm4b:s2+s15], $0x80, s25, s15, $0xb8;
	[tilespmem:$0x1F380] =	vst v63  }
0x76: {  	s25 =	smov.u32 s23  }
0x77: {  	p0 =	sne.s32 s23, $0x9600;
	s23 =	sadd.s32 $0x320, s23;
	_ =	swait.ge [sflag:s22], $0x1400  }
0x78: {  	s25 =	sshra.s32 s25, $0x2;
	[sflag:s22] =	ssyncset.done $0x0  }
0x79: {  	s28 =	sadd.s32 $0x28C8, s25;
	[sflag:s22] =	ssyncadd.s32 $0xFFFFEC00  }
0x7a: {  	[spmem:s3] =	stream.indirect.scatter.add.f32 [tilespmem:s16], [sflag:$0x3], $0x80, s28, s15, $0xb8;
	[tilespmem:$0x1F380] =	vst v63  }
0x7b: {  	_ =	swait.ge [sflag:s26], $0x1400  }
0x7c: {  	[sflag:s26] =	ssyncset.done $0x0  }
0x7d: {  	s28 =	sadd.s32 $0x168, s25;
	[sflag:s26] =	ssyncadd.s32 $0xFFFFEC00  }
0x7e: {  	[tilespmem:s24], [sflag:$0x2] =	stream.indirect.gather [hbm4b:s2+s15], $0x80, s28, s15, $0xb8;
	[tilespmem:$0x1F380] =	vst v63  }
0x7f: {  	_ =	swait.ge [sflag:s22], $0x1400  }
0x80: {  	[sflag:s22] =	ssyncset.done $0x0  }
0x81: {  	s28 =	sadd.s32 $0x28F0, s25;
	[sflag:s22] =	ssyncadd.s32 $0xFFFFEC00  }
0x82: {  	[spmem:s3] =	stream.indirect.scatter.add.f32 [tilespmem:s17], [sflag:$0x3], $0x80, s28, s15, $0xb8;
	[tilespmem:$0x1F380] =	vst v63  }
0x83: {  	_ =	swait.ge [sflag:s26], $0x1400  }
0x84: {  	[sflag:s26] =	ssyncset.done $0x0  }
0x85: {  	s28 =	sadd.s32 $0x190, s25;
	[sflag:s26] =	ssyncadd.s32 $0xFFFFEC00  }
0x86: {  	[tilespmem:s16], [sflag:$0x2] =	stream.indirect.gather [hbm4b:s2+s15], $0x80, s28, s15, $0xb8;
	[tilespmem:$0x1F380] =	vst v63  }
0x87: {  	_ =	swait.ge [sflag:s22], $0x1400  }
0x88: {  	[sflag:s22] =	ssyncset.done $0x0  }
0x89: {  	s28 =	sadd.s32 $0x2918, s25;
	[sflag:s22] =	ssyncadd.s32 $0xFFFFEC00  }
0x8a: {  	[spmem:s3] =	stream.indirect.scatter.add.f32 [tilespmem:s19], [sflag:$0x3], $0x80, s28, s15, $0xb8;
	[tilespmem:$0x1F380] =	vst v63  }
0x8b: {  	_ =	swait.ge [sflag:s26], $0x1400  }
0x8c: {  	[sflag:s26] =	ssyncset.done $0x0  }
0x8d: {  	s28 =	sadd.s32 $0x1B8, s25;
	[sflag:s26] =	ssyncadd.s32 $0xFFFFEC00  }
0x8e: {  	[tilespmem:s17], [sflag:$0x2] =	stream.indirect.gather [hbm4b:s2+s15], $0x80, s28, s15, $0xb8;
	[tilespmem:$0x1F380] =	vst v63  }
0x8f: {  	_ =	swait.ge [sflag:s22], $0x1400  }
0x90: {  	[sflag:s22] =	ssyncset.done $0x0  }
0x91: {  	s28 =	sadd.s32 $0x2940, s25;
	[sflag:s22] =	ssyncadd.s32 $0xFFFFEC00  }
0x92: {  	[spmem:s3] =	stream.indirect.scatter.add.f32 [tilespmem:s21], [sflag:$0x3], $0x80, s28, s15, $0xb8;
	[tilespmem:$0x1F380] =	vst v63  }
0x93: {  	_ =	swait.ge [sflag:s26], $0x1400  }
0x94: {  	[sflag:s26] =	ssyncset.done $0x0  }
0x95: {  	s28 =	sadd.s32 $0x1E0, s25;
	[sflag:s26] =	ssyncadd.s32 $0xFFFFEC00  }
0x96: {  	[tilespmem:s19], [sflag:$0x2] =	stream.indirect.gather [hbm4b:s2+s15], $0x80, s28, s15, $0xb8;
	[tilespmem:$0x1F380] =	vst v63  }
0x97: {  	_ =	swait.ge [sflag:s22], $0x1400  }
0x98: {  	[sflag:s22] =	ssyncset.done $0x0  }
.Ltmp0:
0x99: {  	s28 =	sadd.s32 $0x2968, s25;
	[sflag:s22] =	ssyncadd.s32 $0xFFFFEC00;
	(pc) =	sbr.rel @p0 .LBB2_2-.Ltmp0, $4  }
0x9a: {  	[spmem:s3] =	stream.indirect.scatter.add.f32 [tilespmem:s24], [sflag:$0x3], $0x80, s28, s15, $0xb8;
	[tilespmem:$0x1F380] =	vst v63  }
0x9b: {  	_ =	swait.ge [sflag:s26], $0x1400  }
0x9c: {  	[sflag:s26] =	ssyncset.done $0x0  }
0x9d: {  	s25 =	sadd.s32 $0x208, s25;
	[sflag:s26] =	ssyncadd.s32 $0xFFFFEC00  }
0x9e: {  	[tilespmem:s21], [sflag:$0x2] =	stream.indirect.gather [hbm4b:s2+s15], $0x80, s25, s15, $0xb8;
	[tilespmem:$0x1F380] =	vst v63  }
0x9f: {  	_ =	swait.ge [sflag:s22], $0x1400  }
0xa0: {  	[sflag:s22] =	ssyncset.done $0x0  }
0xa1: {  	[sflag:s22] =	ssyncadd.s32 $0xFFFFEC00  }
0xa2: {  	_ =	swait.ge [sflag:s22], $0x1400  }
0xa3: {  	[sflag:s22] =	ssyncset.done $0x0  }
0xa4: {  	[sflag:s22] =	ssyncadd.s32 $0xFFFFEC00  }
0xa5: {  	_ =	swait.ge [sflag:s22], $0x1400  }
0xa6: {  	[sflag:s22] =	ssyncset.done $0x0  }
0xa7: {  	[sflag:s22] =	ssyncadd.s32 $0xFFFFEC00  }
0xa8: {  	_ =	swait.ge [sflag:s22], $0x1400  }
0xa9: {  	[sflag:s22] =	ssyncset.done $0x0  }
0xaa: {  	[sflag:s22] =	ssyncadd.s32 $0xFFFFEC00  }
0xab: {  	_ =	swait.ge [sflag:s26], $0x1400  }
0xac: {  	s20 =	sadd.s32 $0x1, s20;
	[sflag:s26] =	ssyncset.done $0x0  }
0xad: {  	p0 =	sne.s32 s20, s10;
	[sflag:s26] =	ssyncadd.s32 $0xFFFFEC00  }
.Ltmp1:
0xae: {  	[bflag:$0x0] =	sbarrier.arrive $0xFFFF;
	(pc) =	sbr.rel @p0 .LBB2_1-.Ltmp1, $4  }
0xaf: {  	[hbm:s9], [sflag:s8] =	dma.local [spmem:s12], $0x2800  }
0xb0: {  	_ =	swait.ge [sflag:s13], $0x2800  }
0xb1: {  	[sflag:s13] =	ssyncset.done $0x0  }
0xb2: {  	[sflag:s13] =	ssyncadd.s32 $0xFFFFD800  }
0xb3: {  	_ =	sfence.sel $0x180000  }
0xb4: {  	[bflag:$0x0] =	sbarrier.arrive $0xFFFF  }
0xb5: {  	_ =	strace $0x90000047  }
0xb6: {  	s0 =	stileid.u32;
	[bflag:$0x2] =	sbarrier.arrive $0xFFFF  }
0xb7: {  	p0 =	sne.s32 s0, $0x0;
	s0 =	rddreg [dreg:$0x3]  }
0xb8: {  	s0 =	sadd.s32 @!p0 $0x100000, s0  }
0xb9: {  	[sflag:s0] =	ssyncadd.tile.s32 @!p0 $0x1;
	_ =	shalt  }
.Lfunc_end2:
_tile_overlayer_lowered:
.L_overlay_start_2:
0xba: {  	(tag) =	ssettag $0x2  }
0xbb: {  	s0 =	rddreg [dreg:$0x0];
	s2 =	stileid.u32  }
0xbc: {  	s1 =	rddreg [dreg:$0x1];
	p0 =	sne.s32 s2, $0x0  }
0xbd: {  	s3 =	rddreg [dreg:$0x2];
	[bflag:$0x3] =	sbarrier.arrive $0xFFFF;
	s2 =	simm.s32 @!p0 $0x1C04  }
0xbe: {  	[timem:s3], [sflag:s2] =	dma.local @!p0 [hbm:s0], s1  }
0xbf: {  	s0 =	simm.s32 @!p0 $0x4  }
0xc0: {  	_ =	swait.ge @!p0 [sflag:s0], s1  }
0xc1: {  	s1 =	ssub.s32 @!p0 $0x0, s1;
	[sflag:s0] =	ssyncset.done @!p0 $0x0  }
0xc2: {  	[sflag:s0] =	ssyncadd.s32 @!p0 s1  }
0xc3: {  	[bflag:$0x3] =	sbarrier.arrive $0xFFFF  }
0xc4: {  	_ =	shalt  }

// kernel: kernel.9.cloned.1.call-start
scs
__scs_entry_jumppad:
0x0: {  	(pc) =	sbr.rel $0x88, $3  }
0x1: {  	(tag) =	ssettag $0x0;
	lr =	simm.s32 $0x1  }
0x2: {  	[smem:$0x3F93] =	sst lr;
	_ =	strace $0xD0000000  }
0x3: {  	_ = 	snop  }
0x4: {  	_ = 	snop  }
0x5: {  	_ = 	snop  }
0x6: {  	_ = 	snop  }
0x7: {  	_ = 	snop  }
__scs_overlays_trampoline_lowered:
0x8: {  	[smem:$0x3FA2] =	sst s0  }
0x9: {  	[smem:$0x3FA3] =	sst s1  }
0xa: {  	[smem:$0x3FA4] =	sst s2  }
0xb: {  	[smem:$0x3FA5] =	sst s3  }
0xc: {  	[smem:$0x3FA6] =	sst s4  }
0xd: {  	[smem:$0x3FA7] =	sst s5  }
0xe: {  	[smem:$0x3FA8] =	sst s6  }
0xf: {  	[smem:$0x3FA9] =	sst s7  }
0x10: {  	[smem:$0x3FAA] =	sst s8  }
0x11: {  	[smem:$0x3FAB] =	sst s9;
	s0 =	simm.s32 @!p0 $0x0  }
0x12: {  	s1 =	sld [smem:$0x3F91];
	s0 =	simm.s32 @p0 $0x1  }
0x13: {  	[smem:$0x3FAC] =	sst s0;
	s0 =	simm.s32 @!p1 $0x0  }
0x14: {  	s2 =	sld [smem:$0x3F90];
	s0 =	simm.s32 @p1 $0x1  }
0x15: {  	[smem:$0x3FAD] =	sst s0;
	s0 =	simm.s32 @!p2 $0x0  }
0x16: {  	s3 =	sld [smem:$0x3FDB];
	s0 =	simm.s32 @p2 $0x1  }
0x17: {  	s4 =	simm.s32 $0x1BF5;
	[smem:$0x3FAF] =	sst s0  }
0x18: {  	s0 =	sld [smem:$0x3F92];
	_ =	swait.ge [sflag:s4], $0x0  }
0x19: {  	s7 =	sld [smem:$0x3F93]  }
0x1a: {  	s8 =	sadd.s32 $0xFFFFE003, lr  }
0x1b: {  	s9 =	sadd.s32 $0xFFFFFEF7, lr;
	s5 =	simm.s32 $0xFFFFFFFF;
	p2 =	slt.u32 s8, $0xFFFFF086  }
0x1c: {  	p1 =	slt.u32 s9, $0xF7A;
	s5 =	simm.s32 @!p2 $0x0  }
0x1d: {  	s5 =	simm.s32 @p1 $0x1;
	p0 =	seq.s32 s7, s2  }
0x1e: {  	s7 =	smul.u32 @!p0 $0xF7A, s2;
	p2 =	seq.s32 @!p0 s5, $0x0  }
0x1f: {  	s9 =	smul.u32 $0xF7A, s1;
	s8 =	simm.s32 @!p0 $0x1BF5;
	p2 =	por !p2, p0  }
0x20: {  	[sflag:s8] =	ssyncset.s32 @!p0 $0xFFFFF086;
	s6 =	sadd.s32 @!p0 s3, s7;
	s7 =	simm.s32 @!p0 $0x108  }
0x21: {  	s3 =	sadd.s32 s3, s9;
	s6 =	sadd.s32 @!p0 $0x88, s6;
	s7 =	simm.s32 @p2 $0x1082  }
0x22: {  	[simem:s7], [sflag:s8] =	dma.local @!p0 [hbm:s6], $0xF7A  }
0x23: {  	s9 =	sor.u32 $0xD0000000, s2;
	s6 =	simm.s32 $0x108;
	_ =	swait.ge @!p0 [sflag:s8], $0x0  }
0x24: {  	s3 =	sadd.s32 $0x88, s3;
	s6 =	simm.s32 @!p1 $0x1082;
	[sflag:s4] =	ssyncset.s32 $0xFFFFF086  }
0x25: {  	[simem:s6], [sflag:s4] =	dma.local [hbm:s3], $0xF7A  }
0x26: {  	[smem:$0x3F93] =	sst s1;
	(tag) =	ssettag s2;
	_ =	strace s9  }
0x27: {  	s1 =	sld [smem:$0x3FA3]  }
0x28: {  	s2 =	sld [smem:$0x3FA4]  }
0x29: {  	s4 =	sld [smem:$0x3FA6]  }
0x2a: {  	p0 =	seq.s32 s5, $0x0;
	s5 =	sld [smem:$0x3FA7]  }
0x2b: {  	s6 =	sld [smem:$0x3FA8]  }
0x2c: {  	s7 =	sld [smem:$0x3FA9]  }
0x2d: {  	s3 =	simm.s32 $0x108;
	s8 =	sld [smem:$0x3FAA]  }
0x2e: {  	s3 =	simm.s32 @!p0 $0x1082;
	s9 =	sld [smem:$0x3FAB]  }
0x2f: {  	lr =	sadd.s32 s0, s3;
	s0 =	sld [smem:$0x3FA2]  }
0x30: {  	s3 =	sld [smem:$0x3FA5]  }
0x31: {  	[smem:$0x3FAE] =	sst s10  }
0x32: {  	s10 =	sld [smem:$0x3FAC];
	_ =	sdelay $0x3  }
0x33: {  	p0 =	seq.s32 s10, $0x1;
	s10 =	sld [smem:$0x3FAE];
	_ =	sdelay $0x3  }
0x34: {  	[smem:$0x3FAE] =	sst s10  }
0x35: {  	s10 =	sld [smem:$0x3FAD];
	_ =	sdelay $0x3  }
0x36: {  	p1 =	seq.s32 s10, $0x1;
	s10 =	sld [smem:$0x3FAE];
	_ =	sdelay $0x3  }
0x37: {  	[smem:$0x3FAE] =	sst s10  }
0x38: {  	s10 =	sld [smem:$0x3FAF]  }
0x39: {  	_ = 	snop;
	(pc) =	sbr.ind lr, $3  }
0x3a: {  	_ = 	snop  }
0x3b: {  	_ = 	snop  }
0x3c: {  	p2 =	seq.s32 s10, $0x1;
	s10 =	sld [smem:$0x3FAE]  }
0x3d: {  	_ =	shalt  }
0x3e: {  	_ =	shalt  }
0x3f: {  	_ =	shalt  }
0x40: {  	_ =	shalt  }
0x41: {  	_ =	shalt  }
0x42: {  	_ =	shalt  }
0x43: {  	_ =	shalt  }
0x44: {  	_ =	shalt  }
0x45: {  	_ =	shalt  }
0x46: {  	_ =	shalt  }
0x47: {  	_ =	shalt  }
0x48: {  	_ =	shalt  }
0x49: {  	_ =	shalt  }
0x4a: {  	_ =	shalt  }
0x4b: {  	_ =	shalt  }
0x4c: {  	_ =	shalt  }
0x4d: {  	_ =	shalt  }
0x4e: {  	_ =	shalt  }
0x4f: {  	_ =	shalt  }
0x50: {  	_ =	shalt  }
0x51: {  	_ =	shalt  }
0x52: {  	_ =	shalt  }
0x53: {  	_ =	shalt  }
0x54: {  	_ =	shalt  }
0x55: {  	_ =	shalt  }
0x56: {  	_ =	shalt  }
0x57: {  	_ =	shalt  }
0x58: {  	_ =	shalt  }
0x59: {  	_ =	shalt  }
0x5a: {  	_ =	shalt  }
0x5b: {  	_ =	shalt  }
0x5c: {  	_ =	shalt  }
0x5d: {  	_ =	shalt  }
0x5e: {  	_ =	shalt  }
0x5f: {  	_ =	shalt  }
0x60: {  	_ =	shalt  }
0x61: {  	_ =	shalt  }
0x62: {  	_ =	shalt  }
0x63: {  	_ =	shalt  }
0x64: {  	_ =	shalt  }
0x65: {  	_ =	shalt  }
0x66: {  	_ =	shalt  }
0x67: {  	_ =	shalt  }
0x68: {  	_ =	shalt  }
0x69: {  	_ =	shalt  }
0x6a: {  	_ =	shalt  }
0x6b: {  	_ =	shalt  }
0x6c: {  	_ =	shalt  }
0x6d: {  	_ =	shalt  }
0x6e: {  	_ =	shalt  }
0x6f: {  	_ =	shalt  }
0x70: {  	_ =	shalt  }
0x71: {  	_ =	shalt  }
0x72: {  	_ =	shalt  }
0x73: {  	_ =	shalt  }
0x74: {  	_ =	shalt  }
0x75: {  	_ =	shalt  }
0x76: {  	_ =	shalt  }
0x77: {  	_ =	shalt  }
0x78: {  	_ =	shalt  }
0x79: {  	_ =	shalt  }
0x7a: {  	_ =	shalt  }
0x7b: {  	_ =	shalt  }
0x7c: {  	_ =	shalt  }
0x7d: {  	_ =	shalt  }
0x7e: {  	_ =	shalt  }
0x7f: {  	_ =	shalt  }
0x80: {  	_ =	shalt  }
0x81: {  	_ =	shalt  }
0x82: {  	_ =	shalt  }
0x83: {  	_ =	shalt  }
0x84: {  	_ =	shalt  }
0x85: {  	_ =	shalt  }
0x86: {  	_ =	shalt  }
0x87: {  	_ =	shalt  }
.Lfunc_end0:
.L_simem_size_0:
called_computation.1_lowered:
.L_overlay_start_0:
0x88: {  	s2 =	sld [smem:$0x3FD9]  }
0x89: {  	s3 =	sld [smem:$0x3FFE];
	_ =	sdelay $0x1  }
0x8a: {  	s1 =	srdreg.scid  }
0x8b: {  	s0 =	sand.u32 $0x1, s1  }
0x8c: {  	s17 =	sshll.u32 s0, $0xA;
	s2 =	sadd.s32 s3, s2  }
0x8d: {  	s2 =	sadd.s32 s2, s17  }
0x8e: {  	[smem:$0x3FBA] =	sst s2  }
0x8f: {  	_ = 	snop  }
0x90: {  	s2 =	sld [smem:$0x3FD0];
	(tm) =	ssettm $0x1  }
0x91: {  	s18 =	sld [smem:$0x3FFB];
	_ =	sdelay $0x3  }
0x92: {  	_ =	strace s18  }
0x93: {  	s3 =	sld [smem:$0x3FFC];
	_ =	sdelay $0x3  }
0x94: {  	_ =	strace s3  }
0x95: {  	s3 =	sld [smem:$0x3FFD];
	_ =	sdelay $0x3  }
0x96: {  	_ =	strace s3  }
0x97: {  	_ =	strace $0x8FFFFFFF  }
0x98: {  	s19 =	sld [smem:$0x3FDB];
	_ =	sdelay $0x1  }
0x99: {  	s4 =	simm.s32 $_scs_section_size  }
0x9a: {  	s5 =	simm.s32 $_size__tile_overlayer_lowered;
	s6 =	simm.s32 $_tile_overlayer_lowered  }
0x9b: {  	s22 =	simm.s32 $0x1BFF;
	s21 =	sshll.u32 s6, $0x1;
	s3 =	sadd.s32 s4, s19  }
0x9c: {  	s7 =	simm.s32 $0x0;
	s20 =	sshll.u32 s5, $0x1;
	s5 =	sadd.s32 s21, s3  }
0x9d: {  	[timem:s7], [sflag:s22] =	dma.local [hbm:s5], s20  }
0x9e: {  	_ =	swait.ge [sflag:s22], s20  }
0x9f: {  	s4 =	ssub.s32 $0x0, s20;
	[sflag:s22] =	ssyncset.done $0x0  }
0xa0: {  	[sflag:s22] =	ssyncadd.s32 s4;
	_ =	sdelay $0x1  }
0xa1: {  	s23 =	simm.s32 $0x1B8B  }
0xa2: {  	_ =	swait.ge [sflag:s23], $0x1  }
0xa3: {  	[sflag:s23] =	ssyncset.done $0x0  }
0xa4: {  	s25 =	simm.s32 $0x1B8E;
	s24 =	sld [smem:$0x3FFE];
	[sflag:s23] =	ssyncadd.s32 $0xFFFFFFFF  }
0xa5: {  	s26 =	simm.s32 $execute0_lowered;
	[smem:$0x3FD2] =	sst s25  }
0xa6: {  	s5 =	sshll.u32 s26, $0x1;
	_ =	strace $0x80000049;
	[dreg:$0x1] =	wrdreg $0xFFFFFFFF  }
0xa7: {  	s28 =	simm.s32 $_size_execute0_lowered;
	s3 =	sadd.s32 s3, s5;
	[dreg:$0x0] =	wrdreg $0x0  }
0xa8: {  	s5 =	sshll.u32 s28, $0x1;
	[dreg:$0x2] =	wrdreg s3  }
0xa9: {  	[dreg:$0x3] =	wrdreg s5  }
0xaa: {  	[dreg:$0x4] =	wrdreg $0xC0  }
0xab: {  	_ =	task [dreg:s7], $0x5FFFF  }
0xac: {  	[dreg:$0x1] =	wrdreg $0xFFFFFFFF  }
0xad: {  	[dreg:$0x0] =	wrdreg $0x60  }
0xae: {  	[dreg:$0x2] =	wrdreg s2  }
0xaf: {  	[dreg:$0x3] =	wrdreg s24  }
0xb0: {  	[dreg:$0x4] =	wrdreg $0xB3800  }
0xb1: {  	[dreg:$0x5] =	wrdreg $0x9  }
0xb2: {  	_ =	task.clear_ibuf [dreg:s7], $0x6FFFF;
	_ =	strace $0x90000049  }
0xb3: {  	s29 =	simm.s32 $0x9;
	_ =	strace $0x8000004B  }
0xb4: {  	_ =	swait.ge [sflag:s29], $0x1  }
0xb5: {  	[sflag:s29] =	ssyncadd.s32 $0xFFFFFFFF  }
0xb6: {  	_ =	strace $0x9000004B  }
0xb7: {  	_ =	sfence  }
0xb8: {  	s30 =	sld [smem:$0x0];
	_ =	sdelay $0x2  }
0xb9: {  	s31 =	sshll.u32 s1, $0xD;
	s1 =	sshrl.u32 s1, $0x2  }
0xba: {  	s3 =	sand.u32 $0x4000, s31;
	s1 =	sadd.s32 s1, s30  }
0xbb: {  	s0 =	sor.u32 s3, s0;
	s1 =	sshll.u32 s1, $0x11  }
0xbc: {  	s0 =	sor.u32 s1, s0  }
0xbd: {  	s0 =	sadd.s32 $0x8F2B, s0  }
0xbe: {  	[sflag:s0] =	ssyncadd.remote.s32 $0x1  }
0xbf: {  	_ =	sfence.sel $0xFFFF  }
0xc0: {  	[dreg:$0x0] =	wrdreg $0xFFFFFFFF;
	(pc) =	sbr.abs _section_cstart, $3  }
0xc1: {  	[dreg:$0x1] =	wrdreg $0xFFFFFFFF  }
0xc2: {  	_ =	task.clear_ibuf [dreg:s7], $0x2FFFF;
	_ =	strace $0x9FFFFFFF  }
0xc3: {  	(tm) =	ssettm $0x7FFFFFFF  }
tec
execute0_lowered:
.L_overlay_start_1:
0x0: {  	(tag) =	ssettag $0x1  }
0x1: {  	s2 =	rddreg [dreg:$0x0]  }
0x2: {  	s0 =	srdreg.scid;
	s6 =	rddreg [dreg:$0x1]  }
0x3: {  	s10 =	stileid.u32;
	s3 =	rddreg [dreg:$0x2]  }
0x4: {  	s4 =	simm.s32 $0x0;
	s11 =	simm.s32 $0x2800;
	s13 =	simm.s32 $0x4  }
0x5: {  	s14 =	simm.s32 $0x1;
	s15 =	simm.s32 $0x28;
	s16 =	simm.s32 $0x4F80  }
0x6: {  	s17 =	simm.s32 $0x6380;
	s19 =	simm.s32 $0x7780;
	s21 =	simm.s32 $0x8B80  }
0x7: {  	s22 =	simm.s32 $0x2;
	s24 =	simm.s32 $0x9F80;
	s29 =	simm.s32 $0x2850  }
0x8: {  	s30 =	simm.s32 $0xF0;
	s31 =	simm.s32 $0x2878;
	s18 =	simm.s32 $0x140  }
0x9: {  	s20 =	simm.s32 $0x0;
	s0 =	sand.u32 $0x1, s0;
	s7 =	smul.u32 $0x14000, s10  }
0xa: {  	s1 =	sshll.u32 s10, $0x1;
	[smem:$0x7FF] =	sst s4;
	s8 =	smul.u32 $0x50000, s10  }
0xb: {  	s28 =	sshll.u32 s10, $0x6;
	s1 =	sor.u32 s0, s1;
	s5 =	smul.u32 $0x140000, s0  }
0xc: {  	_ =	strace $0x8000004A;
	s0 =	ssub.s32 $0x2, s0;
	s1 =	smul.u32 $0x4E2, s1  }
0xd: {  	s25 =	sshrl.u32 s0, $0x1;
	s8 =	sshrl.u32 s8, $0x2;
	s5 =	sadd.s32 s7, s5  }
0xe: {  	s0 =	ssub.s32 s0, s25;
	s26 =	sadd.s32 s8, s3;
	s8 =	sor.u32 $0x1C04, s28  }
0xf: {  	s1 =	sadd.s32 s1, s6;
	s7 =	sshrl.u32 s5, $0x3;
	s5 =	sadd.s32 $0x16400, s6  }
0x10: {  	s10 =	smax.u32 s0, $0x1;
	s12 =	sshrl.u32 s26, $0x3;
	s26 =	simm.s32 $0x3  }
0x11: {  	s0 =	simm.s32 $0x28A0;
	s9 =	sadd.s32 s7, s6;
	s6 =	sadd.s32 $0xC600, s1  }
0x12: {  	s7 =	sadd.s32 $0x2800, s1;
	s1 =	simm.s32 $0x118;
	s9 =	sadd.s32 $0x18C00, s9  }
.LBB2_1:
0x13: {  	[tilespmem:s4], [sflag:$0x1] =	stream.linear.gather [hbm4b:s6+s4], $0x27B0, $0x38;
	[tilespmem:$0x1F380] =	vst v63  }
0x14: {  	_ = 	snop  }
0x15: {  	[tilespmem:s11], [sflag:$0x1] =	stream.linear.gather [hbm4b:s7+s4], $0x2710, $0x38;
	[tilespmem:$0x1F380] =	vst v63  }
0x16: {  	[spmem:s12], [sflag:s8] =	dma.local [hbm:s5], $0x2800  }
0x17: {  	_ =	swait.ge [sflag:s13], $0x2800  }
0x18: {  	[sflag:s13] =	ssyncset.done $0x0  }
0x19: {  	[sflag:s13] =	ssyncadd.s32 $0xFFFFD800  }
0x1a: {  	_ =	swait.ge [sflag:s14], $0x27B0  }
0x1b: {  	[sflag:s14] =	ssyncset.done $0x0  }
0x1c: {  	[sflag:s14] =	ssyncadd.s32 $0xFFFFD850  }
0x1d: {  	[tilespmem:s16], [sflag:$0x2] =	stream.indirect.gather [hbm4b:s2+s15], $0x80, s4, s15, $0xb8;
	[tilespmem:$0x1F380] =	vst v63  }
0x1e: {  	_ = 	snop  }
0x1f: {  	[tilespmem:s17], [sflag:$0x2] =	stream.indirect.gather [hbm4b:s2+s15], $0x80, s15, s15, $0xb8;
	[tilespmem:$0x1F380] =	vst v63  }
0x20: {  	s23 =	simm.s32 $0x50  }
0x21: {  	[tilespmem:s19], [sflag:$0x2] =	stream.indirect.gather [hbm4b:s2+s15], $0x80, s23, s15, $0xb8;
	[tilespmem:$0x1F380] =	vst v63  }
0x22: {  	s28 =	simm.s32 $0x78  }
0x23: {  	[tilespmem:s21], [sflag:$0x2] =	stream.indirect.gather [hbm4b:s2+s15], $0x80, s28, s15, $0xb8;
	[tilespmem:$0x1F380] =	vst v63  }
0x24: {  	_ =	swait.ge [sflag:s14], $0x2710  }
0x25: {  	[sflag:s14] =	ssyncset.done $0x0  }
0x26: {  	[sflag:s14] =	ssyncadd.s32 $0xFFFFD8F0  }
0x27: {  	[bflag:$0x0] =	sbarrier.arrive $0xFFFF  }
0x28: {  	_ =	swait.ge [sflag:s22], $0x1400  }
0x29: {  	[sflag:s22] =	ssyncset.done $0x0  }
0x2a: {  	[sflag:s22] =	ssyncadd.s32 $0xFFFFEC00  }
0x2b: {  	[spmem:s3] =	stream.indirect.scatter.add.f32 [tilespmem:s16], [sflag:$0x3], $0x80, s11, s15, $0xb8;
	[tilespmem:$0x1F380] =	vst v63  }
0x2c: {  	s25 =	simm.s32 $0xA0  }
0x2d: {  	[tilespmem:s24], [sflag:$0x2] =	stream.indirect.gather [hbm4b:s2+s15], $0x80, s25, s15, $0xb8;
	[tilespmem:$0x1F380] =	vst v63  }
0x2e: {  	_ =	swait.ge [sflag:s22], $0x1400  }
0x2f: {  	[sflag:s22] =	ssyncset.done $0x0  }
0x30: {  	s28 =	simm.s32 $0x2828;
	[sflag:s22] =	ssyncadd.s32 $0xFFFFEC00  }
0x31: {  	[spmem:s3] =	stream.indirect.scatter.add.f32 [tilespmem:s17], [sflag:$0x3], $0x80, s28, s15, $0xb8;
	[tilespmem:$0x1F380] =	vst v63  }
0x32: {  	_ =	swait.ge [sflag:s26], $0x1400  }
0x33: {  	[sflag:s26] =	ssyncset.done $0x0  }
0x34: {  	s25 =	simm.s32 $0xC8;
	[sflag:s26] =	ssyncadd.s32 $0xFFFFEC00  }
0x35: {  	[tilespmem:s16], [sflag:$0x2] =	stream.indirect.gather [hbm4b:s2+s15], $0x80, s25, s15, $0xb8;
	[tilespmem:$0x1F380] =	vst v63  }
0x36: {  	_ =	swait.ge [sflag:s22], $0x1400  }
0x37: {  	[sflag:s22] =	ssyncset.done $0x0  }
0x38: {  	[sflag:s22] =	ssyncadd.s32 $0xFFFFEC00  }
0x39: {  	[spmem:s3] =	stream.indirect.scatter.add.f32 [tilespmem:s19], [sflag:$0x3], $0x80, s29, s15, $0xb8;
	[tilespmem:$0x1F380] =	vst v63  }
0x3a: {  	_ =	swait.ge [sflag:s26], $0x1400  }
0x3b: {  	[sflag:s26] =	ssyncset.done $0x0  }
0x3c: {  	[sflag:s26] =	ssyncadd.s32 $0xFFFFEC00  }
0x3d: {  	[tilespmem:s17], [sflag:$0x2] =	stream.indirect.gather [hbm4b:s2+s15], $0x80, s30, s15, $0xb8;
	[tilespmem:$0x1F380] =	vst v63  }
0x3e: {  	_ =	swait.ge [sflag:s22], $0x1400  }
0x3f: {  	[sflag:s22] =	ssyncset.done $0x0  }
0x40: {  	[sflag:s22] =	ssyncadd.s32 $0xFFFFEC00  }
0x41: {  	[spmem:s3] =	stream.indirect.scatter.add.f32 [tilespmem:s21], [sflag:$0x3], $0x80, s31, s15, $0xb8;
	[tilespmem:$0x1F380] =	vst v63  }
0x42: {  	_ =	swait.ge [sflag:s26], $0x1400  }
0x43: {  	[sflag:s26] =	ssyncset.done $0x0  }
0x44: {  	[sflag:s26] =	ssyncadd.s32 $0xFFFFEC00  }
0x45: {  	[tilespmem:s19], [sflag:$0x2] =	stream.indirect.gather [hbm4b:s2+s15], $0x80, s1, s15, $0xb8;
	[tilespmem:$0x1F380] =	vst v63  }
0x46: {  	_ =	swait.ge [sflag:s22], $0x1400  }
0x47: {  	[sflag:s22] =	ssyncset.done $0x0  }
0x48: {  	[sflag:s22] =	ssyncadd.s32 $0xFFFFEC00  }
0x49: {  	[spmem:s3] =	stream.indirect.scatter.add.f32 [tilespmem:s24], [sflag:$0x3], $0x80, s0, s15, $0xb8;
	[tilespmem:$0x1F380] =	vst v63  }
0x4a: {  	_ =	swait.ge [sflag:s26], $0x1400  }
0x4b: {  	[sflag:s26] =	ssyncset.done $0x0  }
0x4c: {  	[sflag:s26] =	ssyncadd.s32 $0xFFFFEC00  }
0x4d: {  	[tilespmem:s21], [sflag:$0x2] =	stream.indirect.gather [hbm4b:s2+s15], $0x80, s18, s15, $0xb8;
	[tilespmem:$0x1F380] =	vst v63  }
0x4e: {  	_ =	swait.ge [sflag:s22], $0x1400  }
0x4f: {  	[sflag:s22] =	ssyncset.done $0x0  }
0x50: {  	s28 =	simm.s32 $0x28C8;
	[sflag:s22] =	ssyncadd.s32 $0xFFFFEC00  }
0x51: {  	[spmem:s3] =	stream.indirect.scatter.add.f32 [tilespmem:s16], [sflag:$0x3], $0x80, s28, s15, $0xb8;
	[tilespmem:$0x1F380] =	vst v63  }
0x52: {  	_ =	swait.ge [sflag:s26], $0x1400  }
0x53: {  	[sflag:s26] =	ssyncset.done $0x0  }
0x54: {  	s25 =	simm.s32 $0x168;
	[sflag:s26] =	ssyncadd.s32 $0xFFFFEC00  }
0x55: {  	[tilespmem:s24], [sflag:$0x2] =	stream.indirect.gather [hbm4b:s2+s15], $0x80, s25, s15, $0xb8;
	[tilespmem:$0x1F380] =	vst v63  }
0x56: {  	_ =	swait.ge [sflag:s22], $0x1400  }
0x57: {  	[sflag:s22] =	ssyncset.done $0x0  }
0x58: {  	s28 =	simm.s32 $0x28F0;
	[sflag:s22] =	ssyncadd.s32 $0xFFFFEC00  }
0x59: {  	[spmem:s3] =	stream.indirect.scatter.add.f32 [tilespmem:s17], [sflag:$0x3], $0x80, s28, s15, $0xb8;
	[tilespmem:$0x1F380] =	vst v63  }
0x5a: {  	_ =	swait.ge [sflag:s26], $0x1400  }
0x5b: {  	[sflag:s26] =	ssyncset.done $0x0  }
0x5c: {  	s25 =	simm.s32 $0x190;
	[sflag:s26] =	ssyncadd.s32 $0xFFFFEC00  }
0x5d: {  	[tilespmem:s16], [sflag:$0x2] =	stream.indirect.gather [hbm4b:s2+s15], $0x80, s25, s15, $0xb8;
	[tilespmem:$0x1F380] =	vst v63  }
0x5e: {  	_ =	swait.ge [sflag:s22], $0x1400  }
0x5f: {  	[sflag:s22] =	ssyncset.done $0x0  }
0x60: {  	s28 =	simm.s32 $0x2918;
	[sflag:s22] =	ssyncadd.s32 $0xFFFFEC00  }
0x61: {  	[spmem:s3] =	stream.indirect.scatter.add.f32 [tilespmem:s19], [sflag:$0x3], $0x80, s28, s15, $0xb8;
	[tilespmem:$0x1F380] =	vst v63  }
0x62: {  	_ =	swait.ge [sflag:s26], $0x1400  }
0x63: {  	[sflag:s26] =	ssyncset.done $0x0  }
0x64: {  	s25 =	simm.s32 $0x1B8;
	[sflag:s26] =	ssyncadd.s32 $0xFFFFEC00  }
0x65: {  	[tilespmem:s17], [sflag:$0x2] =	stream.indirect.gather [hbm4b:s2+s15], $0x80, s25, s15, $0xb8;
	[tilespmem:$0x1F380] =	vst v63  }
0x66: {  	_ =	swait.ge [sflag:s22], $0x1400  }
0x67: {  	[sflag:s22] =	ssyncset.done $0x0  }
0x68: {  	s28 =	simm.s32 $0x2940;
	[sflag:s22] =	ssyncadd.s32 $0xFFFFEC00  }
0x69: {  	[spmem:s3] =	stream.indirect.scatter.add.f32 [tilespmem:s21], [sflag:$0x3], $0x80, s28, s15, $0xb8;
	[tilespmem:$0x1F380] =	vst v63  }
0x6a: {  	_ =	swait.ge [sflag:s26], $0x1400  }
0x6b: {  	[sflag:s26] =	ssyncset.done $0x0  }
0x6c: {  	s25 =	simm.s32 $0x1E0;
	[sflag:s26] =	ssyncadd.s32 $0xFFFFEC00  }
0x6d: {  	[tilespmem:s19], [sflag:$0x2] =	stream.indirect.gather [hbm4b:s2+s15], $0x80, s25, s15, $0xb8;
	[tilespmem:$0x1F380] =	vst v63  }
0x6e: {  	_ =	swait.ge [sflag:s22], $0x1400  }
0x6f: {  	[sflag:s22] =	ssyncset.done $0x0  }
0x70: {  	s28 =	simm.s32 $0x2968;
	[sflag:s22] =	ssyncadd.s32 $0xFFFFEC00  }
0x71: {  	[spmem:s3] =	stream.indirect.scatter.add.f32 [tilespmem:s24], [sflag:$0x3], $0x80, s28, s15, $0xb8;
	[tilespmem:$0x1F380] =	vst v63  }
0x72: {  	_ =	swait.ge [sflag:s26], $0x1400  }
0x73: {  	[sflag:s26] =	ssyncset.done $0x0  }
0x74: {  	s23 =	simm.s32 $0x320;
	s25 =	simm.s32 $0x208;
	[sflag:s26] =	ssyncadd.s32 $0xFFFFEC00  }
.LBB2_2:
0x75: {  	[tilespmem:s21], [sflag:$0x2] =	stream.indirect.gather [hbm4b:s2+s15], $0x80, s25, s15, $0xb8;
	[tilespmem:$0x1F380] =	vst v63  }
0x76: {  	s25 =	smov.u32 s23  }
0x77: {  	p0 =	sne.s32 s23, $0x9600;
	s23 =	sadd.s32 $0x320, s23;
	_ =	swait.ge [sflag:s22], $0x1400  }
0x78: {  	s25 =	sshra.s32 s25, $0x2;
	[sflag:s22] =	ssyncset.done $0x0  }
0x79: {  	s28 =	sadd.s32 $0x28C8, s25;
	[sflag:s22] =	ssyncadd.s32 $0xFFFFEC00  }
0x7a: {  	[spmem:s3] =	stream.indirect.scatter.add.f32 [tilespmem:s16], [sflag:$0x3], $0x80, s28, s15, $0xb8;
	[tilespmem:$0x1F380] =	vst v63  }
0x7b: {  	_ =	swait.ge [sflag:s26], $0x1400  }
0x7c: {  	[sflag:s26] =	ssyncset.done $0x0  }
0x7d: {  	s28 =	sadd.s32 $0x168, s25;
	[sflag:s26] =	ssyncadd.s32 $0xFFFFEC00  }
0x7e: {  	[tilespmem:s24], [sflag:$0x2] =	stream.indirect.gather [hbm4b:s2+s15], $0x80, s28, s15, $0xb8;
	[tilespmem:$0x1F380] =	vst v63  }
0x7f: {  	_ =	swait.ge [sflag:s22], $0x1400  }
0x80: {  	[sflag:s22] =	ssyncset.done $0x0  }
0x81: {  	s28 =	sadd.s32 $0x28F0, s25;
	[sflag:s22] =	ssyncadd.s32 $0xFFFFEC00  }
0x82: {  	[spmem:s3] =	stream.indirect.scatter.add.f32 [tilespmem:s17], [sflag:$0x3], $0x80, s28, s15, $0xb8;
	[tilespmem:$0x1F380] =	vst v63  }
0x83: {  	_ =	swait.ge [sflag:s26], $0x1400  }
0x84: {  	[sflag:s26] =	ssyncset.done $0x0  }
0x85: {  	s28 =	sadd.s32 $0x190, s25;
	[sflag:s26] =	ssyncadd.s32 $0xFFFFEC00  }
0x86: {  	[tilespmem:s16], [sflag:$0x2] =	stream.indirect.gather [hbm4b:s2+s15], $0x80, s28, s15, $0xb8;
	[tilespmem:$0x1F380] =	vst v63  }
0x87: {  	_ =	swait.ge [sflag:s22], $0x1400  }
0x88: {  	[sflag:s22] =	ssyncset.done $0x0  }
0x89: {  	s28 =	sadd.s32 $0x2918, s25;
	[sflag:s22] =	ssyncadd.s32 $0xFFFFEC00  }
0x8a: {  	[spmem:s3] =	stream.indirect.scatter.add.f32 [tilespmem:s19], [sflag:$0x3], $0x80, s28, s15, $0xb8;
	[tilespmem:$0x1F380] =	vst v63  }
0x8b: {  	_ =	swait.ge [sflag:s26], $0x1400  }
0x8c: {  	[sflag:s26] =	ssyncset.done $0x0  }
0x8d: {  	s28 =	sadd.s32 $0x1B8, s25;
	[sflag:s26] =	ssyncadd.s32 $0xFFFFEC00  }
0x8e: {  	[tilespmem:s17], [sflag:$0x2] =	stream.indirect.gather [hbm4b:s2+s15], $0x80, s28, s15, $0xb8;
	[tilespmem:$0x1F380] =	vst v63  }
0x8f: {  	_ =	swait.ge [sflag:s22], $0x1400  }
0x90: {  	[sflag:s22] =	ssyncset.done $0x0  }
0x91: {  	s28 =	sadd.s32 $0x2940, s25;
	[sflag:s22] =	ssyncadd.s32 $0xFFFFEC00  }
0x92: {  	[spmem:s3] =	stream.indirect.scatter.add.f32 [tilespmem:s21], [sflag:$0x3], $0x80, s28, s15, $0xb8;
	[tilespmem:$0x1F380] =	vst v63  }
0x93: {  	_ =	swait.ge [sflag:s26], $0x1400  }
0x94: {  	[sflag:s26] =	ssyncset.done $0x0  }
0x95: {  	s28 =	sadd.s32 $0x1E0, s25;
	[sflag:s26] =	ssyncadd.s32 $0xFFFFEC00  }
0x96: {  	[tilespmem:s19], [sflag:$0x2] =	stream.indirect.gather [hbm4b:s2+s15], $0x80, s28, s15, $0xb8;
	[tilespmem:$0x1F380] =	vst v63  }
0x97: {  	_ =	swait.ge [sflag:s22], $0x1400  }
0x98: {  	[sflag:s22] =	ssyncset.done $0x0  }
.Ltmp0:
0x99: {  	s28 =	sadd.s32 $0x2968, s25;
	[sflag:s22] =	ssyncadd.s32 $0xFFFFEC00;
	(pc) =	sbr.rel @p0 .LBB2_2-.Ltmp0, $4  }
0x9a: {  	[spmem:s3] =	stream.indirect.scatter.add.f32 [tilespmem:s24], [sflag:$0x3], $0x80, s28, s15, $0xb8;
	[tilespmem:$0x1F380] =	vst v63  }
0x9b: {  	_ =	swait.ge [sflag:s26], $0x1400  }
0x9c: {  	[sflag:s26] =	ssyncset.done $0x0  }
0x9d: {  	s25 =	sadd.s32 $0x208, s25;
	[sflag:s26] =	ssyncadd.s32 $0xFFFFEC00  }
0x9e: {  	[tilespmem:s21], [sflag:$0x2] =	stream.indirect.gather [hbm4b:s2+s15], $0x80, s25, s15, $0xb8;
	[tilespmem:$0x1F380] =	vst v63  }
0x9f: {  	_ =	swait.ge [sflag:s22], $0x1400  }
0xa0: {  	[sflag:s22] =	ssyncset.done $0x0  }
0xa1: {  	[sflag:s22] =	ssyncadd.s32 $0xFFFFEC00  }
0xa2: {  	_ =	swait.ge [sflag:s22], $0x1400  }
0xa3: {  	[sflag:s22] =	ssyncset.done $0x0  }
0xa4: {  	[sflag:s22] =	ssyncadd.s32 $0xFFFFEC00  }
0xa5: {  	_ =	swait.ge [sflag:s22], $0x1400  }
0xa6: {  	[sflag:s22] =	ssyncset.done $0x0  }
0xa7: {  	[sflag:s22] =	ssyncadd.s32 $0xFFFFEC00  }
0xa8: {  	_ =	swait.ge [sflag:s22], $0x1400  }
0xa9: {  	[sflag:s22] =	ssyncset.done $0x0  }
0xaa: {  	[sflag:s22] =	ssyncadd.s32 $0xFFFFEC00  }
0xab: {  	_ =	swait.ge [sflag:s26], $0x1400  }
0xac: {  	s20 =	sadd.s32 $0x1, s20;
	[sflag:s26] =	ssyncset.done $0x0  }
0xad: {  	p0 =	sne.s32 s20, s10;
	[sflag:s26] =	ssyncadd.s32 $0xFFFFEC00  }
.Ltmp1:
0xae: {  	[bflag:$0x0] =	sbarrier.arrive $0xFFFF;
	(pc) =	sbr.rel @p0 .LBB2_1-.Ltmp1, $4  }
0xaf: {  	[hbm:s9], [sflag:s8] =	dma.local [spmem:s12], $0x2800  }
0xb0: {  	_ =	swait.ge [sflag:s13], $0x2800  }
0xb1: {  	[sflag:s13] =	ssyncset.done $0x0  }
0xb2: {  	[sflag:s13] =	ssyncadd.s32 $0xFFFFD800  }
0xb3: {  	_ =	sfence.sel $0x180000  }
0xb4: {  	[bflag:$0x0] =	sbarrier.arrive $0xFFFF  }
0xb5: {  	_ =	strace $0x9000004A  }
0xb6: {  	s0 =	stileid.u32;
	[bflag:$0x2] =	sbarrier.arrive $0xFFFF  }
0xb7: {  	p0 =	sne.s32 s0, $0x0;
	s0 =	rddreg [dreg:$0x3]  }
0xb8: {  	s0 =	sadd.s32 @!p0 $0x100000, s0  }
0xb9: {  	[sflag:s0] =	ssyncadd.tile.s32 @!p0 $0x1;
	_ =	shalt  }
.Lfunc_end2:
_tile_overlayer_lowered:
.L_overlay_start_2:
0xba: {  	(tag) =	ssettag $0x2  }
0xbb: {  	s0 =	rddreg [dreg:$0x0];
	s2 =	stileid.u32  }
0xbc: {  	s1 =	rddreg [dreg:$0x1];
	p0 =	sne.s32 s2, $0x0  }
0xbd: {  	s3 =	rddreg [dreg:$0x2];
	[bflag:$0x3] =	sbarrier.arrive $0xFFFF;
	s2 =	simm.s32 @!p0 $0x1C04  }
0xbe: {  	[timem:s3], [sflag:s2] =	dma.local @!p0 [hbm:s0], s1  }
0xbf: {  	s0 =	simm.s32 @!p0 $0x4  }
0xc0: {  	_ =	swait.ge @!p0 [sflag:s0], s1  }
0xc1: {  	s1 =	ssub.s32 @!p0 $0x0, s1;
	[sflag:s0] =	ssyncset.done @!p0 $0x0  }
0xc2: {  	[sflag:s0] =	ssyncadd.s32 @!p0 s1  }
0xc3: {  	[bflag:$0x3] =	sbarrier.arrive $0xFFFF  }
0xc4: {  	_ =	shalt  }

</sc_bundles>
